<compile_context>
chip_gen: v7x
topology: tpu7x:2x2x1
jax: 0.10.2.dev20260603
libtpu: 0.0.44.dev20260713+nightly
codegen_flags: <defaults>
</compile_context>

<pallas_src>
import functools

import jax
import jax.numpy as jnp
from jax import lax
from jax.experimental import pallas as pl
from jax.experimental.pallas import tpu as pltpu
from jax.experimental.pallas import tpu_sc as plsc

_L, _B, _S, _H, _D = 2, 1, 2048, 12, 64
_WINDOW = 128
_K = 1024
_ROW = _H * _D


def _cumsum_lanes(x):
    k = 1
    while k < _S:
        sh = jnp.concatenate([jnp.zeros((1, k), jnp.int32), x[:, :-k]], axis=1)
        x = x + sh
        k *= 2
    return x


def _select_body(attn_ref, kept_ref, csum_ref):
    score = None
    for w in range(3):
        chain = None
        for t in range(16):
            for h in range(4):
                v = attn_ref[0, 4 * w + h, 0, pl.ds(8 * t, 8), :]
                chain = v if chain is None else chain + v
        r4 = chain[0:4] + chain[4:8]
        r2 = r4[0:2] + r4[2:4]
        tw = r2[0:1] + r2[1:2]
        score = tw if score is None else score + tw

    m = jnp.max(score)
    sn = jnp.where(m > 0, score / m, score)

    b = lax.bitcast_convert_type(sn, jnp.int32)
    ks = jnp.where(b < 0, jnp.bitwise_xor(b, jnp.int32(0x7FFFFFFF)), b)

    cntpos = jnp.sum((ks >= 0).astype(jnp.int32))
    t = jnp.where(cntpos >= _K, jnp.int32(0), jnp.int32(-2147483648))
    for bit in range(30, -1, -1):
        cand = jnp.bitwise_or(t, jnp.int32(1 << bit))
        cnt = jnp.sum((ks >= cand).astype(jnp.int32))
        t = jnp.where(cnt >= _K, cand, t)

    gt = ks > t
    cnt_gt = jnp.sum(gt.astype(jnp.int32))
    need = _K - cnt_gt
    eq = ks == t
    rank_eq = _cumsum_lanes(eq.astype(jnp.int32))
    kept = jnp.logical_or(gt, jnp.logical_and(eq, rank_eq <= need))
    kept_i = kept.astype(jnp.int32)
    kept_ref[0] = kept_i
    csum_ref[0] = _cumsum_lanes(kept_i)


def _select(attn, interpret=False):
    kept, csum = pl.pallas_call(
        _select_body,
        grid=(_L,),
        in_specs=[pl.BlockSpec((1, _H, 1, _WINDOW, _S),
                               lambda l: (l, 0, 0, _S // _WINDOW - 1, 0))],
        out_specs=[pl.BlockSpec((1, 1, _S), lambda l: (l, 0, 0)),
                   pl.BlockSpec((1, 1, _S), lambda l: (l, 0, 0))],
        out_shape=[jax.ShapeDtypeStruct((_L, 1, _S), jnp.int32),
                   jax.ShapeDtypeStruct((_L, 1, _S), jnp.int32)],
        interpret=interpret,
    )(attn)
    return kept.reshape(_L, _S), csum.reshape(_L, _S)


@functools.lru_cache(maxsize=1)
def _make_gather():
    mesh = plsc.VectorSubcoreMesh(core_axis_name="c", subcore_axis_name="s")

    @functools.partial(
        pl.kernel,
        mesh=mesh,
        compiler_params=pltpu.CompilerParams(needs_layout_passes=False),
        out_type=jax.ShapeDtypeStruct((2 * _L * _H * 8, 8 * _K), jnp.float32),
        scratch_types=[
            pltpu.VMEM((_L * _S,), jnp.int32),
            pltpu.VMEM((_L * _S,), jnp.int32),
            pltpu.VMEM((_L * _K,), jnp.int32),
            pltpu.VMEM((16 * 1024,), jnp.float32),
            pltpu.VMEM((8 * _K,), jnp.float32),
            pltpu.SemaphoreType.DMA,
        ],
    )
    def gather(csum_hbm, kept_hbm, key_g, val_g, out_hbm,
               c_v, k_v, tok_v, in_v, out_v, sem):
        cid = lax.axis_index("c")
        sid = lax.axis_index("s")
        wid = sid * 2 + cid

        pltpu.sync_copy(csum_hbm, c_v)
        pltpu.sync_copy(kept_hbm, k_v)

        def compact(j, carry):
            lay = j // 128
            c16 = c_v[pl.ds(j * 16, 16)]
            k16 = k_v[pl.ds(j * 16, 16)]
            tok16 = lax.iota(jnp.int32, 16) + (j % 128) * 16
            plsc.store_scatter(tok_v, [c16 - 1 + lay * _K], tok16,
                               mask=(k16 == 1))
            return carry

        lax.fori_loop(0, _L * _S // 16, compact, jnp.int32(0))

        for tsel, tbl in ((0, key_g), (1, val_g)):
            def row_block(gj, carry, tbl=tbl, tsel=tsel):
                ri = 6 * wid + gj
                tbase = (ri // 96) * _K

                pltpu.sync_copy(tbl.at[ri], in_v)

                def r_body(r, carry2):
                    rrow = r * 2048

                    def chunk_body(c8, carry3):
                        for u in range(8):
                            c = c8 * 8 + u
                            off = tok_v[pl.ds(tbase + c * 16, 16)] + rrow
                            g16 = plsc.load_gather(in_v, [off])
                            out_v[pl.ds(r * 1024 + c * 16, 16)] = g16
                        return carry3

                    lax.fori_loop(0, 8, chunk_body, jnp.int32(0))
                    return carry2

                lax.fori_loop(0, 8, r_body, jnp.int32(0))
                pltpu.sync_copy(out_v, out_hbm.at[tsel * 192 + ri])
                return carry

            lax.fori_loop(0, 6, row_block, jnp.int32(0))

    return gather


def kernel(key_cache, value_cache, attention_matrices):
    kept, csum = _select(attention_matrices)

    def to_rows(cache):
        g = cache.transpose(0, 1, 3, 4, 2)
        g = g.reshape(_L, _B, _H, 8, 8, 16, 128)
        g = g.transpose(0, 1, 2, 4, 3, 5, 6)
        return g.reshape(_L * _H * 8, 8 * _S)

    out = _make_gather()(csum.reshape(_L * _S), kept.reshape(_L * _S),
                         to_rows(key_cache), to_rows(value_cache))
    res = out.reshape(2, _L, _H, 8, 8, _K)
    res = res.transpose(0, 1, 5, 2, 4, 3)
    res = res.reshape(2, _L, _K, _H, _D)
    return jnp.expand_dims(res, 2)

# --- scband reference (transcript-rebuilt; emitter-appended) ---
"""Pipeline reference for scband-dynamic-kvcompressor-75376676045039 (READ-ONLY COPY).

The authoritative reference and input builder live on the scoring server;
editing this copy changes nothing except your own understanding.
"""

import jax, jax.numpy as jnp
import numpy as np

L, B, S, H, D = 2, 1, 2048, 12, 64
WINDOW = 128
# layer budgets per _compute_layer_budgets with global_budget=2048, decay=1.0, num_layers=2:
# raw=[2048,2048], total=4096 -> each int(2048*2048/4096)=1024, sum=2048 -> no trimming
BUDGETS = [1024, 1024]


def setup_inputs(seed: int = 0) -> dict:
    key = jax.random.key(seed)
    k1, k2, k3 = jax.random.split(key, 3)
    key_cache = jax.random.normal(k1, (L, B, S, H, D), dtype=jnp.float32)
    value_cache = jax.random.normal(k2, (L, B, S, H, D), dtype=jnp.float32)
    attention_matrices = jax.random.normal(k3, (L, H, B, S, S), dtype=jnp.float32)
    return {"key_cache": key_cache, "value_cache": value_cache, "attention_matrices": attention_matrices}


def reference(key_cache, value_cache, attention_matrices):
    lookback_start = max(0, S - WINDOW)
    comp_keys = []
    comp_vals = []
    for layer in range(L):
        # compute_token_scores: sum over heads of attn[:, lookback:S, :S].sum(dim=1) -> (B, S)
        attn_l = attention_matrices[layer]  # (H, B, S, S)
        scores = jnp.sum(attn_l[:, :, lookback_start:S, :S], axis=2)  # (H, B, S)
        scores = jnp.sum(scores, axis=0)  # (B, S)
        m = jnp.max(scores)
        scores = jnp.where(m > 0, scores / m, scores)
        # sort indices are non-differentiable; scores only feed index selection
        s = jax.lax.stop_gradient(scores)
        sorted_indices = jnp.argsort(-s, axis=1)  # descending sort
        keep_top_k = min(BUDGETS[layer], S)
        keep_indices = sorted_indices[:, :keep_top_k]
        keep_indices = jnp.sort(keep_indices, axis=1)  # (B, K)
        idx_e = jnp.broadcast_to(keep_indices[:, :, None, None], (B, keep_top_k, H, D))
        ck = jnp.take_along_axis(key_cache[layer], idx_e, axis=1)  # (B, K, H, D)
        cv = jnp.take_along_axis(value_cache[layer], idx_e, axis=1)
        comp_keys.append(ck)
        comp_vals.append(cv)
    # stack layers (equal budgets), then stack keys/values -> (2, L, B, K, H, D)
    return jnp.stack([jnp.stack(comp_keys, axis=0), jnp.stack(comp_vals, axis=0)], axis=0)

if __name__ == "__main__":
    import jax
    _d = setup_inputs()
    print(jax.jit(kernel)(*tuple(_d.values())))

</pallas_src>

<mosaic_0001>
#map = affine_map<(d0, d1) -> (0)>
#map1 = affine_map<(d0, d1) -> (0, 0)>
module attributes {stable_mosaic.version = 14 : i64} {
  func.func @gather(%arg0: i32, %arg1: i32, %arg2: memref<4096xi32, #tpu.memory_space<hbm>>, %arg3: memref<4096xi32, #tpu.memory_space<hbm>>, %arg4: memref<192x16384xf32, #tpu.memory_space<hbm>>, %arg5: memref<192x16384xf32, #tpu.memory_space<hbm>>, %arg6: memref<384x8192xf32, #tpu.memory_space<hbm>>, %arg7: memref<4096xi32, #tpu.memory_space<vmem>>, %arg8: memref<4096xi32, #tpu.memory_space<vmem>>, %arg9: memref<2048xi32, #tpu.memory_space<vmem>>, %arg10: memref<16384xf32, #tpu.memory_space<vmem>>, %arg11: memref<8192xf32, #tpu.memory_space<vmem>>, %arg12: memref<!tpu.dma_semaphore, #tpu.memory_space<semaphore_mem>>) attributes {dimension_semantics = [#tpu.dimension_semantics<core_parallel>, #tpu.dimension_semantics<subcore_parallel>], iteration_bounds = array<i64: 2, 16>, scalar_prefetch = 0 : i64, scratch_operands = 6 : i64, tpu.core_type = #tpu.core_type<sc_vector_subcore>, window_params = [{transform_indices = #map}, {transform_indices = #map}, {transform_indices = #map1}, {transform_indices = #map1}, {transform_indices = #map1}]} {
    %mul3A = arith.constant 2 : i32
    %mul3A_0 = arith.muli %arg1, %mul3A : i32
    %add3A = arith.addi %mul3A_0, %arg0 : i32
    "tpu.region"() ({
      %run_scoped3A = tpu.sem_alloc : memref<!tpu.dma_semaphore, #tpu.memory_space<semaphore_mem>>
      tpu.enqueue_dma source(%arg2 : memref<4096xi32, #tpu.memory_space<hbm>>) target(%arg7 : memref<4096xi32, #tpu.memory_space<vmem>>) target_semaphore(%run_scoped3A : memref<!tpu.dma_semaphore, #tpu.memory_space<semaphore_mem>>)
      tpu.wait_dma2 semaphore(%run_scoped3A : memref<!tpu.dma_semaphore, #tpu.memory_space<semaphore_mem>>) src(%arg2 : memref<4096xi32, #tpu.memory_space<hbm>>) dst(%arg7 : memref<4096xi32, #tpu.memory_space<vmem>>)
      tpu.yield
    }) : () -> ()
    "tpu.region"() ({
      %run_scoped3A = tpu.sem_alloc : memref<!tpu.dma_semaphore, #tpu.memory_space<semaphore_mem>>
      tpu.enqueue_dma source(%arg3 : memref<4096xi32, #tpu.memory_space<hbm>>) target(%arg8 : memref<4096xi32, #tpu.memory_space<vmem>>) target_semaphore(%run_scoped3A : memref<!tpu.dma_semaphore, #tpu.memory_space<semaphore_mem>>)
      tpu.wait_dma2 semaphore(%run_scoped3A : memref<!tpu.dma_semaphore, #tpu.memory_space<semaphore_mem>>) src(%arg3 : memref<4096xi32, #tpu.memory_space<hbm>>) dst(%arg8 : memref<4096xi32, #tpu.memory_space<vmem>>)
      tpu.yield
    }) : () -> ()
    %scan3A = arith.constant 0 : i32
    %scan3A_1 = arith.constant 0 : i32
    %scan3A_2 = arith.constant 256 : i32
    %scan3A_3 = arith.addi %scan3A_1, %scan3A_2 : i32
    %scan3A_4 = arith.constant 1 : i32
    scf.for %scan3A_18 = %scan3A_1 to %scan3A_3 step %scan3A_4  : i32 {
      %jit3A = arith.constant 128 : i32
      %div3A = arith.divsi %scan3A_18, %jit3A : i32
      %sign3A = arith.constant 0 : i32
      %sign3A_19 = arith.cmpi sgt, %scan3A_18, %sign3A : i32
      %sign3A_20 = arith.extui %sign3A_19 : i1 to i32
      %sign3A_21 = arith.constant 0 : i32
      %sign3A_22 = arith.cmpi slt, %scan3A_18, %sign3A_21 : i32
      %sign3A_23 = arith.extui %sign3A_22 : i1 to i32
      %sign3A_24 = arith.subi %sign3A_20, %sign3A_23 : i32
      %sign3A_25 = arith.constant 0 : i32
      %sign3A_26 = arith.cmpi sgt, %jit3A, %sign3A_25 : i32
      %sign3A_27 = arith.extui %sign3A_26 : i1 to i32
      %sign3A_28 = arith.constant 0 : i32
      %sign3A_29 = arith.cmpi slt, %jit3A, %sign3A_28 : i32
      %sign3A_30 = arith.extui %sign3A_29 : i1 to i32
      %sign3A_31 = arith.subi %sign3A_27, %sign3A_30 : i32
      %ne3A = arith.cmpi ne, %sign3A_24, %sign3A_31 : i32
      %rem3A = arith.remsi %scan3A_18, %jit3A : i32
      %ne3A_32 = arith.constant 0 : i32
      %ne3A_33 = arith.cmpi ne, %rem3A, %ne3A_32 : i32
      %and3A = arith.andi %ne3A, %ne3A_33 : i1
      %sub3A = arith.constant 1 : i32
      %sub3A_34 = arith.subi %div3A, %sub3A : i32
      %select_n3A = arith.select %and3A, %sub3A_34, %div3A : i32
      %mul3A_35 = arith.constant 16 : i32
      %mul3A_36 = arith.muli %scan3A_18, %mul3A_35 : i32
      %get3A = arith.index_cast %mul3A_36 : i32 to index
      %get3A_37 = tpu.vector_load %arg7[%get3A] {strides = array<i32>} : memref<4096xi32, #tpu.memory_space<vmem>>, vector<16xi32>,
      %mul3A_38 = arith.constant 16 : i32
      %mul3A_39 = arith.muli %scan3A_18, %mul3A_38 : i32
      %get3A_40 = arith.index_cast %mul3A_39 : i32 to index
      %get3A_41 = tpu.vector_load %arg8[%get3A_40] {strides = array<i32>} : memref<4096xi32, #tpu.memory_space<vmem>>, vector<16xi32>,
      %iota3A = tpu.iota {dimensions = array<i32: 0>} : vector<16xi32>
      %jit3A_42 = arith.constant 128 : i32
      %eq3A = arith.constant 0 : i32
      %eq3A_43 = arith.cmpi eq, %jit3A_42, %eq3A : i32
      %jit3A_44 = arith.constant 1 : i32
      %select_n3A_45 = arith.select %eq3A_43, %jit3A_44, %jit3A_42 : i32
      %rem3A_46 = arith.remsi %scan3A_18, %select_n3A_45 : i32
      %ne3A_47 = arith.constant 0 : i32
      %ne3A_48 = arith.cmpi ne, %rem3A_46, %ne3A_47 : i32
      %lt3A = arith.constant 0 : i32
      %lt3A_49 = arith.cmpi slt, %rem3A_46, %lt3A : i32
      %lt3A_50 = arith.constant 0 : i32
      %lt3A_51 = arith.cmpi slt, %select_n3A_45, %lt3A_50 : i32
      %ne3A_52 = arith.xori %lt3A_49, %lt3A_51 : i1
      %and3A_53 = arith.andi %ne3A_52, %ne3A_48 : i1
      %add3A_54 = arith.addi %rem3A_46, %select_n3A_45 : i32
      %select_n3A_55 = arith.select %and3A_53, %add3A_54, %rem3A_46 : i32
      %mul3A_56 = arith.constant 16 : i32
      %mul3A_57 = arith.muli %select_n3A_55, %mul3A_56 : i32
      %add3A_58 = vector.broadcast %mul3A_57 : i32 to vector<16xi32>
      %add3A_59 = arith.addi %iota3A, %add3A_58 : vector<16xi32>
      %sub3A_60 = arith.constant 1 : i32
      %sub3A_61 = vector.broadcast %sub3A_60 : i32 to vector<16xi32>
      %sub3A_62 = arith.subi %get3A_37, %sub3A_61 : vector<16xi32>
      %mul3A_63 = arith.constant 1024 : i32
      %mul3A_64 = arith.muli %select_n3A, %mul3A_63 : i32
      %add3A_65 = vector.broadcast %mul3A_64 : i32 to vector<16xi32>
      %add3A_66 = arith.addi %sub3A_62, %add3A_65 : vector<16xi32>
      %eq3A_67 = arith.constant 1 : i32
      %eq3A_68 = vector.broadcast %eq3A_67 : i32 to vector<16xi32>
      %eq3A_69 = arith.cmpi eq, %get3A_41, %eq3A_68 : vector<16xi32>
      tpu.vector_store_idx %arg9[%add3A_66], %add3A_59 masked %eq3A_69 : memref<2048xi32, #tpu.memory_space<vmem>>[vector<16xi32>], vector<16xi32>, vector<16xi1>
    }
    %scan3A_5 = arith.constant 256 : i32
    %scan3A_6 = arith.constant 0 : i32
    %scan3A_7 = arith.constant 0 : i32
    %scan3A_8 = arith.constant 6 : i32
    %scan3A_9 = arith.addi %scan3A_7, %scan3A_8 : i32
    %scan3A_10 = arith.constant 1 : i32
    scf.for %scan3A_18 = %scan3A_7 to %scan3A_9 step %scan3A_10  : i32 {
      %mul3A_19 = arith.constant 6 : i32
      %mul3A_20 = arith.muli %mul3A_19, %add3A : i32
      %add3A_21 = arith.addi %mul3A_20, %scan3A_18 : i32
      %jit3A = arith.constant 96 : i32
      %div3A = arith.divsi %add3A_21, %jit3A : i32
      %sign3A = arith.constant 0 : i32
      %sign3A_22 = arith.cmpi sgt, %add3A_21, %sign3A : i32
      %sign3A_23 = arith.extui %sign3A_22 : i1 to i32
      %sign3A_24 = arith.constant 0 : i32
      %sign3A_25 = arith.cmpi slt, %add3A_21, %sign3A_24 : i32
      %sign3A_26 = arith.extui %sign3A_25 : i1 to i32
      %sign3A_27 = arith.subi %sign3A_23, %sign3A_26 : i32
      %sign3A_28 = arith.constant 0 : i32
      %sign3A_29 = arith.cmpi sgt, %jit3A, %sign3A_28 : i32
      %sign3A_30 = arith.extui %sign3A_29 : i1 to i32
      %sign3A_31 = arith.constant 0 : i32
      %sign3A_32 = arith.cmpi slt, %jit3A, %sign3A_31 : i32
      %sign3A_33 = arith.extui %sign3A_32 : i1 to i32
      %sign3A_34 = arith.subi %sign3A_30, %sign3A_33 : i32
      %ne3A = arith.cmpi ne, %sign3A_27, %sign3A_34 : i32
      %rem3A = arith.remsi %add3A_21, %jit3A : i32
      %ne3A_35 = arith.constant 0 : i32
      %ne3A_36 = arith.cmpi ne, %rem3A, %ne3A_35 : i32
      %and3A = arith.andi %ne3A, %ne3A_36 : i1
      %sub3A = arith.constant 1 : i32
      %sub3A_37 = arith.subi %div3A, %sub3A : i32
      %select_n3A = arith.select %and3A, %sub3A_37, %div3A : i32
      %mul3A_38 = arith.constant 1024 : i32
      %mul3A_39 = arith.muli %select_n3A, %mul3A_38 : i32
      "tpu.region"() ({
        %run_scoped3A = tpu.sem_alloc : memref<!tpu.dma_semaphore, #tpu.memory_space<semaphore_mem>>
        %dma_start3A = arith.constant 0 : i32
        %dma_start3A_48 = tpu.memref_slice %arg4[%add3A_21, %dma_start3A] : memref<192x16384xf32, #tpu.memory_space<hbm>> -> memref<1x16384xf32, #tpu.memory_space<hbm>>
        %dma_start3A_49 = tpu.memref_squeeze %dma_start3A_48 : memref<1x16384xf32, #tpu.memory_space<hbm>> -> memref<16384xf32, #tpu.memory_space<hbm>>
        %dma_start3A_50 = arith.constant 0 : i32
        %dma_start3A_51 = tpu.memref_slice %arg4[%add3A_21, %dma_start3A_50] : memref<192x16384xf32, #tpu.memory_space<hbm>> -> memref<1x16384xf32, #tpu.memory_space<hbm>>
        %dma_start3A_52 = tpu.memref_squeeze %dma_start3A_51 : memref<1x16384xf32, #tpu.memory_space<hbm>> -> memref<16384xf32, #tpu.memory_space<hbm>>
        tpu.enqueue_dma source(%dma_start3A_52 : memref<16384xf32, #tpu.memory_space<hbm>>) target(%arg10 : memref<16384xf32, #tpu.memory_space<vmem>>) target_semaphore(%run_scoped3A : memref<!tpu.dma_semaphore, #tpu.memory_space<semaphore_mem>>)
        %dma_wait3A = arith.constant 0 : i32
        %dma_wait3A_53 = tpu.memref_slice %arg4[%add3A_21, %dma_wait3A] : memref<192x16384xf32, #tpu.memory_space<hbm>> -> memref<1x16384xf32, #tpu.memory_space<hbm>>
        %dma_wait3A_54 = tpu.memref_squeeze %dma_wait3A_53 : memref<1x16384xf32, #tpu.memory_space<hbm>> -> memref<16384xf32, #tpu.memory_space<hbm>>
        %dma_wait3A_55 = arith.constant 0 : i32
        %dma_wait3A_56 = tpu.memref_slice %arg4[%add3A_21, %dma_wait3A_55] : memref<192x16384xf32, #tpu.memory_space<hbm>> -> memref<1x16384xf32, #tpu.memory_space<hbm>>
        %dma_wait3A_57 = tpu.memref_squeeze %dma_wait3A_56 : memref<1x16384xf32, #tpu.memory_space<hbm>> -> memref<16384xf32, #tpu.memory_space<hbm>>
        tpu.wait_dma2 semaphore(%run_scoped3A : memref<!tpu.dma_semaphore, #tpu.memory_space<semaphore_mem>>) src(%dma_wait3A_57 : memref<16384xf32, #tpu.memory_space<hbm>>) dst(%arg10 : memref<16384xf32, #tpu.memory_space<vmem>>)
        tpu.yield
      }) : () -> ()
      %scan3A_40 = arith.constant 0 : i32
      %scan3A_41 = arith.constant 0 : i32
      %scan3A_42 = arith.constant 8 : i32
      %scan3A_43 = arith.addi %scan3A_41, %scan3A_42 : i32
      %scan3A_44 = arith.constant 1 : i32
      scf.for %scan3A_48 = %scan3A_41 to %scan3A_43 step %scan3A_44  : i32 {
        %mul3A_49 = arith.constant 2048 : i32
        %mul3A_50 = arith.muli %scan3A_48, %mul3A_49 : i32
        %scan3A_51 = arith.constant 0 : i32
        %scan3A_52 = arith.constant 0 : i32
        %scan3A_53 = arith.constant 8 : i32
        %scan3A_54 = arith.addi %scan3A_52, %scan3A_53 : i32
        %scan3A_55 = arith.constant 1 : i32
        scf.for %scan3A_57 = %scan3A_52 to %scan3A_54 step %scan3A_55  : i32 {
          %mul3A_58 = arith.constant 8 : i32
          %mul3A_59 = arith.muli %scan3A_57, %mul3A_58 : i32
          %add3A_60 = arith.constant 0 : i32
          %add3A_61 = arith.addi %mul3A_59, %add3A_60 : i32
          %mul3A_62 = arith.constant 16 : i32
          %mul3A_63 = arith.muli %add3A_61, %mul3A_62 : i32
          %add3A_64 = arith.addi %mul3A_39, %mul3A_63 : i32
          %get3A = arith.index_cast %add3A_64 : i32 to index
          %get3A_65 = tpu.vector_load %arg9[%get3A] {strides = array<i32>} : memref<2048xi32, #tpu.memory_space<vmem>>, vector<16xi32>,
          %add3A_66 = vector.broadcast %mul3A_50 : i32 to vector<16xi32>
          %add3A_67 = arith.addi %get3A_65, %add3A_66 : vector<16xi32>
          %gather3A = tpu.vector_load_idx %arg10[%add3A_67] : memref<16384xf32, #tpu.memory_space<vmem>>[vector<16xi32>], vector<16xf32>,
          %mul3A_68 = arith.constant 1024 : i32
          %mul3A_69 = arith.muli %scan3A_48, %mul3A_68 : i32
          %mul3A_70 = arith.constant 16 : i32
          %mul3A_71 = arith.muli %add3A_61, %mul3A_70 : i32
          %add3A_72 = arith.addi %mul3A_69, %mul3A_71 : i32
          %swap3A = arith.index_cast %add3A_72 : i32 to index
          %swap3A_73 = tpu.vector_load %arg11[%swap3A] {strides = array<i32>} : memref<8192xf32, #tpu.memory_space<vmem>>, vector<16xf32>,
          tpu.vector_store %arg11[%swap3A], %gather3A {strides = array<i32>} : memref<8192xf32, #tpu.memory_space<vmem>>, vector<16xf32>,
          %mul3A_74 = arith.constant 8 : i32
          %mul3A_75 = arith.muli %scan3A_57, %mul3A_74 : i32
          %add3A_76 = arith.constant 1 : i32
          %add3A_77 = arith.addi %mul3A_75, %add3A_76 : i32
          %mul3A_78 = arith.constant 16 : i32
          %mul3A_79 = arith.muli %add3A_77, %mul3A_78 : i32
          %add3A_80 = arith.addi %mul3A_39, %mul3A_79 : i32
          %get3A_81 = arith.index_cast %add3A_80 : i32 to index
          %get3A_82 = tpu.vector_load %arg9[%get3A_81] {strides = array<i32>} : memref<2048xi32, #tpu.memory_space<vmem>>, vector<16xi32>,
          %add3A_83 = vector.broadcast %mul3A_50 : i32 to vector<16xi32>
          %add3A_84 = arith.addi %get3A_82, %add3A_83 : vector<16xi32>
          %gather3A_85 = tpu.vector_load_idx %arg10[%add3A_84] : memref<16384xf32, #tpu.memory_space<vmem>>[vector<16xi32>], vector<16xf32>,
          %mul3A_86 = arith.constant 1024 : i32
          %mul3A_87 = arith.muli %scan3A_48, %mul3A_86 : i32
          %mul3A_88 = arith.constant 16 : i32
          %mul3A_89 = arith.muli %add3A_77, %mul3A_88 : i32
          %add3A_90 = arith.addi %mul3A_87, %mul3A_89 : i32
          %swap3A_91 = arith.index_cast %add3A_90 : i32 to index
          %swap3A_92 = tpu.vector_load %arg11[%swap3A_91] {strides = array<i32>} : memref<8192xf32, #tpu.memory_space<vmem>>, vector<16xf32>,
          tpu.vector_store %arg11[%swap3A_91], %gather3A_85 {strides = array<i32>} : memref<8192xf32, #tpu.memory_space<vmem>>, vector<16xf32>,
          %mul3A_93 = arith.constant 8 : i32
          %mul3A_94 = arith.muli %scan3A_57, %mul3A_93 : i32
          %add3A_95 = arith.constant 2 : i32
          %add3A_96 = arith.addi %mul3A_94, %add3A_95 : i32
          %mul3A_97 = arith.constant 16 : i32
          %mul3A_98 = arith.muli %add3A_96, %mul3A_97 : i32
          %add3A_99 = arith.addi %mul3A_39, %mul3A_98 : i32
          %get3A_100 = arith.index_cast %add3A_99 : i32 to index
          %get3A_101 = tpu.vector_load %arg9[%get3A_100] {strides = array<i32>} : memref<2048xi32, #tpu.memory_space<vmem>>, vector<16xi32>,
          %add3A_102 = vector.broadcast %mul3A_50 : i32 to vector<16xi32>
          %add3A_103 = arith.addi %get3A_101, %add3A_102 : vector<16xi32>
          %gather3A_104 = tpu.vector_load_idx %arg10[%add3A_103] : memref<16384xf32, #tpu.memory_space<vmem>>[vector<16xi32>], vector<16xf32>,
          %mul3A_105 = arith.constant 1024 : i32
          %mul3A_106 = arith.muli %scan3A_48, %mul3A_105 : i32
          %mul3A_107 = arith.constant 16 : i32
          %mul3A_108 = arith.muli %add3A_96, %mul3A_107 : i32
          %add3A_109 = arith.addi %mul3A_106, %mul3A_108 : i32
          %swap3A_110 = arith.index_cast %add3A_109 : i32 to index
          %swap3A_111 = tpu.vector_load %arg11[%swap3A_110] {strides = array<i32>} : memref<8192xf32, #tpu.memory_space<vmem>>, vector<16xf32>,
          tpu.vector_store %arg11[%swap3A_110], %gather3A_104 {strides = array<i32>} : memref<8192xf32, #tpu.memory_space<vmem>>, vector<16xf32>,
          %mul3A_112 = arith.constant 8 : i32
          %mul3A_113 = arith.muli %scan3A_57, %mul3A_112 : i32
          %add3A_114 = arith.constant 3 : i32
          %add3A_115 = arith.addi %mul3A_113, %add3A_114 : i32
          %mul3A_116 = arith.constant 16 : i32
          %mul3A_117 = arith.muli %add3A_115, %mul3A_116 : i32
          %add3A_118 = arith.addi %mul3A_39, %mul3A_117 : i32
          %get3A_119 = arith.index_cast %add3A_118 : i32 to index
          %get3A_120 = tpu.vector_load %arg9[%get3A_119] {strides = array<i32>} : memref<2048xi32, #tpu.memory_space<vmem>>, vector<16xi32>,
          %add3A_121 = vector.broadcast %mul3A_50 : i32 to vector<16xi32>
          %add3A_122 = arith.addi %get3A_120, %add3A_121 : vector<16xi32>
          %gather3A_123 = tpu.vector_load_idx %arg10[%add3A_122] : memref<16384xf32, #tpu.memory_space<vmem>>[vector<16xi32>], vector<16xf32>,
          %mul3A_124 = arith.constant 1024 : i32
          %mul3A_125 = arith.muli %scan3A_48, %mul3A_124 : i32
          %mul3A_126 = arith.constant 16 : i32
          %mul3A_127 = arith.muli %add3A_115, %mul3A_126 : i32
          %add3A_128 = arith.addi %mul3A_125, %mul3A_127 : i32
          %swap3A_129 = arith.index_cast %add3A_128 : i32 to index
          %swap3A_130 = tpu.vector_load %arg11[%swap3A_129] {strides = array<i32>} : memref<8192xf32, #tpu.memory_space<vmem>>, vector<16xf32>,
          tpu.vector_store %arg11[%swap3A_129], %gather3A_123 {strides = array<i32>} : memref<8192xf32, #tpu.memory_space<vmem>>, vector<16xf32>,
          %mul3A_131 = arith.constant 8 : i32
          %mul3A_132 = arith.muli %scan3A_57, %mul3A_131 : i32
          %add3A_133 = arith.constant 4 : i32
          %add3A_134 = arith.addi %mul3A_132, %add3A_133 : i32
          %mul3A_135 = arith.constant 16 : i32
          %mul3A_136 = arith.muli %add3A_134, %mul3A_135 : i32
          %add3A_137 = arith.addi %mul3A_39, %mul3A_136 : i32
          %get3A_138 = arith.index_cast %add3A_137 : i32 to index
          %get3A_139 = tpu.vector_load %arg9[%get3A_138] {strides = array<i32>} : memref<2048xi32, #tpu.memory_space<vmem>>, vector<16xi32>,
          %add3A_140 = vector.broadcast %mul3A_50 : i32 to vector<16xi32>
          %add3A_141 = arith.addi %get3A_139, %add3A_140 : vector<16xi32>
          %gather3A_142 = tpu.vector_load_idx %arg10[%add3A_141] : memref<16384xf32, #tpu.memory_space<vmem>>[vector<16xi32>], vector<16xf32>,
          %mul3A_143 = arith.constant 1024 : i32
          %mul3A_144 = arith.muli %scan3A_48, %mul3A_143 : i32
          %mul3A_145 = arith.constant 16 : i32
          %mul3A_146 = arith.muli %add3A_134, %mul3A_145 : i32
          %add3A_147 = arith.addi %mul3A_144, %mul3A_146 : i32
          %swap3A_148 = arith.index_cast %add3A_147 : i32 to index
          %swap3A_149 = tpu.vector_load %arg11[%swap3A_148] {strides = array<i32>} : memref<8192xf32, #tpu.memory_space<vmem>>, vector<16xf32>,
          tpu.vector_store %arg11[%swap3A_148], %gather3A_142 {strides = array<i32>} : memref<8192xf32, #tpu.memory_space<vmem>>, vector<16xf32>,
          %mul3A_150 = arith.constant 8 : i32
          %mul3A_151 = arith.muli %scan3A_57, %mul3A_150 : i32
          %add3A_152 = arith.constant 5 : i32
          %add3A_153 = arith.addi %mul3A_151, %add3A_152 : i32
          %mul3A_154 = arith.constant 16 : i32
          %mul3A_155 = arith.muli %add3A_153, %mul3A_154 : i32
          %add3A_156 = arith.addi %mul3A_39, %mul3A_155 : i32
          %get3A_157 = arith.index_cast %add3A_156 : i32 to index
          %get3A_158 = tpu.vector_load %arg9[%get3A_157] {strides = array<i32>} : memref<2048xi32, #tpu.memory_space<vmem>>, vector<16xi32>,
          %add3A_159 = vector.broadcast %mul3A_50 : i32 to vector<16xi32>
          %add3A_160 = arith.addi %get3A_158, %add3A_159 : vector<16xi32>
          %gather3A_161 = tpu.vector_load_idx %arg10[%add3A_160] : memref<16384xf32, #tpu.memory_space<vmem>>[vector<16xi32>], vector<16xf32>,
          %mul3A_162 = arith.constant 1024 : i32
          %mul3A_163 = arith.muli %scan3A_48, %mul3A_162 : i32
          %mul3A_164 = arith.constant 16 : i32
          %mul3A_165 = arith.muli %add3A_153, %mul3A_164 : i32
          %add3A_166 = arith.addi %mul3A_163, %mul3A_165 : i32
          %swap3A_167 = arith.index_cast %add3A_166 : i32 to index
          %swap3A_168 = tpu.vector_load %arg11[%swap3A_167] {strides = array<i32>} : memref<8192xf32, #tpu.memory_space<vmem>>, vector<16xf32>,
          tpu.vector_store %arg11[%swap3A_167], %gather3A_161 {strides = array<i32>} : memref<8192xf32, #tpu.memory_space<vmem>>, vector<16xf32>,
          %mul3A_169 = arith.constant 8 : i32
          %mul3A_170 = arith.muli %scan3A_57, %mul3A_169 : i32
          %add3A_171 = arith.constant 6 : i32
          %add3A_172 = arith.addi %mul3A_170, %add3A_171 : i32
          %mul3A_173 = arith.constant 16 : i32
          %mul3A_174 = arith.muli %add3A_172, %mul3A_173 : i32
          %add3A_175 = arith.addi %mul3A_39, %mul3A_174 : i32
          %get3A_176 = arith.index_cast %add3A_175 : i32 to index
          %get3A_177 = tpu.vector_load %arg9[%get3A_176] {strides = array<i32>} : memref<2048xi32, #tpu.memory_space<vmem>>, vector<16xi32>,
          %add3A_178 = vector.broadcast %mul3A_50 : i32 to vector<16xi32>
          %add3A_179 = arith.addi %get3A_177, %add3A_178 : vector<16xi32>
          %gather3A_180 = tpu.vector_load_idx %arg10[%add3A_179] : memref<16384xf32, #tpu.memory_space<vmem>>[vector<16xi32>], vector<16xf32>,
          %mul3A_181 = arith.constant 1024 : i32
          %mul3A_182 = arith.muli %scan3A_48, %mul3A_181 : i32
          %mul3A_183 = arith.constant 16 : i32
          %mul3A_184 = arith.muli %add3A_172, %mul3A_183 : i32
          %add3A_185 = arith.addi %mul3A_182, %mul3A_184 : i32
          %swap3A_186 = arith.index_cast %add3A_185 : i32 to index
          %swap3A_187 = tpu.vector_load %arg11[%swap3A_186] {strides = array<i32>} : memref<8192xf32, #tpu.memory_space<vmem>>, vector<16xf32>,
          tpu.vector_store %arg11[%swap3A_186], %gather3A_180 {strides = array<i32>} : memref<8192xf32, #tpu.memory_space<vmem>>, vector<16xf32>,
          %mul3A_188 = arith.constant 8 : i32
          %mul3A_189 = arith.muli %scan3A_57, %mul3A_188 : i32
          %add3A_190 = arith.constant 7 : i32
          %add3A_191 = arith.addi %mul3A_189, %add3A_190 : i32
          %mul3A_192 = arith.constant 16 : i32
          %mul3A_193 = arith.muli %add3A_191, %mul3A_192 : i32
          %add3A_194 = arith.addi %mul3A_39, %mul3A_193 : i32
          %get3A_195 = arith.index_cast %add3A_194 : i32 to index
          %get3A_196 = tpu.vector_load %arg9[%get3A_195] {strides = array<i32>} : memref<2048xi32, #tpu.memory_space<vmem>>, vector<16xi32>,
          %add3A_197 = vector.broadcast %mul3A_50 : i32 to vector<16xi32>
          %add3A_198 = arith.addi %get3A_196, %add3A_197 : vector<16xi32>
          %gather3A_199 = tpu.vector_load_idx %arg10[%add3A_198] : memref<16384xf32, #tpu.memory_space<vmem>>[vector<16xi32>], vector<16xf32>,
          %mul3A_200 = arith.constant 1024 : i32
          %mul3A_201 = arith.muli %scan3A_48, %mul3A_200 : i32
          %mul3A_202 = arith.constant 16 : i32
          %mul3A_203 = arith.muli %add3A_191, %mul3A_202 : i32
          %add3A_204 = arith.addi %mul3A_201, %mul3A_203 : i32
          %swap3A_205 = arith.index_cast %add3A_204 : i32 to index
          %swap3A_206 = tpu.vector_load %arg11[%swap3A_205] {strides = array<i32>} : memref<8192xf32, #tpu.memory_space<vmem>>, vector<16xf32>,
          tpu.vector_store %arg11[%swap3A_205], %gather3A_199 {strides = array<i32>} : memref<8192xf32, #tpu.memory_space<vmem>>, vector<16xf32>,
        }
        %scan3A_56 = arith.constant 8 : i32
      }
      %scan3A_45 = arith.constant 8 : i32
      %add3A_46 = arith.constant 0 : i32
      %add3A_47 = arith.addi %add3A_46, %add3A_21 : i32
      "tpu.region"() ({
        %run_scoped3A = tpu.sem_alloc : memref<!tpu.dma_semaphore, #tpu.memory_space<semaphore_mem>>
        %dma_start3A = arith.constant 0 : i32
        %dma_start3A_48 = tpu.memref_slice %arg6[%add3A_47, %dma_start3A] : memref<384x8192xf32, #tpu.memory_space<hbm>> -> memref<1x8192xf32, #tpu.memory_space<hbm>>
        %dma_start3A_49 = tpu.memref_squeeze %dma_start3A_48 : memref<1x8192xf32, #tpu.memory_space<hbm>> -> memref<8192xf32, #tpu.memory_space<hbm>>
        %dma_start3A_50 = arith.constant 0 : i32
        %dma_start3A_51 = tpu.memref_slice %arg6[%add3A_47, %dma_start3A_50] : memref<384x8192xf32, #tpu.memory_space<hbm>> -> memref<1x8192xf32, #tpu.memory_space<hbm>>
        %dma_start3A_52 = tpu.memref_squeeze %dma_start3A_51 : memref<1x8192xf32, #tpu.memory_space<hbm>> -> memref<8192xf32, #tpu.memory_space<hbm>>
        tpu.enqueue_dma source(%arg11 : memref<8192xf32, #tpu.memory_space<vmem>>) target(%dma_start3A_52 : memref<8192xf32, #tpu.memory_space<hbm>>) target_semaphore(%run_scoped3A : memref<!tpu.dma_semaphore, #tpu.memory_space<semaphore_mem>>)
        %dma_wait3A = arith.constant 0 : i32
        %dma_wait3A_53 = tpu.memref_slice %arg6[%add3A_47, %dma_wait3A] : memref<384x8192xf32, #tpu.memory_space<hbm>> -> memref<1x8192xf32, #tpu.memory_space<hbm>>
        %dma_wait3A_54 = tpu.memref_squeeze %dma_wait3A_53 : memref<1x8192xf32, #tpu.memory_space<hbm>> -> memref<8192xf32, #tpu.memory_space<hbm>>
        %dma_wait3A_55 = arith.constant 0 : i32
        %dma_wait3A_56 = tpu.memref_slice %arg6[%add3A_47, %dma_wait3A_55] : memref<384x8192xf32, #tpu.memory_space<hbm>> -> memref<1x8192xf32, #tpu.memory_space<hbm>>
        %dma_wait3A_57 = tpu.memref_squeeze %dma_wait3A_56 : memref<1x8192xf32, #tpu.memory_space<hbm>> -> memref<8192xf32, #tpu.memory_space<hbm>>
        tpu.wait_dma2 semaphore(%run_scoped3A : memref<!tpu.dma_semaphore, #tpu.memory_space<semaphore_mem>>) src(%arg11 : memref<8192xf32, #tpu.memory_space<vmem>>) dst(%dma_wait3A_57 : memref<8192xf32, #tpu.memory_space<hbm>>)
        tpu.yield
      }) : () -> ()
    }
    %scan3A_11 = arith.constant 6 : i32
    %scan3A_12 = arith.constant 0 : i32
    %scan3A_13 = arith.constant 0 : i32
    %scan3A_14 = arith.constant 6 : i32
    %scan3A_15 = arith.addi %scan3A_13, %scan3A_14 : i32
    %scan3A_16 = arith.constant 1 : i32
    scf.for %scan3A_18 = %scan3A_13 to %scan3A_15 step %scan3A_16  : i32 {
      %mul3A_19 = arith.constant 6 : i32
      %mul3A_20 = arith.muli %mul3A_19, %add3A : i32
      %add3A_21 = arith.addi %mul3A_20, %scan3A_18 : i32
      %jit3A = arith.constant 96 : i32
      %div3A = arith.divsi %add3A_21, %jit3A : i32
      %sign3A = arith.constant 0 : i32
      %sign3A_22 = arith.cmpi sgt, %add3A_21, %sign3A : i32
      %sign3A_23 = arith.extui %sign3A_22 : i1 to i32
      %sign3A_24 = arith.constant 0 : i32
      %sign3A_25 = arith.cmpi slt, %add3A_21, %sign3A_24 : i32
      %sign3A_26 = arith.extui %sign3A_25 : i1 to i32
      %sign3A_27 = arith.subi %sign3A_23, %sign3A_26 : i32
      %sign3A_28 = arith.constant 0 : i32
      %sign3A_29 = arith.cmpi sgt, %jit3A, %sign3A_28 : i32
      %sign3A_30 = arith.extui %sign3A_29 : i1 to i32
      %sign3A_31 = arith.constant 0 : i32
      %sign3A_32 = arith.cmpi slt, %jit3A, %sign3A_31 : i32
      %sign3A_33 = arith.extui %sign3A_32 : i1 to i32
      %sign3A_34 = arith.subi %sign3A_30, %sign3A_33 : i32
      %ne3A = arith.cmpi ne, %sign3A_27, %sign3A_34 : i32
      %rem3A = arith.remsi %add3A_21, %jit3A : i32
      %ne3A_35 = arith.constant 0 : i32
      %ne3A_36 = arith.cmpi ne, %rem3A, %ne3A_35 : i32
      %and3A = arith.andi %ne3A, %ne3A_36 : i1
      %sub3A = arith.constant 1 : i32
      %sub3A_37 = arith.subi %div3A, %sub3A : i32
      %select_n3A = arith.select %and3A, %sub3A_37, %div3A : i32
      %mul3A_38 = arith.constant 1024 : i32
      %mul3A_39 = arith.muli %select_n3A, %mul3A_38 : i32
      "tpu.region"() ({
        %run_scoped3A = tpu.sem_alloc : memref<!tpu.dma_semaphore, #tpu.memory_space<semaphore_mem>>
        %dma_start3A = arith.constant 0 : i32
        %dma_start3A_48 = tpu.memref_slice %arg5[%add3A_21, %dma_start3A] : memref<192x16384xf32, #tpu.memory_space<hbm>> -> memref<1x16384xf32, #tpu.memory_space<hbm>>
        %dma_start3A_49 = tpu.memref_squeeze %dma_start3A_48 : memref<1x16384xf32, #tpu.memory_space<hbm>> -> memref<16384xf32, #tpu.memory_space<hbm>>
        %dma_start3A_50 = arith.constant 0 : i32
        %dma_start3A_51 = tpu.memref_slice %arg5[%add3A_21, %dma_start3A_50] : memref<192x16384xf32, #tpu.memory_space<hbm>> -> memref<1x16384xf32, #tpu.memory_space<hbm>>
        %dma_start3A_52 = tpu.memref_squeeze %dma_start3A_51 : memref<1x16384xf32, #tpu.memory_space<hbm>> -> memref<16384xf32, #tpu.memory_space<hbm>>
        tpu.enqueue_dma source(%dma_start3A_52 : memref<16384xf32, #tpu.memory_space<hbm>>) target(%arg10 : memref<16384xf32, #tpu.memory_space<vmem>>) target_semaphore(%run_scoped3A : memref<!tpu.dma_semaphore, #tpu.memory_space<semaphore_mem>>)
        %dma_wait3A = arith.constant 0 : i32
        %dma_wait3A_53 = tpu.memref_slice %arg5[%add3A_21, %dma_wait3A] : memref<192x16384xf32, #tpu.memory_space<hbm>> -> memref<1x16384xf32, #tpu.memory_space<hbm>>
        %dma_wait3A_54 = tpu.memref_squeeze %dma_wait3A_53 : memref<1x16384xf32, #tpu.memory_space<hbm>> -> memref<16384xf32, #tpu.memory_space<hbm>>
        %dma_wait3A_55 = arith.constant 0 : i32
        %dma_wait3A_56 = tpu.memref_slice %arg5[%add3A_21, %dma_wait3A_55] : memref<192x16384xf32, #tpu.memory_space<hbm>> -> memref<1x16384xf32, #tpu.memory_space<hbm>>
        %dma_wait3A_57 = tpu.memref_squeeze %dma_wait3A_56 : memref<1x16384xf32, #tpu.memory_space<hbm>> -> memref<16384xf32, #tpu.memory_space<hbm>>
        tpu.wait_dma2 semaphore(%run_scoped3A : memref<!tpu.dma_semaphore, #tpu.memory_space<semaphore_mem>>) src(%dma_wait3A_57 : memref<16384xf32, #tpu.memory_space<hbm>>) dst(%arg10 : memref<16384xf32, #tpu.memory_space<vmem>>)
        tpu.yield
      }) : () -> ()
      %scan3A_40 = arith.constant 0 : i32
      %scan3A_41 = arith.constant 0 : i32
      %scan3A_42 = arith.constant 8 : i32
      %scan3A_43 = arith.addi %scan3A_41, %scan3A_42 : i32
      %scan3A_44 = arith.constant 1 : i32
      scf.for %scan3A_48 = %scan3A_41 to %scan3A_43 step %scan3A_44  : i32 {
        %mul3A_49 = arith.constant 2048 : i32
        %mul3A_50 = arith.muli %scan3A_48, %mul3A_49 : i32
        %scan3A_51 = arith.constant 0 : i32
        %scan3A_52 = arith.constant 0 : i32
        %scan3A_53 = arith.constant 8 : i32
        %scan3A_54 = arith.addi %scan3A_52, %scan3A_53 : i32
        %scan3A_55 = arith.constant 1 : i32
        scf.for %scan3A_57 = %scan3A_52 to %scan3A_54 step %scan3A_55  : i32 {
          %mul3A_58 = arith.constant 8 : i32
          %mul3A_59 = arith.muli %scan3A_57, %mul3A_58 : i32
          %add3A_60 = arith.constant 0 : i32
          %add3A_61 = arith.addi %mul3A_59, %add3A_60 : i32
          %mul3A_62 = arith.constant 16 : i32
          %mul3A_63 = arith.muli %add3A_61, %mul3A_62 : i32
          %add3A_64 = arith.addi %mul3A_39, %mul3A_63 : i32
          %get3A = arith.index_cast %add3A_64 : i32 to index
          %get3A_65 = tpu.vector_load %arg9[%get3A] {strides = array<i32>} : memref<2048xi32, #tpu.memory_space<vmem>>, vector<16xi32>,
          %add3A_66 = vector.broadcast %mul3A_50 : i32 to vector<16xi32>
          %add3A_67 = arith.addi %get3A_65, %add3A_66 : vector<16xi32>
          %gather3A = tpu.vector_load_idx %arg10[%add3A_67] : memref<16384xf32, #tpu.memory_space<vmem>>[vector<16xi32>], vector<16xf32>,
          %mul3A_68 = arith.constant 1024 : i32
          %mul3A_69 = arith.muli %scan3A_48, %mul3A_68 : i32
          %mul3A_70 = arith.constant 16 : i32
          %mul3A_71 = arith.muli %add3A_61, %mul3A_70 : i32
          %add3A_72 = arith.addi %mul3A_69, %mul3A_71 : i32
          %swap3A = arith.index_cast %add3A_72 : i32 to index
          %swap3A_73 = tpu.vector_load %arg11[%swap3A] {strides = array<i32>} : memref<8192xf32, #tpu.memory_space<vmem>>, vector<16xf32>,
          tpu.vector_store %arg11[%swap3A], %gather3A {strides = array<i32>} : memref<8192xf32, #tpu.memory_space<vmem>>, vector<16xf32>,
          %mul3A_74 = arith.constant 8 : i32
          %mul3A_75 = arith.muli %scan3A_57, %mul3A_74 : i32
          %add3A_76 = arith.constant 1 : i32
          %add3A_77 = arith.addi %mul3A_75, %add3A_76 : i32
          %mul3A_78 = arith.constant 16 : i32
          %mul3A_79 = arith.muli %add3A_77, %mul3A_78 : i32
          %add3A_80 = arith.addi %mul3A_39, %mul3A_79 : i32
          %get3A_81 = arith.index_cast %add3A_80 : i32 to index
          %get3A_82 = tpu.vector_load %arg9[%get3A_81] {strides = array<i32>} : memref<2048xi32, #tpu.memory_space<vmem>>, vector<16xi32>,
          %add3A_83 = vector.broadcast %mul3A_50 : i32 to vector<16xi32>
          %add3A_84 = arith.addi %get3A_82, %add3A_83 : vector<16xi32>
          %gather3A_85 = tpu.vector_load_idx %arg10[%add3A_84] : memref<16384xf32, #tpu.memory_space<vmem>>[vector<16xi32>], vector<16xf32>,
          %mul3A_86 = arith.constant 1024 : i32
          %mul3A_87 = arith.muli %scan3A_48, %mul3A_86 : i32
          %mul3A_88 = arith.constant 16 : i32
          %mul3A_89 = arith.muli %add3A_77, %mul3A_88 : i32
          %add3A_90 = arith.addi %mul3A_87, %mul3A_89 : i32
          %swap3A_91 = arith.index_cast %add3A_90 : i32 to index
          %swap3A_92 = tpu.vector_load %arg11[%swap3A_91] {strides = array<i32>} : memref<8192xf32, #tpu.memory_space<vmem>>, vector<16xf32>,
          tpu.vector_store %arg11[%swap3A_91], %gather3A_85 {strides = array<i32>} : memref<8192xf32, #tpu.memory_space<vmem>>, vector<16xf32>,
          %mul3A_93 = arith.constant 8 : i32
          %mul3A_94 = arith.muli %scan3A_57, %mul3A_93 : i32
          %add3A_95 = arith.constant 2 : i32
          %add3A_96 = arith.addi %mul3A_94, %add3A_95 : i32
          %mul3A_97 = arith.constant 16 : i32
          %mul3A_98 = arith.muli %add3A_96, %mul3A_97 : i32
          %add3A_99 = arith.addi %mul3A_39, %mul3A_98 : i32
          %get3A_100 = arith.index_cast %add3A_99 : i32 to index
          %get3A_101 = tpu.vector_load %arg9[%get3A_100] {strides = array<i32>} : memref<2048xi32, #tpu.memory_space<vmem>>, vector<16xi32>,
          %add3A_102 = vector.broadcast %mul3A_50 : i32 to vector<16xi32>
          %add3A_103 = arith.addi %get3A_101, %add3A_102 : vector<16xi32>
          %gather3A_104 = tpu.vector_load_idx %arg10[%add3A_103] : memref<16384xf32, #tpu.memory_space<vmem>>[vector<16xi32>], vector<16xf32>,
          %mul3A_105 = arith.constant 1024 : i32
          %mul3A_106 = arith.muli %scan3A_48, %mul3A_105 : i32
          %mul3A_107 = arith.constant 16 : i32
          %mul3A_108 = arith.muli %add3A_96, %mul3A_107 : i32
          %add3A_109 = arith.addi %mul3A_106, %mul3A_108 : i32
          %swap3A_110 = arith.index_cast %add3A_109 : i32 to index
          %swap3A_111 = tpu.vector_load %arg11[%swap3A_110] {strides = array<i32>} : memref<8192xf32, #tpu.memory_space<vmem>>, vector<16xf32>,
          tpu.vector_store %arg11[%swap3A_110], %gather3A_104 {strides = array<i32>} : memref<8192xf32, #tpu.memory_space<vmem>>, vector<16xf32>,
          %mul3A_112 = arith.constant 8 : i32
          %mul3A_113 = arith.muli %scan3A_57, %mul3A_112 : i32
          %add3A_114 = arith.constant 3 : i32
          %add3A_115 = arith.addi %mul3A_113, %add3A_114 : i32
          %mul3A_116 = arith.constant 16 : i32
          %mul3A_117 = arith.muli %add3A_115, %mul3A_116 : i32
          %add3A_118 = arith.addi %mul3A_39, %mul3A_117 : i32
          %get3A_119 = arith.index_cast %add3A_118 : i32 to index
          %get3A_120 = tpu.vector_load %arg9[%get3A_119] {strides = array<i32>} : memref<2048xi32, #tpu.memory_space<vmem>>, vector<16xi32>,
          %add3A_121 = vector.broadcast %mul3A_50 : i32 to vector<16xi32>
          %add3A_122 = arith.addi %get3A_120, %add3A_121 : vector<16xi32>
          %gather3A_123 = tpu.vector_load_idx %arg10[%add3A_122] : memref<16384xf32, #tpu.memory_space<vmem>>[vector<16xi32>], vector<16xf32>,
          %mul3A_124 = arith.constant 1024 : i32
          %mul3A_125 = arith.muli %scan3A_48, %mul3A_124 : i32
          %mul3A_126 = arith.constant 16 : i32
          %mul3A_127 = arith.muli %add3A_115, %mul3A_126 : i32
          %add3A_128 = arith.addi %mul3A_125, %mul3A_127 : i32
          %swap3A_129 = arith.index_cast %add3A_128 : i32 to index
          %swap3A_130 = tpu.vector_load %arg11[%swap3A_129] {strides = array<i32>} : memref<8192xf32, #tpu.memory_space<vmem>>, vector<16xf32>,
          tpu.vector_store %arg11[%swap3A_129], %gather3A_123 {strides = array<i32>} : memref<8192xf32, #tpu.memory_space<vmem>>, vector<16xf32>,
          %mul3A_131 = arith.constant 8 : i32
          %mul3A_132 = arith.muli %scan3A_57, %mul3A_131 : i32
          %add3A_133 = arith.constant 4 : i32
          %add3A_134 = arith.addi %mul3A_132, %add3A_133 : i32
          %mul3A_135 = arith.constant 16 : i32
          %mul3A_136 = arith.muli %add3A_134, %mul3A_135 : i32
          %add3A_137 = arith.addi %mul3A_39, %mul3A_136 : i32
          %get3A_138 = arith.index_cast %add3A_137 : i32 to index
          %get3A_139 = tpu.vector_load %arg9[%get3A_138] {strides = array<i32>} : memref<2048xi32, #tpu.memory_space<vmem>>, vector<16xi32>,
          %add3A_140 = vector.broadcast %mul3A_50 : i32 to vector<16xi32>
          %add3A_141 = arith.addi %get3A_139, %add3A_140 : vector<16xi32>
          %gather3A_142 = tpu.vector_load_idx %arg10[%add3A_141] : memref<16384xf32, #tpu.memory_space<vmem>>[vector<16xi32>], vector<16xf32>,
          %mul3A_143 = arith.constant 1024 : i32
          %mul3A_144 = arith.muli %scan3A_48, %mul3A_143 : i32
          %mul3A_145 = arith.constant 16 : i32
          %mul3A_146 = arith.muli %add3A_134, %mul3A_145 : i32
          %add3A_147 = arith.addi %mul3A_144, %mul3A_146 : i32
          %swap3A_148 = arith.index_cast %add3A_147 : i32 to index
          %swap3A_149 = tpu.vector_load %arg11[%swap3A_148] {strides = array<i32>} : memref<8192xf32, #tpu.memory_space<vmem>>, vector<16xf32>,
          tpu.vector_store %arg11[%swap3A_148], %gather3A_142 {strides = array<i32>} : memref<8192xf32, #tpu.memory_space<vmem>>, vector<16xf32>,
          %mul3A_150 = arith.constant 8 : i32
          %mul3A_151 = arith.muli %scan3A_57, %mul3A_150 : i32
          %add3A_152 = arith.constant 5 : i32
          %add3A_153 = arith.addi %mul3A_151, %add3A_152 : i32
          %mul3A_154 = arith.constant 16 : i32
          %mul3A_155 = arith.muli %add3A_153, %mul3A_154 : i32
          %add3A_156 = arith.addi %mul3A_39, %mul3A_155 : i32
          %get3A_157 = arith.index_cast %add3A_156 : i32 to index
          %get3A_158 = tpu.vector_load %arg9[%get3A_157] {strides = array<i32>} : memref<2048xi32, #tpu.memory_space<vmem>>, vector<16xi32>,
          %add3A_159 = vector.broadcast %mul3A_50 : i32 to vector<16xi32>
          %add3A_160 = arith.addi %get3A_158, %add3A_159 : vector<16xi32>
          %gather3A_161 = tpu.vector_load_idx %arg10[%add3A_160] : memref<16384xf32, #tpu.memory_space<vmem>>[vector<16xi32>], vector<16xf32>,
          %mul3A_162 = arith.constant 1024 : i32
          %mul3A_163 = arith.muli %scan3A_48, %mul3A_162 : i32
          %mul3A_164 = arith.constant 16 : i32
          %mul3A_165 = arith.muli %add3A_153, %mul3A_164 : i32
          %add3A_166 = arith.addi %mul3A_163, %mul3A_165 : i32
          %swap3A_167 = arith.index_cast %add3A_166 : i32 to index
          %swap3A_168 = tpu.vector_load %arg11[%swap3A_167] {strides = array<i32>} : memref<8192xf32, #tpu.memory_space<vmem>>, vector<16xf32>,
          tpu.vector_store %arg11[%swap3A_167], %gather3A_161 {strides = array<i32>} : memref<8192xf32, #tpu.memory_space<vmem>>, vector<16xf32>,
          %mul3A_169 = arith.constant 8 : i32
          %mul3A_170 = arith.muli %scan3A_57, %mul3A_169 : i32
          %add3A_171 = arith.constant 6 : i32
          %add3A_172 = arith.addi %mul3A_170, %add3A_171 : i32
          %mul3A_173 = arith.constant 16 : i32
          %mul3A_174 = arith.muli %add3A_172, %mul3A_173 : i32
          %add3A_175 = arith.addi %mul3A_39, %mul3A_174 : i32
          %get3A_176 = arith.index_cast %add3A_175 : i32 to index
          %get3A_177 = tpu.vector_load %arg9[%get3A_176] {strides = array<i32>} : memref<2048xi32, #tpu.memory_space<vmem>>, vector<16xi32>,
          %add3A_178 = vector.broadcast %mul3A_50 : i32 to vector<16xi32>
          %add3A_179 = arith.addi %get3A_177, %add3A_178 : vector<16xi32>
          %gather3A_180 = tpu.vector_load_idx %arg10[%add3A_179] : memref<16384xf32, #tpu.memory_space<vmem>>[vector<16xi32>], vector<16xf32>,
          %mul3A_181 = arith.constant 1024 : i32
          %mul3A_182 = arith.muli %scan3A_48, %mul3A_181 : i32
          %mul3A_183 = arith.constant 16 : i32
          %mul3A_184 = arith.muli %add3A_172, %mul3A_183 : i32
          %add3A_185 = arith.addi %mul3A_182, %mul3A_184 : i32
          %swap3A_186 = arith.index_cast %add3A_185 : i32 to index
          %swap3A_187 = tpu.vector_load %arg11[%swap3A_186] {strides = array<i32>} : memref<8192xf32, #tpu.memory_space<vmem>>, vector<16xf32>,
          tpu.vector_store %arg11[%swap3A_186], %gather3A_180 {strides = array<i32>} : memref<8192xf32, #tpu.memory_space<vmem>>, vector<16xf32>,
          %mul3A_188 = arith.constant 8 : i32
          %mul3A_189 = arith.muli %scan3A_57, %mul3A_188 : i32
          %add3A_190 = arith.constant 7 : i32
          %add3A_191 = arith.addi %mul3A_189, %add3A_190 : i32
          %mul3A_192 = arith.constant 16 : i32
          %mul3A_193 = arith.muli %add3A_191, %mul3A_192 : i32
          %add3A_194 = arith.addi %mul3A_39, %mul3A_193 : i32
          %get3A_195 = arith.index_cast %add3A_194 : i32 to index
          %get3A_196 = tpu.vector_load %arg9[%get3A_195] {strides = array<i32>} : memref<2048xi32, #tpu.memory_space<vmem>>, vector<16xi32>,
          %add3A_197 = vector.broadcast %mul3A_50 : i32 to vector<16xi32>
          %add3A_198 = arith.addi %get3A_196, %add3A_197 : vector<16xi32>
          %gather3A_199 = tpu.vector_load_idx %arg10[%add3A_198] : memref<16384xf32, #tpu.memory_space<vmem>>[vector<16xi32>], vector<16xf32>,
          %mul3A_200 = arith.constant 1024 : i32
          %mul3A_201 = arith.muli %scan3A_48, %mul3A_200 : i32
          %mul3A_202 = arith.constant 16 : i32
          %mul3A_203 = arith.muli %add3A_191, %mul3A_202 : i32
          %add3A_204 = arith.addi %mul3A_201, %mul3A_203 : i32
          %swap3A_205 = arith.index_cast %add3A_204 : i32 to index
          %swap3A_206 = tpu.vector_load %arg11[%swap3A_205] {strides = array<i32>} : memref<8192xf32, #tpu.memory_space<vmem>>, vector<16xf32>,
          tpu.vector_store %arg11[%swap3A_205], %gather3A_199 {strides = array<i32>} : memref<8192xf32, #tpu.memory_space<vmem>>, vector<16xf32>,
        }
        %scan3A_56 = arith.constant 8 : i32
      }
      %scan3A_45 = arith.constant 8 : i32
      %add3A_46 = arith.constant 192 : i32
      %add3A_47 = arith.addi %add3A_46, %add3A_21 : i32
      "tpu.region"() ({
        %run_scoped3A = tpu.sem_alloc : memref<!tpu.dma_semaphore, #tpu.memory_space<semaphore_mem>>
        %dma_start3A = arith.constant 0 : i32
        %dma_start3A_48 = tpu.memref_slice %arg6[%add3A_47, %dma_start3A] : memref<384x8192xf32, #tpu.memory_space<hbm>> -> memref<1x8192xf32, #tpu.memory_space<hbm>>
        %dma_start3A_49 = tpu.memref_squeeze %dma_start3A_48 : memref<1x8192xf32, #tpu.memory_space<hbm>> -> memref<8192xf32, #tpu.memory_space<hbm>>
        %dma_start3A_50 = arith.constant 0 : i32
        %dma_start3A_51 = tpu.memref_slice %arg6[%add3A_47, %dma_start3A_50] : memref<384x8192xf32, #tpu.memory_space<hbm>> -> memref<1x8192xf32, #tpu.memory_space<hbm>>
        %dma_start3A_52 = tpu.memref_squeeze %dma_start3A_51 : memref<1x8192xf32, #tpu.memory_space<hbm>> -> memref<8192xf32, #tpu.memory_space<hbm>>
        tpu.enqueue_dma source(%arg11 : memref<8192xf32, #tpu.memory_space<vmem>>) target(%dma_start3A_52 : memref<8192xf32, #tpu.memory_space<hbm>>) target_semaphore(%run_scoped3A : memref<!tpu.dma_semaphore, #tpu.memory_space<semaphore_mem>>)
        %dma_wait3A = arith.constant 0 : i32
        %dma_wait3A_53 = tpu.memref_slice %arg6[%add3A_47, %dma_wait3A] : memref<384x8192xf32, #tpu.memory_space<hbm>> -> memref<1x8192xf32, #tpu.memory_space<hbm>>
        %dma_wait3A_54 = tpu.memref_squeeze %dma_wait3A_53 : memref<1x8192xf32, #tpu.memory_space<hbm>> -> memref<8192xf32, #tpu.memory_space<hbm>>
        %dma_wait3A_55 = arith.constant 0 : i32
        %dma_wait3A_56 = tpu.memref_slice %arg6[%add3A_47, %dma_wait3A_55] : memref<384x8192xf32, #tpu.memory_space<hbm>> -> memref<1x8192xf32, #tpu.memory_space<hbm>>
        %dma_wait3A_57 = tpu.memref_squeeze %dma_wait3A_56 : memref<1x8192xf32, #tpu.memory_space<hbm>> -> memref<8192xf32, #tpu.memory_space<hbm>>
        tpu.wait_dma2 semaphore(%run_scoped3A : memref<!tpu.dma_semaphore, #tpu.memory_space<semaphore_mem>>) src(%arg11 : memref<8192xf32, #tpu.memory_space<vmem>>) dst(%dma_wait3A_57 : memref<8192xf32, #tpu.memory_space<hbm>>)
        tpu.yield
      }) : () -> ()
    }
    %scan3A_17 = arith.constant 6 : i32
    return
  }
}

module attributes {stable_mosaic.version = 14 : i64} {
  func.func @_select_body(%arg0: i32, %arg1: memref<1x12x1x128x2048xf32, #tpu.memory_space<vmem>>, %arg2: memref<1x1x2048xi32, #tpu.memory_space<vmem>>, %arg3: memref<1x1x2048xi32, #tpu.memory_space<vmem>>) attributes {dimension_semantics = [#tpu.dimension_semantics<arbitrary>], iteration_bounds = array<i64: 2>, scalar_prefetch = 0 : i64, scratch_operands = 0 : i64, tpu.core_type = #tpu.core_type<tc>, window_params = [{transform_indices = @transform_0, window_bounds = array<i64: 1, 12, 1, 128, 2048>}, {transform_indices = @transform_1, window_bounds = array<i64: 1, 1, 2048>}, {transform_indices = @transform_2, window_bounds = array<i64: 1, 1, 2048>}]} {
    %get3A = arith.constant 0 : index
    %get3A_0 = arith.constant 0 : index
    %get3A_1 = arith.constant 0 : index
    %get3A_2 = arith.constant 0 : index
    %get3A_3 = arith.constant 0 : index
    %get3A_4 = vector.load %arg1[%get3A, %get3A_0, %get3A_1, %get3A_2, %get3A_3] : memref<1x12x1x128x2048xf32, #tpu.memory_space<vmem>>, vector<1x1x1x8x2048xf32>
    %get3A_5 = vector.shape_cast %get3A_4 : vector<1x1x1x8x2048xf32> to vector<8x2048xf32>
    %get3A_6 = arith.constant 0 : index
    %get3A_7 = arith.constant 1 : index
    %get3A_8 = arith.constant 0 : index
    %get3A_9 = arith.constant 0 : index
    %get3A_10 = arith.constant 0 : index
    %get3A_11 = vector.load %arg1[%get3A_6, %get3A_7, %get3A_8, %get3A_9, %get3A_10] : memref<1x12x1x128x2048xf32, #tpu.memory_space<vmem>>, vector<1x1x1x8x2048xf32>
    %get3A_12 = vector.shape_cast %get3A_11 : vector<1x1x1x8x2048xf32> to vector<8x2048xf32>
    %add3A = arith.addf %get3A_5, %get3A_12 : vector<8x2048xf32>
    %get3A_13 = arith.constant 0 : index
    %get3A_14 = arith.constant 2 : index
    %get3A_15 = arith.constant 0 : index
    %get3A_16 = arith.constant 0 : index
    %get3A_17 = arith.constant 0 : index
    %get3A_18 = vector.load %arg1[%get3A_13, %get3A_14, %get3A_15, %get3A_16, %get3A_17] : memref<1x12x1x128x2048xf32, #tpu.memory_space<vmem>>, vector<1x1x1x8x2048xf32>
    %get3A_19 = vector.shape_cast %get3A_18 : vector<1x1x1x8x2048xf32> to vector<8x2048xf32>
    %add3A_20 = arith.addf %add3A, %get3A_19 : vector<8x2048xf32>
    %get3A_21 = arith.constant 0 : index
    %get3A_22 = arith.constant 3 : index
    %get3A_23 = arith.constant 0 : index
    %get3A_24 = arith.constant 0 : index
    %get3A_25 = arith.constant 0 : index
    %get3A_26 = vector.load %arg1[%get3A_21, %get3A_22, %get3A_23, %get3A_24, %get3A_25] : memref<1x12x1x128x2048xf32, #tpu.memory_space<vmem>>, vector<1x1x1x8x2048xf32>
    %get3A_27 = vector.shape_cast %get3A_26 : vector<1x1x1x8x2048xf32> to vector<8x2048xf32>
    %add3A_28 = arith.addf %add3A_20, %get3A_27 : vector<8x2048xf32>
    %get3A_29 = arith.constant 0 : index
    %get3A_30 = arith.constant 0 : index
    %get3A_31 = arith.constant 0 : index
    %get3A_32 = arith.constant 8 : index
    %get3A_33 = arith.constant 0 : index
    %get3A_34 = vector.load %arg1[%get3A_29, %get3A_30, %get3A_31, %get3A_32, %get3A_33] : memref<1x12x1x128x2048xf32, #tpu.memory_space<vmem>>, vector<1x1x1x8x2048xf32>
    %get3A_35 = vector.shape_cast %get3A_34 : vector<1x1x1x8x2048xf32> to vector<8x2048xf32>
    %add3A_36 = arith.addf %add3A_28, %get3A_35 : vector<8x2048xf32>
    %get3A_37 = arith.constant 0 : index
    %get3A_38 = arith.constant 1 : index
    %get3A_39 = arith.constant 0 : index
    %get3A_40 = arith.constant 8 : index
    %get3A_41 = arith.constant 0 : index
    %get3A_42 = vector.load %arg1[%get3A_37, %get3A_38, %get3A_39, %get3A_40, %get3A_41] : memref<1x12x1x128x2048xf32, #tpu.memory_space<vmem>>, vector<1x1x1x8x2048xf32>
    %get3A_43 = vector.shape_cast %get3A_42 : vector<1x1x1x8x2048xf32> to vector<8x2048xf32>
    %add3A_44 = arith.addf %add3A_36, %get3A_43 : vector<8x2048xf32>
    %get3A_45 = arith.constant 0 : index
    %get3A_46 = arith.constant 2 : index
    %get3A_47 = arith.constant 0 : index
    %get3A_48 = arith.constant 8 : index
    %get3A_49 = arith.constant 0 : index
    %get3A_50 = vector.load %arg1[%get3A_45, %get3A_46, %get3A_47, %get3A_48, %get3A_49] : memref<1x12x1x128x2048xf32, #tpu.memory_space<vmem>>, vector<1x1x1x8x2048xf32>
    %get3A_51 = vector.shape_cast %get3A_50 : vector<1x1x1x8x2048xf32> to vector<8x2048xf32>
    %add3A_52 = arith.addf %add3A_44, %get3A_51 : vector<8x2048xf32>
    %get3A_53 = arith.constant 0 : index
    %get3A_54 = arith.constant 3 : index
    %get3A_55 = arith.constant 0 : index
    %get3A_56 = arith.constant 8 : index
    %get3A_57 = arith.constant 0 : index
    %get3A_58 = vector.load %arg1[%get3A_53, %get3A_54, %get3A_55, %get3A_56, %get3A_57] : memref<1x12x1x128x2048xf32, #tpu.memory_space<vmem>>, vector<1x1x1x8x2048xf32>
    %get3A_59 = vector.shape_cast %get3A_58 : vector<1x1x1x8x2048xf32> to vector<8x2048xf32>
    %add3A_60 = arith.addf %add3A_52, %get3A_59 : vector<8x2048xf32>
    %get3A_61 = arith.constant 0 : index
    %get3A_62 = arith.constant 0 : index
    %get3A_63 = arith.constant 0 : index
    %get3A_64 = arith.constant 16 : index
    %get3A_65 = arith.constant 0 : index
    %get3A_66 = vector.load %arg1[%get3A_61, %get3A_62, %get3A_63, %get3A_64, %get3A_65] : memref<1x12x1x128x2048xf32, #tpu.memory_space<vmem>>, vector<1x1x1x8x2048xf32>
    %get3A_67 = vector.shape_cast %get3A_66 : vector<1x1x1x8x2048xf32> to vector<8x2048xf32>
    %add3A_68 = arith.addf %add3A_60, %get3A_67 : vector<8x2048xf32>
    %get3A_69 = arith.constant 0 : index
    %get3A_70 = arith.constant 1 : index
    %get3A_71 = arith.constant 0 : index
    %get3A_72 = arith.constant 16 : index
    %get3A_73 = arith.constant 0 : index
    %get3A_74 = vector.load %arg1[%get3A_69, %get3A_70, %get3A_71, %get3A_72, %get3A_73] : memref<1x12x1x128x2048xf32, #tpu.memory_space<vmem>>, vector<1x1x1x8x2048xf32>
    %get3A_75 = vector.shape_cast %get3A_74 : vector<1x1x1x8x2048xf32> to vector<8x2048xf32>
    %add3A_76 = arith.addf %add3A_68, %get3A_75 : vector<8x2048xf32>
    %get3A_77 = arith.constant 0 : index
    %get3A_78 = arith.constant 2 : index
    %get3A_79 = arith.constant 0 : index
    %get3A_80 = arith.constant 16 : index
    %get3A_81 = arith.constant 0 : index
    %get3A_82 = vector.load %arg1[%get3A_77, %get3A_78, %get3A_79, %get3A_80, %get3A_81] : memref<1x12x1x128x2048xf32, #tpu.memory_space<vmem>>, vector<1x1x1x8x2048xf32>
    %get3A_83 = vector.shape_cast %get3A_82 : vector<1x1x1x8x2048xf32> to vector<8x2048xf32>
    %add3A_84 = arith.addf %add3A_76, %get3A_83 : vector<8x2048xf32>
    %get3A_85 = arith.constant 0 : index
    %get3A_86 = arith.constant 3 : index
    %get3A_87 = arith.constant 0 : index
    %get3A_88 = arith.constant 16 : index
    %get3A_89 = arith.constant 0 : index
    %get3A_90 = vector.load %arg1[%get3A_85, %get3A_86, %get3A_87, %get3A_88, %get3A_89] : memref<1x12x1x128x2048xf32, #tpu.memory_space<vmem>>, vector<1x1x1x8x2048xf32>
    %get3A_91 = vector.shape_cast %get3A_90 : vector<1x1x1x8x2048xf32> to vector<8x2048xf32>
    %add3A_92 = arith.addf %add3A_84, %get3A_91 : vector<8x2048xf32>
    %get3A_93 = arith.constant 0 : index
    %get3A_94 = arith.constant 0 : index
    %get3A_95 = arith.constant 0 : index
    %get3A_96 = arith.constant 24 : index
    %get3A_97 = arith.constant 0 : index
    %get3A_98 = vector.load %arg1[%get3A_93, %get3A_94, %get3A_95, %get3A_96, %get3A_97] : memref<1x12x1x128x2048xf32, #tpu.memory_space<vmem>>, vector<1x1x1x8x2048xf32>
    %get3A_99 = vector.shape_cast %get3A_98 : vector<1x1x1x8x2048xf32> to vector<8x2048xf32>
    %add3A_100 = arith.addf %add3A_92, %get3A_99 : vector<8x2048xf32>
    %get3A_101 = arith.constant 0 : index
    %get3A_102 = arith.constant 1 : index
    %get3A_103 = arith.constant 0 : index
    %get3A_104 = arith.constant 24 : index
    %get3A_105 = arith.constant 0 : index
    %get3A_106 = vector.load %arg1[%get3A_101, %get3A_102, %get3A_103, %get3A_104, %get3A_105] : memref<1x12x1x128x2048xf32, #tpu.memory_space<vmem>>, vector<1x1x1x8x2048xf32>
    %get3A_107 = vector.shape_cast %get3A_106 : vector<1x1x1x8x2048xf32> to vector<8x2048xf32>
    %add3A_108 = arith.addf %add3A_100, %get3A_107 : vector<8x2048xf32>
    %get3A_109 = arith.constant 0 : index
    %get3A_110 = arith.constant 2 : index
    %get3A_111 = arith.constant 0 : index
    %get3A_112 = arith.constant 24 : index
    %get3A_113 = arith.constant 0 : index
    %get3A_114 = vector.load %arg1[%get3A_109, %get3A_110, %get3A_111, %get3A_112, %get3A_113] : memref<1x12x1x128x2048xf32, #tpu.memory_space<vmem>>, vector<1x1x1x8x2048xf32>
    %get3A_115 = vector.shape_cast %get3A_114 : vector<1x1x1x8x2048xf32> to vector<8x2048xf32>
    %add3A_116 = arith.addf %add3A_108, %get3A_115 : vector<8x2048xf32>
    %get3A_117 = arith.constant 0 : index
    %get3A_118 = arith.constant 3 : index
    %get3A_119 = arith.constant 0 : index
    %get3A_120 = arith.constant 24 : index
    %get3A_121 = arith.constant 0 : index
    %get3A_122 = vector.load %arg1[%get3A_117, %get3A_118, %get3A_119, %get3A_120, %get3A_121] : memref<1x12x1x128x2048xf32, #tpu.memory_space<vmem>>, vector<1x1x1x8x2048xf32>
    %get3A_123 = vector.shape_cast %get3A_122 : vector<1x1x1x8x2048xf32> to vector<8x2048xf32>
    %add3A_124 = arith.addf %add3A_116, %get3A_123 : vector<8x2048xf32>
    %get3A_125 = arith.constant 0 : index
    %get3A_126 = arith.constant 0 : index
    %get3A_127 = arith.constant 0 : index
    %get3A_128 = arith.constant 32 : index
    %get3A_129 = arith.constant 0 : index
    %get3A_130 = vector.load %arg1[%get3A_125, %get3A_126, %get3A_127, %get3A_128, %get3A_129] : memref<1x12x1x128x2048xf32, #tpu.memory_space<vmem>>, vector<1x1x1x8x2048xf32>
    %get3A_131 = vector.shape_cast %get3A_130 : vector<1x1x1x8x2048xf32> to vector<8x2048xf32>
    %add3A_132 = arith.addf %add3A_124, %get3A_131 : vector<8x2048xf32>
    %get3A_133 = arith.constant 0 : index
    %get3A_134 = arith.constant 1 : index
    %get3A_135 = arith.constant 0 : index
    %get3A_136 = arith.constant 32 : index
    %get3A_137 = arith.constant 0 : index
    %get3A_138 = vector.load %arg1[%get3A_133, %get3A_134, %get3A_135, %get3A_136, %get3A_137] : memref<1x12x1x128x2048xf32, #tpu.memory_space<vmem>>, vector<1x1x1x8x2048xf32>
    %get3A_139 = vector.shape_cast %get3A_138 : vector<1x1x1x8x2048xf32> to vector<8x2048xf32>
    %add3A_140 = arith.addf %add3A_132, %get3A_139 : vector<8x2048xf32>
    %get3A_141 = arith.constant 0 : index
    %get3A_142 = arith.constant 2 : index
    %get3A_143 = arith.constant 0 : index
    %get3A_144 = arith.constant 32 : index
    %get3A_145 = arith.constant 0 : index
    %get3A_146 = vector.load %arg1[%get3A_141, %get3A_142, %get3A_143, %get3A_144, %get3A_145] : memref<1x12x1x128x2048xf32, #tpu.memory_space<vmem>>, vector<1x1x1x8x2048xf32>
    %get3A_147 = vector.shape_cast %get3A_146 : vector<1x1x1x8x2048xf32> to vector<8x2048xf32>
    %add3A_148 = arith.addf %add3A_140, %get3A_147 : vector<8x2048xf32>
    %get3A_149 = arith.constant 0 : index
    %get3A_150 = arith.constant 3 : index
    %get3A_151 = arith.constant 0 : index
    %get3A_152 = arith.constant 32 : index
    %get3A_153 = arith.constant 0 : index
    %get3A_154 = vector.load %arg1[%get3A_149, %get3A_150, %get3A_151, %get3A_152, %get3A_153] : memref<1x12x1x128x2048xf32, #tpu.memory_space<vmem>>, vector<1x1x1x8x2048xf32>
    %get3A_155 = vector.shape_cast %get3A_154 : vector<1x1x1x8x2048xf32> to vector<8x2048xf32>
    %add3A_156 = arith.addf %add3A_148, %get3A_155 : vector<8x2048xf32>
    %get3A_157 = arith.constant 0 : index
    %get3A_158 = arith.constant 0 : index
    %get3A_159 = arith.constant 0 : index
    %get3A_160 = arith.constant 40 : index
    %get3A_161 = arith.constant 0 : index
    %get3A_162 = vector.load %arg1[%get3A_157, %get3A_158, %get3A_159, %get3A_160, %get3A_161] : memref<1x12x1x128x2048xf32, #tpu.memory_space<vmem>>, vector<1x1x1x8x2048xf32>
    %get3A_163 = vector.shape_cast %get3A_162 : vector<1x1x1x8x2048xf32> to vector<8x2048xf32>
    %add3A_164 = arith.addf %add3A_156, %get3A_163 : vector<8x2048xf32>
    %get3A_165 = arith.constant 0 : index
    %get3A_166 = arith.constant 1 : index
    %get3A_167 = arith.constant 0 : index
    %get3A_168 = arith.constant 40 : index
    %get3A_169 = arith.constant 0 : index
    %get3A_170 = vector.load %arg1[%get3A_165, %get3A_166, %get3A_167, %get3A_168, %get3A_169] : memref<1x12x1x128x2048xf32, #tpu.memory_space<vmem>>, vector<1x1x1x8x2048xf32>
    %get3A_171 = vector.shape_cast %get3A_170 : vector<1x1x1x8x2048xf32> to vector<8x2048xf32>
    %add3A_172 = arith.addf %add3A_164, %get3A_171 : vector<8x2048xf32>
    %get3A_173 = arith.constant 0 : index
    %get3A_174 = arith.constant 2 : index
    %get3A_175 = arith.constant 0 : index
    %get3A_176 = arith.constant 40 : index
    %get3A_177 = arith.constant 0 : index
    %get3A_178 = vector.load %arg1[%get3A_173, %get3A_174, %get3A_175, %get3A_176, %get3A_177] : memref<1x12x1x128x2048xf32, #tpu.memory_space<vmem>>, vector<1x1x1x8x2048xf32>
    %get3A_179 = vector.shape_cast %get3A_178 : vector<1x1x1x8x2048xf32> to vector<8x2048xf32>
    %add3A_180 = arith.addf %add3A_172, %get3A_179 : vector<8x2048xf32>
    %get3A_181 = arith.constant 0 : index
    %get3A_182 = arith.constant 3 : index
    %get3A_183 = arith.constant 0 : index
    %get3A_184 = arith.constant 40 : index
    %get3A_185 = arith.constant 0 : index
    %get3A_186 = vector.load %arg1[%get3A_181, %get3A_182, %get3A_183, %get3A_184, %get3A_185] : memref<1x12x1x128x2048xf32, #tpu.memory_space<vmem>>, vector<1x1x1x8x2048xf32>
    %get3A_187 = vector.shape_cast %get3A_186 : vector<1x1x1x8x2048xf32> to vector<8x2048xf32>
    %add3A_188 = arith.addf %add3A_180, %get3A_187 : vector<8x2048xf32>
    %get3A_189 = arith.constant 0 : index
    %get3A_190 = arith.constant 0 : index
    %get3A_191 = arith.constant 0 : index
    %get3A_192 = arith.constant 48 : index
    %get3A_193 = arith.constant 0 : index
    %get3A_194 = vector.load %arg1[%get3A_189, %get3A_190, %get3A_191, %get3A_192, %get3A_193] : memref<1x12x1x128x2048xf32, #tpu.memory_space<vmem>>, vector<1x1x1x8x2048xf32>
    %get3A_195 = vector.shape_cast %get3A_194 : vector<1x1x1x8x2048xf32> to vector<8x2048xf32>
    %add3A_196 = arith.addf %add3A_188, %get3A_195 : vector<8x2048xf32>
    %get3A_197 = arith.constant 0 : index
    %get3A_198 = arith.constant 1 : index
    %get3A_199 = arith.constant 0 : index
    %get3A_200 = arith.constant 48 : index
    %get3A_201 = arith.constant 0 : index
    %get3A_202 = vector.load %arg1[%get3A_197, %get3A_198, %get3A_199, %get3A_200, %get3A_201] : memref<1x12x1x128x2048xf32, #tpu.memory_space<vmem>>, vector<1x1x1x8x2048xf32>
    %get3A_203 = vector.shape_cast %get3A_202 : vector<1x1x1x8x2048xf32> to vector<8x2048xf32>
    %add3A_204 = arith.addf %add3A_196, %get3A_203 : vector<8x2048xf32>
    %get3A_205 = arith.constant 0 : index
    %get3A_206 = arith.constant 2 : index
    %get3A_207 = arith.constant 0 : index
    %get3A_208 = arith.constant 48 : index
    %get3A_209 = arith.constant 0 : index
    %get3A_210 = vector.load %arg1[%get3A_205, %get3A_206, %get3A_207, %get3A_208, %get3A_209] : memref<1x12x1x128x2048xf32, #tpu.memory_space<vmem>>, vector<1x1x1x8x2048xf32>
    %get3A_211 = vector.shape_cast %get3A_210 : vector<1x1x1x8x2048xf32> to vector<8x2048xf32>
    %add3A_212 = arith.addf %add3A_204, %get3A_211 : vector<8x2048xf32>
    %get3A_213 = arith.constant 0 : index
    %get3A_214 = arith.constant 3 : index
    %get3A_215 = arith.constant 0 : index
    %get3A_216 = arith.constant 48 : index
    %get3A_217 = arith.constant 0 : index
    %get3A_218 = vector.load %arg1[%get3A_213, %get3A_214, %get3A_215, %get3A_216, %get3A_217] : memref<1x12x1x128x2048xf32, #tpu.memory_space<vmem>>, vector<1x1x1x8x2048xf32>
    %get3A_219 = vector.shape_cast %get3A_218 : vector<1x1x1x8x2048xf32> to vector<8x2048xf32>
    %add3A_220 = arith.addf %add3A_212, %get3A_219 : vector<8x2048xf32>
    %get3A_221 = arith.constant 0 : index
    %get3A_222 = arith.constant 0 : index
    %get3A_223 = arith.constant 0 : index
    %get3A_224 = arith.constant 56 : index
    %get3A_225 = arith.constant 0 : index
    %get3A_226 = vector.load %arg1[%get3A_221, %get3A_222, %get3A_223, %get3A_224, %get3A_225] : memref<1x12x1x128x2048xf32, #tpu.memory_space<vmem>>, vector<1x1x1x8x2048xf32>
    %get3A_227 = vector.shape_cast %get3A_226 : vector<1x1x1x8x2048xf32> to vector<8x2048xf32>
    %add3A_228 = arith.addf %add3A_220, %get3A_227 : vector<8x2048xf32>
    %get3A_229 = arith.constant 0 : index
    %get3A_230 = arith.constant 1 : index
    %get3A_231 = arith.constant 0 : index
    %get3A_232 = arith.constant 56 : index
    %get3A_233 = arith.constant 0 : index
    %get3A_234 = vector.load %arg1[%get3A_229, %get3A_230, %get3A_231, %get3A_232, %get3A_233] : memref<1x12x1x128x2048xf32, #tpu.memory_space<vmem>>, vector<1x1x1x8x2048xf32>
    %get3A_235 = vector.shape_cast %get3A_234 : vector<1x1x1x8x2048xf32> to vector<8x2048xf32>
    %add3A_236 = arith.addf %add3A_228, %get3A_235 : vector<8x2048xf32>
    %get3A_237 = arith.constant 0 : index
    %get3A_238 = arith.constant 2 : index
    %get3A_239 = arith.constant 0 : index
    %get3A_240 = arith.constant 56 : index
    %get3A_241 = arith.constant 0 : index
    %get3A_242 = vector.load %arg1[%get3A_237, %get3A_238, %get3A_239, %get3A_240, %get3A_241] : memref<1x12x1x128x2048xf32, #tpu.memory_space<vmem>>, vector<1x1x1x8x2048xf32>
    %get3A_243 = vector.shape_cast %get3A_242 : vector<1x1x1x8x2048xf32> to vector<8x2048xf32>
    %add3A_244 = arith.addf %add3A_236, %get3A_243 : vector<8x2048xf32>
    %get3A_245 = arith.constant 0 : index
    %get3A_246 = arith.constant 3 : index
    %get3A_247 = arith.constant 0 : index
    %get3A_248 = arith.constant 56 : index
    %get3A_249 = arith.constant 0 : index
    %get3A_250 = vector.load %arg1[%get3A_245, %get3A_246, %get3A_247, %get3A_248, %get3A_249] : memref<1x12x1x128x2048xf32, #tpu.memory_space<vmem>>, vector<1x1x1x8x2048xf32>
    %get3A_251 = vector.shape_cast %get3A_250 : vector<1x1x1x8x2048xf32> to vector<8x2048xf32>
    %add3A_252 = arith.addf %add3A_244, %get3A_251 : vector<8x2048xf32>
    %get3A_253 = arith.constant 0 : index
    %get3A_254 = arith.constant 0 : index
    %get3A_255 = arith.constant 0 : index
    %get3A_256 = arith.constant 64 : index
    %get3A_257 = arith.constant 0 : index
    %get3A_258 = vector.load %arg1[%get3A_253, %get3A_254, %get3A_255, %get3A_256, %get3A_257] : memref<1x12x1x128x2048xf32, #tpu.memory_space<vmem>>, vector<1x1x1x8x2048xf32>
    %get3A_259 = vector.shape_cast %get3A_258 : vector<1x1x1x8x2048xf32> to vector<8x2048xf32>
    %add3A_260 = arith.addf %add3A_252, %get3A_259 : vector<8x2048xf32>
    %get3A_261 = arith.constant 0 : index
    %get3A_262 = arith.constant 1 : index
    %get3A_263 = arith.constant 0 : index
    %get3A_264 = arith.constant 64 : index
    %get3A_265 = arith.constant 0 : index
    %get3A_266 = vector.load %arg1[%get3A_261, %get3A_262, %get3A_263, %get3A_264, %get3A_265] : memref<1x12x1x128x2048xf32, #tpu.memory_space<vmem>>, vector<1x1x1x8x2048xf32>
    %get3A_267 = vector.shape_cast %get3A_266 : vector<1x1x1x8x2048xf32> to vector<8x2048xf32>
    %add3A_268 = arith.addf %add3A_260, %get3A_267 : vector<8x2048xf32>
    %get3A_269 = arith.constant 0 : index
    %get3A_270 = arith.constant 2 : index
    %get3A_271 = arith.constant 0 : index
    %get3A_272 = arith.constant 64 : index
    %get3A_273 = arith.constant 0 : index
    %get3A_274 = vector.load %arg1[%get3A_269, %get3A_270, %get3A_271, %get3A_272, %get3A_273] : memref<1x12x1x128x2048xf32, #tpu.memory_space<vmem>>, vector<1x1x1x8x2048xf32>
    %get3A_275 = vector.shape_cast %get3A_274 : vector<1x1x1x8x2048xf32> to vector<8x2048xf32>
    %add3A_276 = arith.addf %add3A_268, %get3A_275 : vector<8x2048xf32>
    %get3A_277 = arith.constant 0 : index
    %get3A_278 = arith.constant 3 : index
    %get3A_279 = arith.constant 0 : index
    %get3A_280 = arith.constant 64 : index
    %get3A_281 = arith.constant 0 : index
    %get3A_282 = vector.load %arg1[%get3A_277, %get3A_278, %get3A_279, %get3A_280, %get3A_281] : memref<1x12x1x128x2048xf32, #tpu.memory_space<vmem>>, vector<1x1x1x8x2048xf32>
    %get3A_283 = vector.shape_cast %get3A_282 : vector<1x1x1x8x2048xf32> to vector<8x2048xf32>
    %add3A_284 = arith.addf %add3A_276, %get3A_283 : vector<8x2048xf32>
    %get3A_285 = arith.constant 0 : index
    %get3A_286 = arith.constant 0 : index
    %get3A_287 = arith.constant 0 : index
    %get3A_288 = arith.constant 72 : index
    %get3A_289 = arith.constant 0 : index
    %get3A_290 = vector.load %arg1[%get3A_285, %get3A_286, %get3A_287, %get3A_288, %get3A_289] : memref<1x12x1x128x2048xf32, #tpu.memory_space<vmem>>, vector<1x1x1x8x2048xf32>
    %get3A_291 = vector.shape_cast %get3A_290 : vector<1x1x1x8x2048xf32> to vector<8x2048xf32>
    %add3A_292 = arith.addf %add3A_284, %get3A_291 : vector<8x2048xf32>
    %get3A_293 = arith.constant 0 : index
    %get3A_294 = arith.constant 1 : index
    %get3A_295 = arith.constant 0 : index
    %get3A_296 = arith.constant 72 : index
    %get3A_297 = arith.constant 0 : index
    %get3A_298 = vector.load %arg1[%get3A_293, %get3A_294, %get3A_295, %get3A_296, %get3A_297] : memref<1x12x1x128x2048xf32, #tpu.memory_space<vmem>>, vector<1x1x1x8x2048xf32>
    %get3A_299 = vector.shape_cast %get3A_298 : vector<1x1x1x8x2048xf32> to vector<8x2048xf32>
    %add3A_300 = arith.addf %add3A_292, %get3A_299 : vector<8x2048xf32>
    %get3A_301 = arith.constant 0 : index
    %get3A_302 = arith.constant 2 : index
    %get3A_303 = arith.constant 0 : index
    %get3A_304 = arith.constant 72 : index
    %get3A_305 = arith.constant 0 : index
    %get3A_306 = vector.load %arg1[%get3A_301, %get3A_302, %get3A_303, %get3A_304, %get3A_305] : memref<1x12x1x128x2048xf32, #tpu.memory_space<vmem>>, vector<1x1x1x8x2048xf32>
    %get3A_307 = vector.shape_cast %get3A_306 : vector<1x1x1x8x2048xf32> to vector<8x2048xf32>
    %add3A_308 = arith.addf %add3A_300, %get3A_307 : vector<8x2048xf32>
    %get3A_309 = arith.constant 0 : index
    %get3A_310 = arith.constant 3 : index
    %get3A_311 = arith.constant 0 : index
    %get3A_312 = arith.constant 72 : index
    %get3A_313 = arith.constant 0 : index
    %get3A_314 = vector.load %arg1[%get3A_309, %get3A_310, %get3A_311, %get3A_312, %get3A_313] : memref<1x12x1x128x2048xf32, #tpu.memory_space<vmem>>, vector<1x1x1x8x2048xf32>
    %get3A_315 = vector.shape_cast %get3A_314 : vector<1x1x1x8x2048xf32> to vector<8x2048xf32>
    %add3A_316 = arith.addf %add3A_308, %get3A_315 : vector<8x2048xf32>
    %get3A_317 = arith.constant 0 : index
    %get3A_318 = arith.constant 0 : index
    %get3A_319 = arith.constant 0 : index
    %get3A_320 = arith.constant 80 : index
    %get3A_321 = arith.constant 0 : index
    %get3A_322 = vector.load %arg1[%get3A_317, %get3A_318, %get3A_319, %get3A_320, %get3A_321] : memref<1x12x1x128x2048xf32, #tpu.memory_space<vmem>>, vector<1x1x1x8x2048xf32>
    %get3A_323 = vector.shape_cast %get3A_322 : vector<1x1x1x8x2048xf32> to vector<8x2048xf32>
    %add3A_324 = arith.addf %add3A_316, %get3A_323 : vector<8x2048xf32>
    %get3A_325 = arith.constant 0 : index
    %get3A_326 = arith.constant 1 : index
    %get3A_327 = arith.constant 0 : index
    %get3A_328 = arith.constant 80 : index
    %get3A_329 = arith.constant 0 : index
    %get3A_330 = vector.load %arg1[%get3A_325, %get3A_326, %get3A_327, %get3A_328, %get3A_329] : memref<1x12x1x128x2048xf32, #tpu.memory_space<vmem>>, vector<1x1x1x8x2048xf32>
    %get3A_331 = vector.shape_cast %get3A_330 : vector<1x1x1x8x2048xf32> to vector<8x2048xf32>
    %add3A_332 = arith.addf %add3A_324, %get3A_331 : vector<8x2048xf32>
    %get3A_333 = arith.constant 0 : index
    %get3A_334 = arith.constant 2 : index
    %get3A_335 = arith.constant 0 : index
    %get3A_336 = arith.constant 80 : index
    %get3A_337 = arith.constant 0 : index
    %get3A_338 = vector.load %arg1[%get3A_333, %get3A_334, %get3A_335, %get3A_336, %get3A_337] : memref<1x12x1x128x2048xf32, #tpu.memory_space<vmem>>, vector<1x1x1x8x2048xf32>
    %get3A_339 = vector.shape_cast %get3A_338 : vector<1x1x1x8x2048xf32> to vector<8x2048xf32>
    %add3A_340 = arith.addf %add3A_332, %get3A_339 : vector<8x2048xf32>
    %get3A_341 = arith.constant 0 : index
    %get3A_342 = arith.constant 3 : index
    %get3A_343 = arith.constant 0 : index
    %get3A_344 = arith.constant 80 : index
    %get3A_345 = arith.constant 0 : index
    %get3A_346 = vector.load %arg1[%get3A_341, %get3A_342, %get3A_343, %get3A_344, %get3A_345] : memref<1x12x1x128x2048xf32, #tpu.memory_space<vmem>>, vector<1x1x1x8x2048xf32>
    %get3A_347 = vector.shape_cast %get3A_346 : vector<1x1x1x8x2048xf32> to vector<8x2048xf32>
    %add3A_348 = arith.addf %add3A_340, %get3A_347 : vector<8x2048xf32>
    %get3A_349 = arith.constant 0 : index
    %get3A_350 = arith.constant 0 : index
    %get3A_351 = arith.constant 0 : index
    %get3A_352 = arith.constant 88 : index
    %get3A_353 = arith.constant 0 : index
    %get3A_354 = vector.load %arg1[%get3A_349, %get3A_350, %get3A_351, %get3A_352, %get3A_353] : memref<1x12x1x128x2048xf32, #tpu.memory_space<vmem>>, vector<1x1x1x8x2048xf32>
    %get3A_355 = vector.shape_cast %get3A_354 : vector<1x1x1x8x2048xf32> to vector<8x2048xf32>
    %add3A_356 = arith.addf %add3A_348, %get3A_355 : vector<8x2048xf32>
    %get3A_357 = arith.constant 0 : index
    %get3A_358 = arith.constant 1 : index
    %get3A_359 = arith.constant 0 : index
    %get3A_360 = arith.constant 88 : index
    %get3A_361 = arith.constant 0 : index
    %get3A_362 = vector.load %arg1[%get3A_357, %get3A_358, %get3A_359, %get3A_360, %get3A_361] : memref<1x12x1x128x2048xf32, #tpu.memory_space<vmem>>, vector<1x1x1x8x2048xf32>
    %get3A_363 = vector.shape_cast %get3A_362 : vector<1x1x1x8x2048xf32> to vector<8x2048xf32>
    %add3A_364 = arith.addf %add3A_356, %get3A_363 : vector<8x2048xf32>
    %get3A_365 = arith.constant 0 : index
    %get3A_366 = arith.constant 2 : index
    %get3A_367 = arith.constant 0 : index
    %get3A_368 = arith.constant 88 : index
    %get3A_369 = arith.constant 0 : index
    %get3A_370 = vector.load %arg1[%get3A_365, %get3A_366, %get3A_367, %get3A_368, %get3A_369] : memref<1x12x1x128x2048xf32, #tpu.memory_space<vmem>>, vector<1x1x1x8x2048xf32>
    %get3A_371 = vector.shape_cast %get3A_370 : vector<1x1x1x8x2048xf32> to vector<8x2048xf32>
    %add3A_372 = arith.addf %add3A_364, %get3A_371 : vector<8x2048xf32>
    %get3A_373 = arith.constant 0 : index
    %get3A_374 = arith.constant 3 : index
    %get3A_375 = arith.constant 0 : index
    %get3A_376 = arith.constant 88 : index
    %get3A_377 = arith.constant 0 : index
    %get3A_378 = vector.load %arg1[%get3A_373, %get3A_374, %get3A_375, %get3A_376, %get3A_377] : memref<1x12x1x128x2048xf32, #tpu.memory_space<vmem>>, vector<1x1x1x8x2048xf32>
    %get3A_379 = vector.shape_cast %get3A_378 : vector<1x1x1x8x2048xf32> to vector<8x2048xf32>
    %add3A_380 = arith.addf %add3A_372, %get3A_379 : vector<8x2048xf32>
    %get3A_381 = arith.constant 0 : index
    %get3A_382 = arith.constant 0 : index
    %get3A_383 = arith.constant 0 : index
    %get3A_384 = arith.constant 96 : index
    %get3A_385 = arith.constant 0 : index
    %get3A_386 = vector.load %arg1[%get3A_381, %get3A_382, %get3A_383, %get3A_384, %get3A_385] : memref<1x12x1x128x2048xf32, #tpu.memory_space<vmem>>, vector<1x1x1x8x2048xf32>
    %get3A_387 = vector.shape_cast %get3A_386 : vector<1x1x1x8x2048xf32> to vector<8x2048xf32>
    %add3A_388 = arith.addf %add3A_380, %get3A_387 : vector<8x2048xf32>
    %get3A_389 = arith.constant 0 : index
    %get3A_390 = arith.constant 1 : index
    %get3A_391 = arith.constant 0 : index
    %get3A_392 = arith.constant 96 : index
    %get3A_393 = arith.constant 0 : index
    %get3A_394 = vector.load %arg1[%get3A_389, %get3A_390, %get3A_391, %get3A_392, %get3A_393] : memref<1x12x1x128x2048xf32, #tpu.memory_space<vmem>>, vector<1x1x1x8x2048xf32>
    %get3A_395 = vector.shape_cast %get3A_394 : vector<1x1x1x8x2048xf32> to vector<8x2048xf32>
    %add3A_396 = arith.addf %add3A_388, %get3A_395 : vector<8x2048xf32>
    %get3A_397 = arith.constant 0 : index
    %get3A_398 = arith.constant 2 : index
    %get3A_399 = arith.constant 0 : index
    %get3A_400 = arith.constant 96 : index
    %get3A_401 = arith.constant 0 : index
    %get3A_402 = vector.load %arg1[%get3A_397, %get3A_398, %get3A_399, %get3A_400, %get3A_401] : memref<1x12x1x128x2048xf32, #tpu.memory_space<vmem>>, vector<1x1x1x8x2048xf32>
    %get3A_403 = vector.shape_cast %get3A_402 : vector<1x1x1x8x2048xf32> to vector<8x2048xf32>
    %add3A_404 = arith.addf %add3A_396, %get3A_403 : vector<8x2048xf32>
    %get3A_405 = arith.constant 0 : index
    %get3A_406 = arith.constant 3 : index
    %get3A_407 = arith.constant 0 : index
    %get3A_408 = arith.constant 96 : index
    %get3A_409 = arith.constant 0 : index
    %get3A_410 = vector.load %arg1[%get3A_405, %get3A_406, %get3A_407, %get3A_408, %get3A_409] : memref<1x12x1x128x2048xf32, #tpu.memory_space<vmem>>, vector<1x1x1x8x2048xf32>
    %get3A_411 = vector.shape_cast %get3A_410 : vector<1x1x1x8x2048xf32> to vector<8x2048xf32>
    %add3A_412 = arith.addf %add3A_404, %get3A_411 : vector<8x2048xf32>
    %get3A_413 = arith.constant 0 : index
    %get3A_414 = arith.constant 0 : index
    %get3A_415 = arith.constant 0 : index
    %get3A_416 = arith.constant 104 : index
    %get3A_417 = arith.constant 0 : index
    %get3A_418 = vector.load %arg1[%get3A_413, %get3A_414, %get3A_415, %get3A_416, %get3A_417] : memref<1x12x1x128x2048xf32, #tpu.memory_space<vmem>>, vector<1x1x1x8x2048xf32>
    %get3A_419 = vector.shape_cast %get3A_418 : vector<1x1x1x8x2048xf32> to vector<8x2048xf32>
    %add3A_420 = arith.addf %add3A_412, %get3A_419 : vector<8x2048xf32>
    %get3A_421 = arith.constant 0 : index
    %get3A_422 = arith.constant 1 : index
    %get3A_423 = arith.constant 0 : index
    %get3A_424 = arith.constant 104 : index
    %get3A_425 = arith.constant 0 : index
    %get3A_426 = vector.load %arg1[%get3A_421, %get3A_422, %get3A_423, %get3A_424, %get3A_425] : memref<1x12x1x128x2048xf32, #tpu.memory_space<vmem>>, vector<1x1x1x8x2048xf32>
    %get3A_427 = vector.shape_cast %get3A_426 : vector<1x1x1x8x2048xf32> to vector<8x2048xf32>
    %add3A_428 = arith.addf %add3A_420, %get3A_427 : vector<8x2048xf32>
    %get3A_429 = arith.constant 0 : index
    %get3A_430 = arith.constant 2 : index
    %get3A_431 = arith.constant 0 : index
    %get3A_432 = arith.constant 104 : index
    %get3A_433 = arith.constant 0 : index
    %get3A_434 = vector.load %arg1[%get3A_429, %get3A_430, %get3A_431, %get3A_432, %get3A_433] : memref<1x12x1x128x2048xf32, #tpu.memory_space<vmem>>, vector<1x1x1x8x2048xf32>
    %get3A_435 = vector.shape_cast %get3A_434 : vector<1x1x1x8x2048xf32> to vector<8x2048xf32>
    %add3A_436 = arith.addf %add3A_428, %get3A_435 : vector<8x2048xf32>
    %get3A_437 = arith.constant 0 : index
    %get3A_438 = arith.constant 3 : index
    %get3A_439 = arith.constant 0 : index
    %get3A_440 = arith.constant 104 : index
    %get3A_441 = arith.constant 0 : index
    %get3A_442 = vector.load %arg1[%get3A_437, %get3A_438, %get3A_439, %get3A_440, %get3A_441] : memref<1x12x1x128x2048xf32, #tpu.memory_space<vmem>>, vector<1x1x1x8x2048xf32>
    %get3A_443 = vector.shape_cast %get3A_442 : vector<1x1x1x8x2048xf32> to vector<8x2048xf32>
    %add3A_444 = arith.addf %add3A_436, %get3A_443 : vector<8x2048xf32>
    %get3A_445 = arith.constant 0 : index
    %get3A_446 = arith.constant 0 : index
    %get3A_447 = arith.constant 0 : index
    %get3A_448 = arith.constant 112 : index
    %get3A_449 = arith.constant 0 : index
    %get3A_450 = vector.load %arg1[%get3A_445, %get3A_446, %get3A_447, %get3A_448, %get3A_449] : memref<1x12x1x128x2048xf32, #tpu.memory_space<vmem>>, vector<1x1x1x8x2048xf32>
    %get3A_451 = vector.shape_cast %get3A_450 : vector<1x1x1x8x2048xf32> to vector<8x2048xf32>
    %add3A_452 = arith.addf %add3A_444, %get3A_451 : vector<8x2048xf32>
    %get3A_453 = arith.constant 0 : index
    %get3A_454 = arith.constant 1 : index
    %get3A_455 = arith.constant 0 : index
    %get3A_456 = arith.constant 112 : index
    %get3A_457 = arith.constant 0 : index
    %get3A_458 = vector.load %arg1[%get3A_453, %get3A_454, %get3A_455, %get3A_456, %get3A_457] : memref<1x12x1x128x2048xf32, #tpu.memory_space<vmem>>, vector<1x1x1x8x2048xf32>
    %get3A_459 = vector.shape_cast %get3A_458 : vector<1x1x1x8x2048xf32> to vector<8x2048xf32>
    %add3A_460 = arith.addf %add3A_452, %get3A_459 : vector<8x2048xf32>
    %get3A_461 = arith.constant 0 : index
    %get3A_462 = arith.constant 2 : index
    %get3A_463 = arith.constant 0 : index
    %get3A_464 = arith.constant 112 : index
    %get3A_465 = arith.constant 0 : index
    %get3A_466 = vector.load %arg1[%get3A_461, %get3A_462, %get3A_463, %get3A_464, %get3A_465] : memref<1x12x1x128x2048xf32, #tpu.memory_space<vmem>>, vector<1x1x1x8x2048xf32>
    %get3A_467 = vector.shape_cast %get3A_466 : vector<1x1x1x8x2048xf32> to vector<8x2048xf32>
    %add3A_468 = arith.addf %add3A_460, %get3A_467 : vector<8x2048xf32>
    %get3A_469 = arith.constant 0 : index
    %get3A_470 = arith.constant 3 : index
    %get3A_471 = arith.constant 0 : index
    %get3A_472 = arith.constant 112 : index
    %get3A_473 = arith.constant 0 : index
    %get3A_474 = vector.load %arg1[%get3A_469, %get3A_470, %get3A_471, %get3A_472, %get3A_473] : memref<1x12x1x128x2048xf32, #tpu.memory_space<vmem>>, vector<1x1x1x8x2048xf32>
    %get3A_475 = vector.shape_cast %get3A_474 : vector<1x1x1x8x2048xf32> to vector<8x2048xf32>
    %add3A_476 = arith.addf %add3A_468, %get3A_475 : vector<8x2048xf32>
    %get3A_477 = arith.constant 0 : index
    %get3A_478 = arith.constant 0 : index
    %get3A_479 = arith.constant 0 : index
    %get3A_480 = arith.constant 120 : index
    %get3A_481 = arith.constant 0 : index
    %get3A_482 = vector.load %arg1[%get3A_477, %get3A_478, %get3A_479, %get3A_480, %get3A_481] : memref<1x12x1x128x2048xf32, #tpu.memory_space<vmem>>, vector<1x1x1x8x2048xf32>
    %get3A_483 = vector.shape_cast %get3A_482 : vector<1x1x1x8x2048xf32> to vector<8x2048xf32>
    %add3A_484 = arith.addf %add3A_476, %get3A_483 : vector<8x2048xf32>
    %get3A_485 = arith.constant 0 : index
    %get3A_486 = arith.constant 1 : index
    %get3A_487 = arith.constant 0 : index
    %get3A_488 = arith.constant 120 : index
    %get3A_489 = arith.constant 0 : index
    %get3A_490 = vector.load %arg1[%get3A_485, %get3A_486, %get3A_487, %get3A_488, %get3A_489] : memref<1x12x1x128x2048xf32, #tpu.memory_space<vmem>>, vector<1x1x1x8x2048xf32>
    %get3A_491 = vector.shape_cast %get3A_490 : vector<1x1x1x8x2048xf32> to vector<8x2048xf32>
    %add3A_492 = arith.addf %add3A_484, %get3A_491 : vector<8x2048xf32>
    %get3A_493 = arith.constant 0 : index
    %get3A_494 = arith.constant 2 : index
    %get3A_495 = arith.constant 0 : index
    %get3A_496 = arith.constant 120 : index
    %get3A_497 = arith.constant 0 : index
    %get3A_498 = vector.load %arg1[%get3A_493, %get3A_494, %get3A_495, %get3A_496, %get3A_497] : memref<1x12x1x128x2048xf32, #tpu.memory_space<vmem>>, vector<1x1x1x8x2048xf32>
    %get3A_499 = vector.shape_cast %get3A_498 : vector<1x1x1x8x2048xf32> to vector<8x2048xf32>
    %add3A_500 = arith.addf %add3A_492, %get3A_499 : vector<8x2048xf32>
    %get3A_501 = arith.constant 0 : index
    %get3A_502 = arith.constant 3 : index
    %get3A_503 = arith.constant 0 : index
    %get3A_504 = arith.constant 120 : index
    %get3A_505 = arith.constant 0 : index
    %get3A_506 = vector.load %arg1[%get3A_501, %get3A_502, %get3A_503, %get3A_504, %get3A_505] : memref<1x12x1x128x2048xf32, #tpu.memory_space<vmem>>, vector<1x1x1x8x2048xf32>
    %get3A_507 = vector.shape_cast %get3A_506 : vector<1x1x1x8x2048xf32> to vector<8x2048xf32>
    %add3A_508 = arith.addf %add3A_500, %get3A_507 : vector<8x2048xf32>
    %slice3A = vector.extract_strided_slice %add3A_508 {offsets = [0, 0], sizes = [4, 2048], strides = [1, 1]} : vector<8x2048xf32> to vector<4x2048xf32>
    %slice3A_509 = vector.extract_strided_slice %add3A_508 {offsets = [4, 0], sizes = [4, 2048], strides = [1, 1]} : vector<8x2048xf32> to vector<4x2048xf32>
    %add3A_510 = arith.addf %slice3A, %slice3A_509 : vector<4x2048xf32>
    %slice3A_511 = vector.extract_strided_slice %add3A_510 {offsets = [0, 0], sizes = [2, 2048], strides = [1, 1]} : vector<4x2048xf32> to vector<2x2048xf32>
    %slice3A_512 = vector.extract_strided_slice %add3A_510 {offsets = [2, 0], sizes = [2, 2048], strides = [1, 1]} : vector<4x2048xf32> to vector<2x2048xf32>
    %add3A_513 = arith.addf %slice3A_511, %slice3A_512 : vector<2x2048xf32>
    %slice3A_514 = vector.extract_strided_slice %add3A_513 {offsets = [0, 0], sizes = [1, 2048], strides = [1, 1]} : vector<2x2048xf32> to vector<1x2048xf32>
    %slice3A_515 = vector.extract_strided_slice %add3A_513 {offsets = [1, 0], sizes = [1, 2048], strides = [1, 1]} : vector<2x2048xf32> to vector<1x2048xf32>
    %add3A_516 = arith.addf %slice3A_514, %slice3A_515 : vector<1x2048xf32>
    %get3A_517 = arith.constant 0 : index
    %get3A_518 = arith.constant 4 : index
    %get3A_519 = arith.constant 0 : index
    %get3A_520 = arith.constant 0 : index
    %get3A_521 = arith.constant 0 : index
    %get3A_522 = vector.load %arg1[%get3A_517, %get3A_518, %get3A_519, %get3A_520, %get3A_521] : memref<1x12x1x128x2048xf32, #tpu.memory_space<vmem>>, vector<1x1x1x8x2048xf32>
    %get3A_523 = vector.shape_cast %get3A_522 : vector<1x1x1x8x2048xf32> to vector<8x2048xf32>
    %get3A_524 = arith.constant 0 : index
    %get3A_525 = arith.constant 5 : index
    %get3A_526 = arith.constant 0 : index
    %get3A_527 = arith.constant 0 : index
    %get3A_528 = arith.constant 0 : index
    %get3A_529 = vector.load %arg1[%get3A_524, %get3A_525, %get3A_526, %get3A_527, %get3A_528] : memref<1x12x1x128x2048xf32, #tpu.memory_space<vmem>>, vector<1x1x1x8x2048xf32>
    %get3A_530 = vector.shape_cast %get3A_529 : vector<1x1x1x8x2048xf32> to vector<8x2048xf32>
    %add3A_531 = arith.addf %get3A_523, %get3A_530 : vector<8x2048xf32>
    %get3A_532 = arith.constant 0 : index
    %get3A_533 = arith.constant 6 : index
    %get3A_534 = arith.constant 0 : index
    %get3A_535 = arith.constant 0 : index
    %get3A_536 = arith.constant 0 : index
    %get3A_537 = vector.load %arg1[%get3A_532, %get3A_533, %get3A_534, %get3A_535, %get3A_536] : memref<1x12x1x128x2048xf32, #tpu.memory_space<vmem>>, vector<1x1x1x8x2048xf32>
    %get3A_538 = vector.shape_cast %get3A_537 : vector<1x1x1x8x2048xf32> to vector<8x2048xf32>
    %add3A_539 = arith.addf %add3A_531, %get3A_538 : vector<8x2048xf32>
    %get3A_540 = arith.constant 0 : index
    %get3A_541 = arith.constant 7 : index
    %get3A_542 = arith.constant 0 : index
    %get3A_543 = arith.constant 0 : index
    %get3A_544 = arith.constant 0 : index
    %get3A_545 = vector.load %arg1[%get3A_540, %get3A_541, %get3A_542, %get3A_543, %get3A_544] : memref<1x12x1x128x2048xf32, #tpu.memory_space<vmem>>, vector<1x1x1x8x2048xf32>
    %get3A_546 = vector.shape_cast %get3A_545 : vector<1x1x1x8x2048xf32> to vector<8x2048xf32>
    %add3A_547 = arith.addf %add3A_539, %get3A_546 : vector<8x2048xf32>
    %get3A_548 = arith.constant 0 : index
    %get3A_549 = arith.constant 4 : index
    %get3A_550 = arith.constant 0 : index
    %get3A_551 = arith.constant 8 : index
    %get3A_552 = arith.constant 0 : index
    %get3A_553 = vector.load %arg1[%get3A_548, %get3A_549, %get3A_550, %get3A_551, %get3A_552] : memref<1x12x1x128x2048xf32, #tpu.memory_space<vmem>>, vector<1x1x1x8x2048xf32>
    %get3A_554 = vector.shape_cast %get3A_553 : vector<1x1x1x8x2048xf32> to vector<8x2048xf32>
    %add3A_555 = arith.addf %add3A_547, %get3A_554 : vector<8x2048xf32>
    %get3A_556 = arith.constant 0 : index
    %get3A_557 = arith.constant 5 : index
    %get3A_558 = arith.constant 0 : index
    %get3A_559 = arith.constant 8 : index
    %get3A_560 = arith.constant 0 : index
    %get3A_561 = vector.load %arg1[%get3A_556, %get3A_557, %get3A_558, %get3A_559, %get3A_560] : memref<1x12x1x128x2048xf32, #tpu.memory_space<vmem>>, vector<1x1x1x8x2048xf32>
    %get3A_562 = vector.shape_cast %get3A_561 : vector<1x1x1x8x2048xf32> to vector<8x2048xf32>
    %add3A_563 = arith.addf %add3A_555, %get3A_562 : vector<8x2048xf32>
    %get3A_564 = arith.constant 0 : index
    %get3A_565 = arith.constant 6 : index
    %get3A_566 = arith.constant 0 : index
    %get3A_567 = arith.constant 8 : index
    %get3A_568 = arith.constant 0 : index
    %get3A_569 = vector.load %arg1[%get3A_564, %get3A_565, %get3A_566, %get3A_567, %get3A_568] : memref<1x12x1x128x2048xf32, #tpu.memory_space<vmem>>, vector<1x1x1x8x2048xf32>
    %get3A_570 = vector.shape_cast %get3A_569 : vector<1x1x1x8x2048xf32> to vector<8x2048xf32>
    %add3A_571 = arith.addf %add3A_563, %get3A_570 : vector<8x2048xf32>
    %get3A_572 = arith.constant 0 : index
    %get3A_573 = arith.constant 7 : index
    %get3A_574 = arith.constant 0 : index
    %get3A_575 = arith.constant 8 : index
    %get3A_576 = arith.constant 0 : index
    %get3A_577 = vector.load %arg1[%get3A_572, %get3A_573, %get3A_574, %get3A_575, %get3A_576] : memref<1x12x1x128x2048xf32, #tpu.memory_space<vmem>>, vector<1x1x1x8x2048xf32>
    %get3A_578 = vector.shape_cast %get3A_577 : vector<1x1x1x8x2048xf32> to vector<8x2048xf32>
    %add3A_579 = arith.addf %add3A_571, %get3A_578 : vector<8x2048xf32>
    %get3A_580 = arith.constant 0 : index
    %get3A_581 = arith.constant 4 : index
    %get3A_582 = arith.constant 0 : index
    %get3A_583 = arith.constant 16 : index
    %get3A_584 = arith.constant 0 : index
    %get3A_585 = vector.load %arg1[%get3A_580, %get3A_581, %get3A_582, %get3A_583, %get3A_584] : memref<1x12x1x128x2048xf32, #tpu.memory_space<vmem>>, vector<1x1x1x8x2048xf32>
    %get3A_586 = vector.shape_cast %get3A_585 : vector<1x1x1x8x2048xf32> to vector<8x2048xf32>
    %add3A_587 = arith.addf %add3A_579, %get3A_586 : vector<8x2048xf32>
    %get3A_588 = arith.constant 0 : index
    %get3A_589 = arith.constant 5 : index
    %get3A_590 = arith.constant 0 : index
    %get3A_591 = arith.constant 16 : index
    %get3A_592 = arith.constant 0 : index
    %get3A_593 = vector.load %arg1[%get3A_588, %get3A_589, %get3A_590, %get3A_591, %get3A_592] : memref<1x12x1x128x2048xf32, #tpu.memory_space<vmem>>, vector<1x1x1x8x2048xf32>
    %get3A_594 = vector.shape_cast %get3A_593 : vector<1x1x1x8x2048xf32> to vector<8x2048xf32>
    %add3A_595 = arith.addf %add3A_587, %get3A_594 : vector<8x2048xf32>
    %get3A_596 = arith.constant 0 : index
    %get3A_597 = arith.constant 6 : index
    %get3A_598 = arith.constant 0 : index
    %get3A_599 = arith.constant 16 : index
    %get3A_600 = arith.constant 0 : index
    %get3A_601 = vector.load %arg1[%get3A_596, %get3A_597, %get3A_598, %get3A_599, %get3A_600] : memref<1x12x1x128x2048xf32, #tpu.memory_space<vmem>>, vector<1x1x1x8x2048xf32>
    %get3A_602 = vector.shape_cast %get3A_601 : vector<1x1x1x8x2048xf32> to vector<8x2048xf32>
    %add3A_603 = arith.addf %add3A_595, %get3A_602 : vector<8x2048xf32>
    %get3A_604 = arith.constant 0 : index
    %get3A_605 = arith.constant 7 : index
    %get3A_606 = arith.constant 0 : index
    %get3A_607 = arith.constant 16 : index
    %get3A_608 = arith.constant 0 : index
    %get3A_609 = vector.load %arg1[%get3A_604, %get3A_605, %get3A_606, %get3A_607, %get3A_608] : memref<1x12x1x128x2048xf32, #tpu.memory_space<vmem>>, vector<1x1x1x8x2048xf32>
    %get3A_610 = vector.shape_cast %get3A_609 : vector<1x1x1x8x2048xf32> to vector<8x2048xf32>
    %add3A_611 = arith.addf %add3A_603, %get3A_610 : vector<8x2048xf32>
    %get3A_612 = arith.constant 0 : index
    %get3A_613 = arith.constant 4 : index
    %get3A_614 = arith.constant 0 : index
    %get3A_615 = arith.constant 24 : index
    %get3A_616 = arith.constant 0 : index
    %get3A_617 = vector.load %arg1[%get3A_612, %get3A_613, %get3A_614, %get3A_615, %get3A_616] : memref<1x12x1x128x2048xf32, #tpu.memory_space<vmem>>, vector<1x1x1x8x2048xf32>
    %get3A_618 = vector.shape_cast %get3A_617 : vector<1x1x1x8x2048xf32> to vector<8x2048xf32>
    %add3A_619 = arith.addf %add3A_611, %get3A_618 : vector<8x2048xf32>
    %get3A_620 = arith.constant 0 : index
    %get3A_621 = arith.constant 5 : index
    %get3A_622 = arith.constant 0 : index
    %get3A_623 = arith.constant 24 : index
    %get3A_624 = arith.constant 0 : index
    %get3A_625 = vector.load %arg1[%get3A_620, %get3A_621, %get3A_622, %get3A_623, %get3A_624] : memref<1x12x1x128x2048xf32, #tpu.memory_space<vmem>>, vector<1x1x1x8x2048xf32>
    %get3A_626 = vector.shape_cast %get3A_625 : vector<1x1x1x8x2048xf32> to vector<8x2048xf32>
    %add3A_627 = arith.addf %add3A_619, %get3A_626 : vector<8x2048xf32>
    %get3A_628 = arith.constant 0 : index
    %get3A_629 = arith.constant 6 : index
    %get3A_630 = arith.constant 0 : index
    %get3A_631 = arith.constant 24 : index
    %get3A_632 = arith.constant 0 : index
    %get3A_633 = vector.load %arg1[%get3A_628, %get3A_629, %get3A_630, %get3A_631, %get3A_632] : memref<1x12x1x128x2048xf32, #tpu.memory_space<vmem>>, vector<1x1x1x8x2048xf32>
    %get3A_634 = vector.shape_cast %get3A_633 : vector<1x1x1x8x2048xf32> to vector<8x2048xf32>
    %add3A_635 = arith.addf %add3A_627, %get3A_634 : vector<8x2048xf32>
    %get3A_636 = arith.constant 0 : index
    %get3A_637 = arith.constant 7 : index
    %get3A_638 = arith.constant 0 : index
    %get3A_639 = arith.constant 24 : index
    %get3A_640 = arith.constant 0 : index
    %get3A_641 = vector.load %arg1[%get3A_636, %get3A_637, %get3A_638, %get3A_639, %get3A_640] : memref<1x12x1x128x2048xf32, #tpu.memory_space<vmem>>, vector<1x1x1x8x2048xf32>
    %get3A_642 = vector.shape_cast %get3A_641 : vector<1x1x1x8x2048xf32> to vector<8x2048xf32>
    %add3A_643 = arith.addf %add3A_635, %get3A_642 : vector<8x2048xf32>
    %get3A_644 = arith.constant 0 : index
    %get3A_645 = arith.constant 4 : index
    %get3A_646 = arith.constant 0 : index
    %get3A_647 = arith.constant 32 : index
    %get3A_648 = arith.constant 0 : index
    %get3A_649 = vector.load %arg1[%get3A_644, %get3A_645, %get3A_646, %get3A_647, %get3A_648] : memref<1x12x1x128x2048xf32, #tpu.memory_space<vmem>>, vector<1x1x1x8x2048xf32>
    %get3A_650 = vector.shape_cast %get3A_649 : vector<1x1x1x8x2048xf32> to vector<8x2048xf32>
    %add3A_651 = arith.addf %add3A_643, %get3A_650 : vector<8x2048xf32>
    %get3A_652 = arith.constant 0 : index
    %get3A_653 = arith.constant 5 : index
    %get3A_654 = arith.constant 0 : index
    %get3A_655 = arith.constant 32 : index
    %get3A_656 = arith.constant 0 : index
    %get3A_657 = vector.load %arg1[%get3A_652, %get3A_653, %get3A_654, %get3A_655, %get3A_656] : memref<1x12x1x128x2048xf32, #tpu.memory_space<vmem>>, vector<1x1x1x8x2048xf32>
    %get3A_658 = vector.shape_cast %get3A_657 : vector<1x1x1x8x2048xf32> to vector<8x2048xf32>
    %add3A_659 = arith.addf %add3A_651, %get3A_658 : vector<8x2048xf32>
    %get3A_660 = arith.constant 0 : index
    %get3A_661 = arith.constant 6 : index
    %get3A_662 = arith.constant 0 : index
    %get3A_663 = arith.constant 32 : index
    %get3A_664 = arith.constant 0 : index
    %get3A_665 = vector.load %arg1[%get3A_660, %get3A_661, %get3A_662, %get3A_663, %get3A_664] : memref<1x12x1x128x2048xf32, #tpu.memory_space<vmem>>, vector<1x1x1x8x2048xf32>
    %get3A_666 = vector.shape_cast %get3A_665 : vector<1x1x1x8x2048xf32> to vector<8x2048xf32>
    %add3A_667 = arith.addf %add3A_659, %get3A_666 : vector<8x2048xf32>
    %get3A_668 = arith.constant 0 : index
    %get3A_669 = arith.constant 7 : index
    %get3A_670 = arith.constant 0 : index
    %get3A_671 = arith.constant 32 : index
    %get3A_672 = arith.constant 0 : index
    %get3A_673 = vector.load %arg1[%get3A_668, %get3A_669, %get3A_670, %get3A_671, %get3A_672] : memref<1x12x1x128x2048xf32, #tpu.memory_space<vmem>>, vector<1x1x1x8x2048xf32>
    %get3A_674 = vector.shape_cast %get3A_673 : vector<1x1x1x8x2048xf32> to vector<8x2048xf32>
    %add3A_675 = arith.addf %add3A_667, %get3A_674 : vector<8x2048xf32>
    %get3A_676 = arith.constant 0 : index
    %get3A_677 = arith.constant 4 : index
    %get3A_678 = arith.constant 0 : index
    %get3A_679 = arith.constant 40 : index
    %get3A_680 = arith.constant 0 : index
    %get3A_681 = vector.load %arg1[%get3A_676, %get3A_677, %get3A_678, %get3A_679, %get3A_680] : memref<1x12x1x128x2048xf32, #tpu.memory_space<vmem>>, vector<1x1x1x8x2048xf32>
    %get3A_682 = vector.shape_cast %get3A_681 : vector<1x1x1x8x2048xf32> to vector<8x2048xf32>
    %add3A_683 = arith.addf %add3A_675, %get3A_682 : vector<8x2048xf32>
    %get3A_684 = arith.constant 0 : index
    %get3A_685 = arith.constant 5 : index
    %get3A_686 = arith.constant 0 : index
    %get3A_687 = arith.constant 40 : index
    %get3A_688 = arith.constant 0 : index
    %get3A_689 = vector.load %arg1[%get3A_684, %get3A_685, %get3A_686, %get3A_687, %get3A_688] : memref<1x12x1x128x2048xf32, #tpu.memory_space<vmem>>, vector<1x1x1x8x2048xf32>
    %get3A_690 = vector.shape_cast %get3A_689 : vector<1x1x1x8x2048xf32> to vector<8x2048xf32>
    %add3A_691 = arith.addf %add3A_683, %get3A_690 : vector<8x2048xf32>
    %get3A_692 = arith.constant 0 : index
    %get3A_693 = arith.constant 6 : index
    %get3A_694 = arith.constant 0 : index
    %get3A_695 = arith.constant 40 : index
    %get3A_696 = arith.constant 0 : index
    %get3A_697 = vector.load %arg1[%get3A_692, %get3A_693, %get3A_694, %get3A_695, %get3A_696] : memref<1x12x1x128x2048xf32, #tpu.memory_space<vmem>>, vector<1x1x1x8x2048xf32>
    %get3A_698 = vector.shape_cast %get3A_697 : vector<1x1x1x8x2048xf32> to vector<8x2048xf32>
    %add3A_699 = arith.addf %add3A_691, %get3A_698 : vector<8x2048xf32>
    %get3A_700 = arith.constant 0 : index
    %get3A_701 = arith.constant 7 : index
    %get3A_702 = arith.constant 0 : index
    %get3A_703 = arith.constant 40 : index
    %get3A_704 = arith.constant 0 : index
    %get3A_705 = vector.load %arg1[%get3A_700, %get3A_701, %get3A_702, %get3A_703, %get3A_704] : memref<1x12x1x128x2048xf32, #tpu.memory_space<vmem>>, vector<1x1x1x8x2048xf32>
    %get3A_706 = vector.shape_cast %get3A_705 : vector<1x1x1x8x2048xf32> to vector<8x2048xf32>
    %add3A_707 = arith.addf %add3A_699, %get3A_706 : vector<8x2048xf32>
    %get3A_708 = arith.constant 0 : index
    %get3A_709 = arith.constant 4 : index
    %get3A_710 = arith.constant 0 : index
    %get3A_711 = arith.constant 48 : index
    %get3A_712 = arith.constant 0 : index
    %get3A_713 = vector.load %arg1[%get3A_708, %get3A_709, %get3A_710, %get3A_711, %get3A_712] : memref<1x12x1x128x2048xf32, #tpu.memory_space<vmem>>, vector<1x1x1x8x2048xf32>
    %get3A_714 = vector.shape_cast %get3A_713 : vector<1x1x1x8x2048xf32> to vector<8x2048xf32>
    %add3A_715 = arith.addf %add3A_707, %get3A_714 : vector<8x2048xf32>
    %get3A_716 = arith.constant 0 : index
    %get3A_717 = arith.constant 5 : index
    %get3A_718 = arith.constant 0 : index
    %get3A_719 = arith.constant 48 : index
    %get3A_720 = arith.constant 0 : index
    %get3A_721 = vector.load %arg1[%get3A_716, %get3A_717, %get3A_718, %get3A_719, %get3A_720] : memref<1x12x1x128x2048xf32, #tpu.memory_space<vmem>>, vector<1x1x1x8x2048xf32>
    %get3A_722 = vector.shape_cast %get3A_721 : vector<1x1x1x8x2048xf32> to vector<8x2048xf32>
    %add3A_723 = arith.addf %add3A_715, %get3A_722 : vector<8x2048xf32>
    %get3A_724 = arith.constant 0 : index
    %get3A_725 = arith.constant 6 : index
    %get3A_726 = arith.constant 0 : index
    %get3A_727 = arith.constant 48 : index
    %get3A_728 = arith.constant 0 : index
    %get3A_729 = vector.load %arg1[%get3A_724, %get3A_725, %get3A_726, %get3A_727, %get3A_728] : memref<1x12x1x128x2048xf32, #tpu.memory_space<vmem>>, vector<1x1x1x8x2048xf32>
    %get3A_730 = vector.shape_cast %get3A_729 : vector<1x1x1x8x2048xf32> to vector<8x2048xf32>
    %add3A_731 = arith.addf %add3A_723, %get3A_730 : vector<8x2048xf32>
    %get3A_732 = arith.constant 0 : index
    %get3A_733 = arith.constant 7 : index
    %get3A_734 = arith.constant 0 : index
    %get3A_735 = arith.constant 48 : index
    %get3A_736 = arith.constant 0 : index
    %get3A_737 = vector.load %arg1[%get3A_732, %get3A_733, %get3A_734, %get3A_735, %get3A_736] : memref<1x12x1x128x2048xf32, #tpu.memory_space<vmem>>, vector<1x1x1x8x2048xf32>
    %get3A_738 = vector.shape_cast %get3A_737 : vector<1x1x1x8x2048xf32> to vector<8x2048xf32>
    %add3A_739 = arith.addf %add3A_731, %get3A_738 : vector<8x2048xf32>
    %get3A_740 = arith.constant 0 : index
    %get3A_741 = arith.constant 4 : index
    %get3A_742 = arith.constant 0 : index
    %get3A_743 = arith.constant 56 : index
    %get3A_744 = arith.constant 0 : index
    %get3A_745 = vector.load %arg1[%get3A_740, %get3A_741, %get3A_742, %get3A_743, %get3A_744] : memref<1x12x1x128x2048xf32, #tpu.memory_space<vmem>>, vector<1x1x1x8x2048xf32>
    %get3A_746 = vector.shape_cast %get3A_745 : vector<1x1x1x8x2048xf32> to vector<8x2048xf32>
    %add3A_747 = arith.addf %add3A_739, %get3A_746 : vector<8x2048xf32>
    %get3A_748 = arith.constant 0 : index
    %get3A_749 = arith.constant 5 : index
    %get3A_750 = arith.constant 0 : index
    %get3A_751 = arith.constant 56 : index
    %get3A_752 = arith.constant 0 : index
    %get3A_753 = vector.load %arg1[%get3A_748, %get3A_749, %get3A_750, %get3A_751, %get3A_752] : memref<1x12x1x128x2048xf32, #tpu.memory_space<vmem>>, vector<1x1x1x8x2048xf32>
    %get3A_754 = vector.shape_cast %get3A_753 : vector<1x1x1x8x2048xf32> to vector<8x2048xf32>
    %add3A_755 = arith.addf %add3A_747, %get3A_754 : vector<8x2048xf32>
    %get3A_756 = arith.constant 0 : index
    %get3A_757 = arith.constant 6 : index
    %get3A_758 = arith.constant 0 : index
    %get3A_759 = arith.constant 56 : index
    %get3A_760 = arith.constant 0 : index
    %get3A_761 = vector.load %arg1[%get3A_756, %get3A_757, %get3A_758, %get3A_759, %get3A_760] : memref<1x12x1x128x2048xf32, #tpu.memory_space<vmem>>, vector<1x1x1x8x2048xf32>
    %get3A_762 = vector.shape_cast %get3A_761 : vector<1x1x1x8x2048xf32> to vector<8x2048xf32>
    %add3A_763 = arith.addf %add3A_755, %get3A_762 : vector<8x2048xf32>
    %get3A_764 = arith.constant 0 : index
    %get3A_765 = arith.constant 7 : index
    %get3A_766 = arith.constant 0 : index
    %get3A_767 = arith.constant 56 : index
    %get3A_768 = arith.constant 0 : index
    %get3A_769 = vector.load %arg1[%get3A_764, %get3A_765, %get3A_766, %get3A_767, %get3A_768] : memref<1x12x1x128x2048xf32, #tpu.memory_space<vmem>>, vector<1x1x1x8x2048xf32>
    %get3A_770 = vector.shape_cast %get3A_769 : vector<1x1x1x8x2048xf32> to vector<8x2048xf32>
    %add3A_771 = arith.addf %add3A_763, %get3A_770 : vector<8x2048xf32>
    %get3A_772 = arith.constant 0 : index
    %get3A_773 = arith.constant 4 : index
    %get3A_774 = arith.constant 0 : index
    %get3A_775 = arith.constant 64 : index
    %get3A_776 = arith.constant 0 : index
    %get3A_777 = vector.load %arg1[%get3A_772, %get3A_773, %get3A_774, %get3A_775, %get3A_776] : memref<1x12x1x128x2048xf32, #tpu.memory_space<vmem>>, vector<1x1x1x8x2048xf32>
    %get3A_778 = vector.shape_cast %get3A_777 : vector<1x1x1x8x2048xf32> to vector<8x2048xf32>
    %add3A_779 = arith.addf %add3A_771, %get3A_778 : vector<8x2048xf32>
    %get3A_780 = arith.constant 0 : index
    %get3A_781 = arith.constant 5 : index
    %get3A_782 = arith.constant 0 : index
    %get3A_783 = arith.constant 64 : index
    %get3A_784 = arith.constant 0 : index
    %get3A_785 = vector.load %arg1[%get3A_780, %get3A_781, %get3A_782, %get3A_783, %get3A_784] : memref<1x12x1x128x2048xf32, #tpu.memory_space<vmem>>, vector<1x1x1x8x2048xf32>
    %get3A_786 = vector.shape_cast %get3A_785 : vector<1x1x1x8x2048xf32> to vector<8x2048xf32>
    %add3A_787 = arith.addf %add3A_779, %get3A_786 : vector<8x2048xf32>
    %get3A_788 = arith.constant 0 : index
    %get3A_789 = arith.constant 6 : index
    %get3A_790 = arith.constant 0 : index
    %get3A_791 = arith.constant 64 : index
    %get3A_792 = arith.constant 0 : index
    %get3A_793 = vector.load %arg1[%get3A_788, %get3A_789, %get3A_790, %get3A_791, %get3A_792] : memref<1x12x1x128x2048xf32, #tpu.memory_space<vmem>>, vector<1x1x1x8x2048xf32>
    %get3A_794 = vector.shape_cast %get3A_793 : vector<1x1x1x8x2048xf32> to vector<8x2048xf32>
    %add3A_795 = arith.addf %add3A_787, %get3A_794 : vector<8x2048xf32>
    %get3A_796 = arith.constant 0 : index
    %get3A_797 = arith.constant 7 : index
    %get3A_798 = arith.constant 0 : index
    %get3A_799 = arith.constant 64 : index
    %get3A_800 = arith.constant 0 : index
    %get3A_801 = vector.load %arg1[%get3A_796, %get3A_797, %get3A_798, %get3A_799, %get3A_800] : memref<1x12x1x128x2048xf32, #tpu.memory_space<vmem>>, vector<1x1x1x8x2048xf32>
    %get3A_802 = vector.shape_cast %get3A_801 : vector<1x1x1x8x2048xf32> to vector<8x2048xf32>
    %add3A_803 = arith.addf %add3A_795, %get3A_802 : vector<8x2048xf32>
    %get3A_804 = arith.constant 0 : index
    %get3A_805 = arith.constant 4 : index
    %get3A_806 = arith.constant 0 : index
    %get3A_807 = arith.constant 72 : index
    %get3A_808 = arith.constant 0 : index
    %get3A_809 = vector.load %arg1[%get3A_804, %get3A_805, %get3A_806, %get3A_807, %get3A_808] : memref<1x12x1x128x2048xf32, #tpu.memory_space<vmem>>, vector<1x1x1x8x2048xf32>
    %get3A_810 = vector.shape_cast %get3A_809 : vector<1x1x1x8x2048xf32> to vector<8x2048xf32>
    %add3A_811 = arith.addf %add3A_803, %get3A_810 : vector<8x2048xf32>
    %get3A_812 = arith.constant 0 : index
    %get3A_813 = arith.constant 5 : index
    %get3A_814 = arith.constant 0 : index
    %get3A_815 = arith.constant 72 : index
    %get3A_816 = arith.constant 0 : index
    %get3A_817 = vector.load %arg1[%get3A_812, %get3A_813, %get3A_814, %get3A_815, %get3A_816] : memref<1x12x1x128x2048xf32, #tpu.memory_space<vmem>>, vector<1x1x1x8x2048xf32>
    %get3A_818 = vector.shape_cast %get3A_817 : vector<1x1x1x8x2048xf32> to vector<8x2048xf32>
    %add3A_819 = arith.addf %add3A_811, %get3A_818 : vector<8x2048xf32>
    %get3A_820 = arith.constant 0 : index
    %get3A_821 = arith.constant 6 : index
    %get3A_822 = arith.constant 0 : index
    %get3A_823 = arith.constant 72 : index
    %get3A_824 = arith.constant 0 : index
    %get3A_825 = vector.load %arg1[%get3A_820, %get3A_821, %get3A_822, %get3A_823, %get3A_824] : memref<1x12x1x128x2048xf32, #tpu.memory_space<vmem>>, vector<1x1x1x8x2048xf32>
    %get3A_826 = vector.shape_cast %get3A_825 : vector<1x1x1x8x2048xf32> to vector<8x2048xf32>
    %add3A_827 = arith.addf %add3A_819, %get3A_826 : vector<8x2048xf32>
    %get3A_828 = arith.constant 0 : index
    %get3A_829 = arith.constant 7 : index
    %get3A_830 = arith.constant 0 : index
    %get3A_831 = arith.constant 72 : index
    %get3A_832 = arith.constant 0 : index
    %get3A_833 = vector.load %arg1[%get3A_828, %get3A_829, %get3A_830, %get3A_831, %get3A_832] : memref<1x12x1x128x2048xf32, #tpu.memory_space<vmem>>, vector<1x1x1x8x2048xf32>
    %get3A_834 = vector.shape_cast %get3A_833 : vector<1x1x1x8x2048xf32> to vector<8x2048xf32>
    %add3A_835 = arith.addf %add3A_827, %get3A_834 : vector<8x2048xf32>
    %get3A_836 = arith.constant 0 : index
    %get3A_837 = arith.constant 4 : index
    %get3A_838 = arith.constant 0 : index
    %get3A_839 = arith.constant 80 : index
    %get3A_840 = arith.constant 0 : index
    %get3A_841 = vector.load %arg1[%get3A_836, %get3A_837, %get3A_838, %get3A_839, %get3A_840] : memref<1x12x1x128x2048xf32, #tpu.memory_space<vmem>>, vector<1x1x1x8x2048xf32>
    %get3A_842 = vector.shape_cast %get3A_841 : vector<1x1x1x8x2048xf32> to vector<8x2048xf32>
    %add3A_843 = arith.addf %add3A_835, %get3A_842 : vector<8x2048xf32>
    %get3A_844 = arith.constant 0 : index
    %get3A_845 = arith.constant 5 : index
    %get3A_846 = arith.constant 0 : index
    %get3A_847 = arith.constant 80 : index
    %get3A_848 = arith.constant 0 : index
    %get3A_849 = vector.load %arg1[%get3A_844, %get3A_845, %get3A_846, %get3A_847, %get3A_848] : memref<1x12x1x128x2048xf32, #tpu.memory_space<vmem>>, vector<1x1x1x8x2048xf32>
    %get3A_850 = vector.shape_cast %get3A_849 : vector<1x1x1x8x2048xf32> to vector<8x2048xf32>
    %add3A_851 = arith.addf %add3A_843, %get3A_850 : vector<8x2048xf32>
    %get3A_852 = arith.constant 0 : index
    %get3A_853 = arith.constant 6 : index
    %get3A_854 = arith.constant 0 : index
    %get3A_855 = arith.constant 80 : index
    %get3A_856 = arith.constant 0 : index
    %get3A_857 = vector.load %arg1[%get3A_852, %get3A_853, %get3A_854, %get3A_855, %get3A_856] : memref<1x12x1x128x2048xf32, #tpu.memory_space<vmem>>, vector<1x1x1x8x2048xf32>
    %get3A_858 = vector.shape_cast %get3A_857 : vector<1x1x1x8x2048xf32> to vector<8x2048xf32>
    %add3A_859 = arith.addf %add3A_851, %get3A_858 : vector<8x2048xf32>
    %get3A_860 = arith.constant 0 : index
    %get3A_861 = arith.constant 7 : index
    %get3A_862 = arith.constant 0 : index
    %get3A_863 = arith.constant 80 : index
    %get3A_864 = arith.constant 0 : index
    %get3A_865 = vector.load %arg1[%get3A_860, %get3A_861, %get3A_862, %get3A_863, %get3A_864] : memref<1x12x1x128x2048xf32, #tpu.memory_space<vmem>>, vector<1x1x1x8x2048xf32>
    %get3A_866 = vector.shape_cast %get3A_865 : vector<1x1x1x8x2048xf32> to vector<8x2048xf32>
    %add3A_867 = arith.addf %add3A_859, %get3A_866 : vector<8x2048xf32>
    %get3A_868 = arith.constant 0 : index
    %get3A_869 = arith.constant 4 : index
    %get3A_870 = arith.constant 0 : index
    %get3A_871 = arith.constant 88 : index
    %get3A_872 = arith.constant 0 : index
    %get3A_873 = vector.load %arg1[%get3A_868, %get3A_869, %get3A_870, %get3A_871, %get3A_872] : memref<1x12x1x128x2048xf32, #tpu.memory_space<vmem>>, vector<1x1x1x8x2048xf32>
    %get3A_874 = vector.shape_cast %get3A_873 : vector<1x1x1x8x2048xf32> to vector<8x2048xf32>
    %add3A_875 = arith.addf %add3A_867, %get3A_874 : vector<8x2048xf32>
    %get3A_876 = arith.constant 0 : index
    %get3A_877 = arith.constant 5 : index
    %get3A_878 = arith.constant 0 : index
    %get3A_879 = arith.constant 88 : index
    %get3A_880 = arith.constant 0 : index
    %get3A_881 = vector.load %arg1[%get3A_876, %get3A_877, %get3A_878, %get3A_879, %get3A_880] : memref<1x12x1x128x2048xf32, #tpu.memory_space<vmem>>, vector<1x1x1x8x2048xf32>
    %get3A_882 = vector.shape_cast %get3A_881 : vector<1x1x1x8x2048xf32> to vector<8x2048xf32>
    %add3A_883 = arith.addf %add3A_875, %get3A_882 : vector<8x2048xf32>
    %get3A_884 = arith.constant 0 : index
    %get3A_885 = arith.constant 6 : index
    %get3A_886 = arith.constant 0 : index
    %get3A_887 = arith.constant 88 : index
    %get3A_888 = arith.constant 0 : index
    %get3A_889 = vector.load %arg1[%get3A_884, %get3A_885, %get3A_886, %get3A_887, %get3A_888] : memref<1x12x1x128x2048xf32, #tpu.memory_space<vmem>>, vector<1x1x1x8x2048xf32>
    %get3A_890 = vector.shape_cast %get3A_889 : vector<1x1x1x8x2048xf32> to vector<8x2048xf32>
    %add3A_891 = arith.addf %add3A_883, %get3A_890 : vector<8x2048xf32>
    %get3A_892 = arith.constant 0 : index
    %get3A_893 = arith.constant 7 : index
    %get3A_894 = arith.constant 0 : index
    %get3A_895 = arith.constant 88 : index
    %get3A_896 = arith.constant 0 : index
    %get3A_897 = vector.load %arg1[%get3A_892, %get3A_893, %get3A_894, %get3A_895, %get3A_896] : memref<1x12x1x128x2048xf32, #tpu.memory_space<vmem>>, vector<1x1x1x8x2048xf32>
    %get3A_898 = vector.shape_cast %get3A_897 : vector<1x1x1x8x2048xf32> to vector<8x2048xf32>
    %add3A_899 = arith.addf %add3A_891, %get3A_898 : vector<8x2048xf32>
    %get3A_900 = arith.constant 0 : index
    %get3A_901 = arith.constant 4 : index
    %get3A_902 = arith.constant 0 : index
    %get3A_903 = arith.constant 96 : index
    %get3A_904 = arith.constant 0 : index
    %get3A_905 = vector.load %arg1[%get3A_900, %get3A_901, %get3A_902, %get3A_903, %get3A_904] : memref<1x12x1x128x2048xf32, #tpu.memory_space<vmem>>, vector<1x1x1x8x2048xf32>
    %get3A_906 = vector.shape_cast %get3A_905 : vector<1x1x1x8x2048xf32> to vector<8x2048xf32>
    %add3A_907 = arith.addf %add3A_899, %get3A_906 : vector<8x2048xf32>
    %get3A_908 = arith.constant 0 : index
    %get3A_909 = arith.constant 5 : index
    %get3A_910 = arith.constant 0 : index
    %get3A_911 = arith.constant 96 : index
    %get3A_912 = arith.constant 0 : index
    %get3A_913 = vector.load %arg1[%get3A_908, %get3A_909, %get3A_910, %get3A_911, %get3A_912] : memref<1x12x1x128x2048xf32, #tpu.memory_space<vmem>>, vector<1x1x1x8x2048xf32>
    %get3A_914 = vector.shape_cast %get3A_913 : vector<1x1x1x8x2048xf32> to vector<8x2048xf32>
    %add3A_915 = arith.addf %add3A_907, %get3A_914 : vector<8x2048xf32>
    %get3A_916 = arith.constant 0 : index
    %get3A_917 = arith.constant 6 : index
    %get3A_918 = arith.constant 0 : index
    %get3A_919 = arith.constant 96 : index
    %get3A_920 = arith.constant 0 : index
    %get3A_921 = vector.load %arg1[%get3A_916, %get3A_917, %get3A_918, %get3A_919, %get3A_920] : memref<1x12x1x128x2048xf32, #tpu.memory_space<vmem>>, vector<1x1x1x8x2048xf32>
    %get3A_922 = vector.shape_cast %get3A_921 : vector<1x1x1x8x2048xf32> to vector<8x2048xf32>
    %add3A_923 = arith.addf %add3A_915, %get3A_922 : vector<8x2048xf32>
    %get3A_924 = arith.constant 0 : index
    %get3A_925 = arith.constant 7 : index
    %get3A_926 = arith.constant 0 : index
    %get3A_927 = arith.constant 96 : index
    %get3A_928 = arith.constant 0 : index
    %get3A_929 = vector.load %arg1[%get3A_924, %get3A_925, %get3A_926, %get3A_927, %get3A_928] : memref<1x12x1x128x2048xf32, #tpu.memory_space<vmem>>, vector<1x1x1x8x2048xf32>
    %get3A_930 = vector.shape_cast %get3A_929 : vector<1x1x1x8x2048xf32> to vector<8x2048xf32>
    %add3A_931 = arith.addf %add3A_923, %get3A_930 : vector<8x2048xf32>
    %get3A_932 = arith.constant 0 : index
    %get3A_933 = arith.constant 4 : index
    %get3A_934 = arith.constant 0 : index
    %get3A_935 = arith.constant 104 : index
    %get3A_936 = arith.constant 0 : index
    %get3A_937 = vector.load %arg1[%get3A_932, %get3A_933, %get3A_934, %get3A_935, %get3A_936] : memref<1x12x1x128x2048xf32, #tpu.memory_space<vmem>>, vector<1x1x1x8x2048xf32>
    %get3A_938 = vector.shape_cast %get3A_937 : vector<1x1x1x8x2048xf32> to vector<8x2048xf32>
    %add3A_939 = arith.addf %add3A_931, %get3A_938 : vector<8x2048xf32>
    %get3A_940 = arith.constant 0 : index
    %get3A_941 = arith.constant 5 : index
    %get3A_942 = arith.constant 0 : index
    %get3A_943 = arith.constant 104 : index
    %get3A_944 = arith.constant 0 : index
    %get3A_945 = vector.load %arg1[%get3A_940, %get3A_941, %get3A_942, %get3A_943, %get3A_944] : memref<1x12x1x128x2048xf32, #tpu.memory_space<vmem>>, vector<1x1x1x8x2048xf32>
    %get3A_946 = vector.shape_cast %get3A_945 : vector<1x1x1x8x2048xf32> to vector<8x2048xf32>
    %add3A_947 = arith.addf %add3A_939, %get3A_946 : vector<8x2048xf32>
    %get3A_948 = arith.constant 0 : index
    %get3A_949 = arith.constant 6 : index
    %get3A_950 = arith.constant 0 : index
    %get3A_951 = arith.constant 104 : index
    %get3A_952 = arith.constant 0 : index
    %get3A_953 = vector.load %arg1[%get3A_948, %get3A_949, %get3A_950, %get3A_951, %get3A_952] : memref<1x12x1x128x2048xf32, #tpu.memory_space<vmem>>, vector<1x1x1x8x2048xf32>
    %get3A_954 = vector.shape_cast %get3A_953 : vector<1x1x1x8x2048xf32> to vector<8x2048xf32>
    %add3A_955 = arith.addf %add3A_947, %get3A_954 : vector<8x2048xf32>
    %get3A_956 = arith.constant 0 : index
    %get3A_957 = arith.constant 7 : index
    %get3A_958 = arith.constant 0 : index
    %get3A_959 = arith.constant 104 : index
    %get3A_960 = arith.constant 0 : index
    %get3A_961 = vector.load %arg1[%get3A_956, %get3A_957, %get3A_958, %get3A_959, %get3A_960] : memref<1x12x1x128x2048xf32, #tpu.memory_space<vmem>>, vector<1x1x1x8x2048xf32>
    %get3A_962 = vector.shape_cast %get3A_961 : vector<1x1x1x8x2048xf32> to vector<8x2048xf32>
    %add3A_963 = arith.addf %add3A_955, %get3A_962 : vector<8x2048xf32>
    %get3A_964 = arith.constant 0 : index
    %get3A_965 = arith.constant 4 : index
    %get3A_966 = arith.constant 0 : index
    %get3A_967 = arith.constant 112 : index
    %get3A_968 = arith.constant 0 : index
    %get3A_969 = vector.load %arg1[%get3A_964, %get3A_965, %get3A_966, %get3A_967, %get3A_968] : memref<1x12x1x128x2048xf32, #tpu.memory_space<vmem>>, vector<1x1x1x8x2048xf32>
    %get3A_970 = vector.shape_cast %get3A_969 : vector<1x1x1x8x2048xf32> to vector<8x2048xf32>
    %add3A_971 = arith.addf %add3A_963, %get3A_970 : vector<8x2048xf32>
    %get3A_972 = arith.constant 0 : index
    %get3A_973 = arith.constant 5 : index
    %get3A_974 = arith.constant 0 : index
    %get3A_975 = arith.constant 112 : index
    %get3A_976 = arith.constant 0 : index
    %get3A_977 = vector.load %arg1[%get3A_972, %get3A_973, %get3A_974, %get3A_975, %get3A_976] : memref<1x12x1x128x2048xf32, #tpu.memory_space<vmem>>, vector<1x1x1x8x2048xf32>
    %get3A_978 = vector.shape_cast %get3A_977 : vector<1x1x1x8x2048xf32> to vector<8x2048xf32>
    %add3A_979 = arith.addf %add3A_971, %get3A_978 : vector<8x2048xf32>
    %get3A_980 = arith.constant 0 : index
    %get3A_981 = arith.constant 6 : index
    %get3A_982 = arith.constant 0 : index
    %get3A_983 = arith.constant 112 : index
    %get3A_984 = arith.constant 0 : index
    %get3A_985 = vector.load %arg1[%get3A_980, %get3A_981, %get3A_982, %get3A_983, %get3A_984] : memref<1x12x1x128x2048xf32, #tpu.memory_space<vmem>>, vector<1x1x1x8x2048xf32>
    %get3A_986 = vector.shape_cast %get3A_985 : vector<1x1x1x8x2048xf32> to vector<8x2048xf32>
    %add3A_987 = arith.addf %add3A_979, %get3A_986 : vector<8x2048xf32>
    %get3A_988 = arith.constant 0 : index
    %get3A_989 = arith.constant 7 : index
    %get3A_990 = arith.constant 0 : index
    %get3A_991 = arith.constant 112 : index
    %get3A_992 = arith.constant 0 : index
    %get3A_993 = vector.load %arg1[%get3A_988, %get3A_989, %get3A_990, %get3A_991, %get3A_992] : memref<1x12x1x128x2048xf32, #tpu.memory_space<vmem>>, vector<1x1x1x8x2048xf32>
    %get3A_994 = vector.shape_cast %get3A_993 : vector<1x1x1x8x2048xf32> to vector<8x2048xf32>
    %add3A_995 = arith.addf %add3A_987, %get3A_994 : vector<8x2048xf32>
    %get3A_996 = arith.constant 0 : index
    %get3A_997 = arith.constant 4 : index
    %get3A_998 = arith.constant 0 : index
    %get3A_999 = arith.constant 120 : index
    %get3A_1000 = arith.constant 0 : index
    %get3A_1001 = vector.load %arg1[%get3A_996, %get3A_997, %get3A_998, %get3A_999, %get3A_1000] : memref<1x12x1x128x2048xf32, #tpu.memory_space<vmem>>, vector<1x1x1x8x2048xf32>
    %get3A_1002 = vector.shape_cast %get3A_1001 : vector<1x1x1x8x2048xf32> to vector<8x2048xf32>
    %add3A_1003 = arith.addf %add3A_995, %get3A_1002 : vector<8x2048xf32>
    %get3A_1004 = arith.constant 0 : index
    %get3A_1005 = arith.constant 5 : index
    %get3A_1006 = arith.constant 0 : index
    %get3A_1007 = arith.constant 120 : index
    %get3A_1008 = arith.constant 0 : index
    %get3A_1009 = vector.load %arg1[%get3A_1004, %get3A_1005, %get3A_1006, %get3A_1007, %get3A_1008] : memref<1x12x1x128x2048xf32, #tpu.memory_space<vmem>>, vector<1x1x1x8x2048xf32>
    %get3A_1010 = vector.shape_cast %get3A_1009 : vector<1x1x1x8x2048xf32> to vector<8x2048xf32>
    %add3A_1011 = arith.addf %add3A_1003, %get3A_1010 : vector<8x2048xf32>
    %get3A_1012 = arith.constant 0 : index
    %get3A_1013 = arith.constant 6 : index
    %get3A_1014 = arith.constant 0 : index
    %get3A_1015 = arith.constant 120 : index
    %get3A_1016 = arith.constant 0 : index
    %get3A_1017 = vector.load %arg1[%get3A_1012, %get3A_1013, %get3A_1014, %get3A_1015, %get3A_1016] : memref<1x12x1x128x2048xf32, #tpu.memory_space<vmem>>, vector<1x1x1x8x2048xf32>
    %get3A_1018 = vector.shape_cast %get3A_1017 : vector<1x1x1x8x2048xf32> to vector<8x2048xf32>
    %add3A_1019 = arith.addf %add3A_1011, %get3A_1018 : vector<8x2048xf32>
    %get3A_1020 = arith.constant 0 : index
    %get3A_1021 = arith.constant 7 : index
    %get3A_1022 = arith.constant 0 : index
    %get3A_1023 = arith.constant 120 : index
    %get3A_1024 = arith.constant 0 : index
    %get3A_1025 = vector.load %arg1[%get3A_1020, %get3A_1021, %get3A_1022, %get3A_1023, %get3A_1024] : memref<1x12x1x128x2048xf32, #tpu.memory_space<vmem>>, vector<1x1x1x8x2048xf32>
    %get3A_1026 = vector.shape_cast %get3A_1025 : vector<1x1x1x8x2048xf32> to vector<8x2048xf32>
    %add3A_1027 = arith.addf %add3A_1019, %get3A_1026 : vector<8x2048xf32>
    %slice3A_1028 = vector.extract_strided_slice %add3A_1027 {offsets = [0, 0], sizes = [4, 2048], strides = [1, 1]} : vector<8x2048xf32> to vector<4x2048xf32>
    %slice3A_1029 = vector.extract_strided_slice %add3A_1027 {offsets = [4, 0], sizes = [4, 2048], strides = [1, 1]} : vector<8x2048xf32> to vector<4x2048xf32>
    %add3A_1030 = arith.addf %slice3A_1028, %slice3A_1029 : vector<4x2048xf32>
    %slice3A_1031 = vector.extract_strided_slice %add3A_1030 {offsets = [0, 0], sizes = [2, 2048], strides = [1, 1]} : vector<4x2048xf32> to vector<2x2048xf32>
    %slice3A_1032 = vector.extract_strided_slice %add3A_1030 {offsets = [2, 0], sizes = [2, 2048], strides = [1, 1]} : vector<4x2048xf32> to vector<2x2048xf32>
    %add3A_1033 = arith.addf %slice3A_1031, %slice3A_1032 : vector<2x2048xf32>
    %slice3A_1034 = vector.extract_strided_slice %add3A_1033 {offsets = [0, 0], sizes = [1, 2048], strides = [1, 1]} : vector<2x2048xf32> to vector<1x2048xf32>
    %slice3A_1035 = vector.extract_strided_slice %add3A_1033 {offsets = [1, 0], sizes = [1, 2048], strides = [1, 1]} : vector<2x2048xf32> to vector<1x2048xf32>
    %add3A_1036 = arith.addf %slice3A_1034, %slice3A_1035 : vector<1x2048xf32>
    %add3A_1037 = arith.addf %add3A_516, %add3A_1036 : vector<1x2048xf32>
    %get3A_1038 = arith.constant 0 : index
    %get3A_1039 = arith.constant 8 : index
    %get3A_1040 = arith.constant 0 : index
    %get3A_1041 = arith.constant 0 : index
    %get3A_1042 = arith.constant 0 : index
    %get3A_1043 = vector.load %arg1[%get3A_1038, %get3A_1039, %get3A_1040, %get3A_1041, %get3A_1042] : memref<1x12x1x128x2048xf32, #tpu.memory_space<vmem>>, vector<1x1x1x8x2048xf32>
    %get3A_1044 = vector.shape_cast %get3A_1043 : vector<1x1x1x8x2048xf32> to vector<8x2048xf32>
    %get3A_1045 = arith.constant 0 : index
    %get3A_1046 = arith.constant 9 : index
    %get3A_1047 = arith.constant 0 : index
    %get3A_1048 = arith.constant 0 : index
    %get3A_1049 = arith.constant 0 : index
    %get3A_1050 = vector.load %arg1[%get3A_1045, %get3A_1046, %get3A_1047, %get3A_1048, %get3A_1049] : memref<1x12x1x128x2048xf32, #tpu.memory_space<vmem>>, vector<1x1x1x8x2048xf32>
    %get3A_1051 = vector.shape_cast %get3A_1050 : vector<1x1x1x8x2048xf32> to vector<8x2048xf32>
    %add3A_1052 = arith.addf %get3A_1044, %get3A_1051 : vector<8x2048xf32>
    %get3A_1053 = arith.constant 0 : index
    %get3A_1054 = arith.constant 10 : index
    %get3A_1055 = arith.constant 0 : index
    %get3A_1056 = arith.constant 0 : index
    %get3A_1057 = arith.constant 0 : index
    %get3A_1058 = vector.load %arg1[%get3A_1053, %get3A_1054, %get3A_1055, %get3A_1056, %get3A_1057] : memref<1x12x1x128x2048xf32, #tpu.memory_space<vmem>>, vector<1x1x1x8x2048xf32>
    %get3A_1059 = vector.shape_cast %get3A_1058 : vector<1x1x1x8x2048xf32> to vector<8x2048xf32>
    %add3A_1060 = arith.addf %add3A_1052, %get3A_1059 : vector<8x2048xf32>
    %get3A_1061 = arith.constant 0 : index
    %get3A_1062 = arith.constant 11 : index
    %get3A_1063 = arith.constant 0 : index
    %get3A_1064 = arith.constant 0 : index
    %get3A_1065 = arith.constant 0 : index
    %get3A_1066 = vector.load %arg1[%get3A_1061, %get3A_1062, %get3A_1063, %get3A_1064, %get3A_1065] : memref<1x12x1x128x2048xf32, #tpu.memory_space<vmem>>, vector<1x1x1x8x2048xf32>
    %get3A_1067 = vector.shape_cast %get3A_1066 : vector<1x1x1x8x2048xf32> to vector<8x2048xf32>
    %add3A_1068 = arith.addf %add3A_1060, %get3A_1067 : vector<8x2048xf32>
    %get3A_1069 = arith.constant 0 : index
    %get3A_1070 = arith.constant 8 : index
    %get3A_1071 = arith.constant 0 : index
    %get3A_1072 = arith.constant 8 : index
    %get3A_1073 = arith.constant 0 : index
    %get3A_1074 = vector.load %arg1[%get3A_1069, %get3A_1070, %get3A_1071, %get3A_1072, %get3A_1073] : memref<1x12x1x128x2048xf32, #tpu.memory_space<vmem>>, vector<1x1x1x8x2048xf32>
    %get3A_1075 = vector.shape_cast %get3A_1074 : vector<1x1x1x8x2048xf32> to vector<8x2048xf32>
    %add3A_1076 = arith.addf %add3A_1068, %get3A_1075 : vector<8x2048xf32>
    %get3A_1077 = arith.constant 0 : index
    %get3A_1078 = arith.constant 9 : index
    %get3A_1079 = arith.constant 0 : index
    %get3A_1080 = arith.constant 8 : index
    %get3A_1081 = arith.constant 0 : index
    %get3A_1082 = vector.load %arg1[%get3A_1077, %get3A_1078, %get3A_1079, %get3A_1080, %get3A_1081] : memref<1x12x1x128x2048xf32, #tpu.memory_space<vmem>>, vector<1x1x1x8x2048xf32>
    %get3A_1083 = vector.shape_cast %get3A_1082 : vector<1x1x1x8x2048xf32> to vector<8x2048xf32>
    %add3A_1084 = arith.addf %add3A_1076, %get3A_1083 : vector<8x2048xf32>
    %get3A_1085 = arith.constant 0 : index
    %get3A_1086 = arith.constant 10 : index
    %get3A_1087 = arith.constant 0 : index
    %get3A_1088 = arith.constant 8 : index
    %get3A_1089 = arith.constant 0 : index
    %get3A_1090 = vector.load %arg1[%get3A_1085, %get3A_1086, %get3A_1087, %get3A_1088, %get3A_1089] : memref<1x12x1x128x2048xf32, #tpu.memory_space<vmem>>, vector<1x1x1x8x2048xf32>
    %get3A_1091 = vector.shape_cast %get3A_1090 : vector<1x1x1x8x2048xf32> to vector<8x2048xf32>
    %add3A_1092 = arith.addf %add3A_1084, %get3A_1091 : vector<8x2048xf32>
    %get3A_1093 = arith.constant 0 : index
    %get3A_1094 = arith.constant 11 : index
    %get3A_1095 = arith.constant 0 : index
    %get3A_1096 = arith.constant 8 : index
    %get3A_1097 = arith.constant 0 : index
    %get3A_1098 = vector.load %arg1[%get3A_1093, %get3A_1094, %get3A_1095, %get3A_1096, %get3A_1097] : memref<1x12x1x128x2048xf32, #tpu.memory_space<vmem>>, vector<1x1x1x8x2048xf32>
    %get3A_1099 = vector.shape_cast %get3A_1098 : vector<1x1x1x8x2048xf32> to vector<8x2048xf32>
    %add3A_1100 = arith.addf %add3A_1092, %get3A_1099 : vector<8x2048xf32>
    %get3A_1101 = arith.constant 0 : index
    %get3A_1102 = arith.constant 8 : index
    %get3A_1103 = arith.constant 0 : index
    %get3A_1104 = arith.constant 16 : index
    %get3A_1105 = arith.constant 0 : index
    %get3A_1106 = vector.load %arg1[%get3A_1101, %get3A_1102, %get3A_1103, %get3A_1104, %get3A_1105] : memref<1x12x1x128x2048xf32, #tpu.memory_space<vmem>>, vector<1x1x1x8x2048xf32>
    %get3A_1107 = vector.shape_cast %get3A_1106 : vector<1x1x1x8x2048xf32> to vector<8x2048xf32>
    %add3A_1108 = arith.addf %add3A_1100, %get3A_1107 : vector<8x2048xf32>
    %get3A_1109 = arith.constant 0 : index
    %get3A_1110 = arith.constant 9 : index
    %get3A_1111 = arith.constant 0 : index
    %get3A_1112 = arith.constant 16 : index
    %get3A_1113 = arith.constant 0 : index
    %get3A_1114 = vector.load %arg1[%get3A_1109, %get3A_1110, %get3A_1111, %get3A_1112, %get3A_1113] : memref<1x12x1x128x2048xf32, #tpu.memory_space<vmem>>, vector<1x1x1x8x2048xf32>
    %get3A_1115 = vector.shape_cast %get3A_1114 : vector<1x1x1x8x2048xf32> to vector<8x2048xf32>
    %add3A_1116 = arith.addf %add3A_1108, %get3A_1115 : vector<8x2048xf32>
    %get3A_1117 = arith.constant 0 : index
    %get3A_1118 = arith.constant 10 : index
    %get3A_1119 = arith.constant 0 : index
    %get3A_1120 = arith.constant 16 : index
    %get3A_1121 = arith.constant 0 : index
    %get3A_1122 = vector.load %arg1[%get3A_1117, %get3A_1118, %get3A_1119, %get3A_1120, %get3A_1121] : memref<1x12x1x128x2048xf32, #tpu.memory_space<vmem>>, vector<1x1x1x8x2048xf32>
    %get3A_1123 = vector.shape_cast %get3A_1122 : vector<1x1x1x8x2048xf32> to vector<8x2048xf32>
    %add3A_1124 = arith.addf %add3A_1116, %get3A_1123 : vector<8x2048xf32>
    %get3A_1125 = arith.constant 0 : index
    %get3A_1126 = arith.constant 11 : index
    %get3A_1127 = arith.constant 0 : index
    %get3A_1128 = arith.constant 16 : index
    %get3A_1129 = arith.constant 0 : index
    %get3A_1130 = vector.load %arg1[%get3A_1125, %get3A_1126, %get3A_1127, %get3A_1128, %get3A_1129] : memref<1x12x1x128x2048xf32, #tpu.memory_space<vmem>>, vector<1x1x1x8x2048xf32>
    %get3A_1131 = vector.shape_cast %get3A_1130 : vector<1x1x1x8x2048xf32> to vector<8x2048xf32>
    %add3A_1132 = arith.addf %add3A_1124, %get3A_1131 : vector<8x2048xf32>
    %get3A_1133 = arith.constant 0 : index
    %get3A_1134 = arith.constant 8 : index
    %get3A_1135 = arith.constant 0 : index
    %get3A_1136 = arith.constant 24 : index
    %get3A_1137 = arith.constant 0 : index
    %get3A_1138 = vector.load %arg1[%get3A_1133, %get3A_1134, %get3A_1135, %get3A_1136, %get3A_1137] : memref<1x12x1x128x2048xf32, #tpu.memory_space<vmem>>, vector<1x1x1x8x2048xf32>
    %get3A_1139 = vector.shape_cast %get3A_1138 : vector<1x1x1x8x2048xf32> to vector<8x2048xf32>
    %add3A_1140 = arith.addf %add3A_1132, %get3A_1139 : vector<8x2048xf32>
    %get3A_1141 = arith.constant 0 : index
    %get3A_1142 = arith.constant 9 : index
    %get3A_1143 = arith.constant 0 : index
    %get3A_1144 = arith.constant 24 : index
    %get3A_1145 = arith.constant 0 : index
    %get3A_1146 = vector.load %arg1[%get3A_1141, %get3A_1142, %get3A_1143, %get3A_1144, %get3A_1145] : memref<1x12x1x128x2048xf32, #tpu.memory_space<vmem>>, vector<1x1x1x8x2048xf32>
    %get3A_1147 = vector.shape_cast %get3A_1146 : vector<1x1x1x8x2048xf32> to vector<8x2048xf32>
    %add3A_1148 = arith.addf %add3A_1140, %get3A_1147 : vector<8x2048xf32>
    %get3A_1149 = arith.constant 0 : index
    %get3A_1150 = arith.constant 10 : index
    %get3A_1151 = arith.constant 0 : index
    %get3A_1152 = arith.constant 24 : index
    %get3A_1153 = arith.constant 0 : index
    %get3A_1154 = vector.load %arg1[%get3A_1149, %get3A_1150, %get3A_1151, %get3A_1152, %get3A_1153] : memref<1x12x1x128x2048xf32, #tpu.memory_space<vmem>>, vector<1x1x1x8x2048xf32>
    %get3A_1155 = vector.shape_cast %get3A_1154 : vector<1x1x1x8x2048xf32> to vector<8x2048xf32>
    %add3A_1156 = arith.addf %add3A_1148, %get3A_1155 : vector<8x2048xf32>
    %get3A_1157 = arith.constant 0 : index
    %get3A_1158 = arith.constant 11 : index
    %get3A_1159 = arith.constant 0 : index
    %get3A_1160 = arith.constant 24 : index
    %get3A_1161 = arith.constant 0 : index
    %get3A_1162 = vector.load %arg1[%get3A_1157, %get3A_1158, %get3A_1159, %get3A_1160, %get3A_1161] : memref<1x12x1x128x2048xf32, #tpu.memory_space<vmem>>, vector<1x1x1x8x2048xf32>
    %get3A_1163 = vector.shape_cast %get3A_1162 : vector<1x1x1x8x2048xf32> to vector<8x2048xf32>
    %add3A_1164 = arith.addf %add3A_1156, %get3A_1163 : vector<8x2048xf32>
    %get3A_1165 = arith.constant 0 : index
    %get3A_1166 = arith.constant 8 : index
    %get3A_1167 = arith.constant 0 : index
    %get3A_1168 = arith.constant 32 : index
    %get3A_1169 = arith.constant 0 : index
    %get3A_1170 = vector.load %arg1[%get3A_1165, %get3A_1166, %get3A_1167, %get3A_1168, %get3A_1169] : memref<1x12x1x128x2048xf32, #tpu.memory_space<vmem>>, vector<1x1x1x8x2048xf32>
    %get3A_1171 = vector.shape_cast %get3A_1170 : vector<1x1x1x8x2048xf32> to vector<8x2048xf32>
    %add3A_1172 = arith.addf %add3A_1164, %get3A_1171 : vector<8x2048xf32>
    %get3A_1173 = arith.constant 0 : index
    %get3A_1174 = arith.constant 9 : index
    %get3A_1175 = arith.constant 0 : index
    %get3A_1176 = arith.constant 32 : index
    %get3A_1177 = arith.constant 0 : index
    %get3A_1178 = vector.load %arg1[%get3A_1173, %get3A_1174, %get3A_1175, %get3A_1176, %get3A_1177] : memref<1x12x1x128x2048xf32, #tpu.memory_space<vmem>>, vector<1x1x1x8x2048xf32>
    %get3A_1179 = vector.shape_cast %get3A_1178 : vector<1x1x1x8x2048xf32> to vector<8x2048xf32>
    %add3A_1180 = arith.addf %add3A_1172, %get3A_1179 : vector<8x2048xf32>
    %get3A_1181 = arith.constant 0 : index
    %get3A_1182 = arith.constant 10 : index
    %get3A_1183 = arith.constant 0 : index
    %get3A_1184 = arith.constant 32 : index
    %get3A_1185 = arith.constant 0 : index
    %get3A_1186 = vector.load %arg1[%get3A_1181, %get3A_1182, %get3A_1183, %get3A_1184, %get3A_1185] : memref<1x12x1x128x2048xf32, #tpu.memory_space<vmem>>, vector<1x1x1x8x2048xf32>
    %get3A_1187 = vector.shape_cast %get3A_1186 : vector<1x1x1x8x2048xf32> to vector<8x2048xf32>
    %add3A_1188 = arith.addf %add3A_1180, %get3A_1187 : vector<8x2048xf32>
    %get3A_1189 = arith.constant 0 : index
    %get3A_1190 = arith.constant 11 : index
    %get3A_1191 = arith.constant 0 : index
    %get3A_1192 = arith.constant 32 : index
    %get3A_1193 = arith.constant 0 : index
    %get3A_1194 = vector.load %arg1[%get3A_1189, %get3A_1190, %get3A_1191, %get3A_1192, %get3A_1193] : memref<1x12x1x128x2048xf32, #tpu.memory_space<vmem>>, vector<1x1x1x8x2048xf32>
    %get3A_1195 = vector.shape_cast %get3A_1194 : vector<1x1x1x8x2048xf32> to vector<8x2048xf32>
    %add3A_1196 = arith.addf %add3A_1188, %get3A_1195 : vector<8x2048xf32>
    %get3A_1197 = arith.constant 0 : index
    %get3A_1198 = arith.constant 8 : index
    %get3A_1199 = arith.constant 0 : index
    %get3A_1200 = arith.constant 40 : index
    %get3A_1201 = arith.constant 0 : index
    %get3A_1202 = vector.load %arg1[%get3A_1197, %get3A_1198, %get3A_1199, %get3A_1200, %get3A_1201] : memref<1x12x1x128x2048xf32, #tpu.memory_space<vmem>>, vector<1x1x1x8x2048xf32>
    %get3A_1203 = vector.shape_cast %get3A_1202 : vector<1x1x1x8x2048xf32> to vector<8x2048xf32>
    %add3A_1204 = arith.addf %add3A_1196, %get3A_1203 : vector<8x2048xf32>
    %get3A_1205 = arith.constant 0 : index
    %get3A_1206 = arith.constant 9 : index
    %get3A_1207 = arith.constant 0 : index
    %get3A_1208 = arith.constant 40 : index
    %get3A_1209 = arith.constant 0 : index
    %get3A_1210 = vector.load %arg1[%get3A_1205, %get3A_1206, %get3A_1207, %get3A_1208, %get3A_1209] : memref<1x12x1x128x2048xf32, #tpu.memory_space<vmem>>, vector<1x1x1x8x2048xf32>
    %get3A_1211 = vector.shape_cast %get3A_1210 : vector<1x1x1x8x2048xf32> to vector<8x2048xf32>
    %add3A_1212 = arith.addf %add3A_1204, %get3A_1211 : vector<8x2048xf32>
    %get3A_1213 = arith.constant 0 : index
    %get3A_1214 = arith.constant 10 : index
    %get3A_1215 = arith.constant 0 : index
    %get3A_1216 = arith.constant 40 : index
    %get3A_1217 = arith.constant 0 : index
    %get3A_1218 = vector.load %arg1[%get3A_1213, %get3A_1214, %get3A_1215, %get3A_1216, %get3A_1217] : memref<1x12x1x128x2048xf32, #tpu.memory_space<vmem>>, vector<1x1x1x8x2048xf32>
    %get3A_1219 = vector.shape_cast %get3A_1218 : vector<1x1x1x8x2048xf32> to vector<8x2048xf32>
    %add3A_1220 = arith.addf %add3A_1212, %get3A_1219 : vector<8x2048xf32>
    %get3A_1221 = arith.constant 0 : index
    %get3A_1222 = arith.constant 11 : index
    %get3A_1223 = arith.constant 0 : index
    %get3A_1224 = arith.constant 40 : index
    %get3A_1225 = arith.constant 0 : index
    %get3A_1226 = vector.load %arg1[%get3A_1221, %get3A_1222, %get3A_1223, %get3A_1224, %get3A_1225] : memref<1x12x1x128x2048xf32, #tpu.memory_space<vmem>>, vector<1x1x1x8x2048xf32>
    %get3A_1227 = vector.shape_cast %get3A_1226 : vector<1x1x1x8x2048xf32> to vector<8x2048xf32>
    %add3A_1228 = arith.addf %add3A_1220, %get3A_1227 : vector<8x2048xf32>
    %get3A_1229 = arith.constant 0 : index
    %get3A_1230 = arith.constant 8 : index
    %get3A_1231 = arith.constant 0 : index
    %get3A_1232 = arith.constant 48 : index
    %get3A_1233 = arith.constant 0 : index
    %get3A_1234 = vector.load %arg1[%get3A_1229, %get3A_1230, %get3A_1231, %get3A_1232, %get3A_1233] : memref<1x12x1x128x2048xf32, #tpu.memory_space<vmem>>, vector<1x1x1x8x2048xf32>
    %get3A_1235 = vector.shape_cast %get3A_1234 : vector<1x1x1x8x2048xf32> to vector<8x2048xf32>
    %add3A_1236 = arith.addf %add3A_1228, %get3A_1235 : vector<8x2048xf32>
    %get3A_1237 = arith.constant 0 : index
    %get3A_1238 = arith.constant 9 : index
    %get3A_1239 = arith.constant 0 : index
    %get3A_1240 = arith.constant 48 : index
    %get3A_1241 = arith.constant 0 : index
    %get3A_1242 = vector.load %arg1[%get3A_1237, %get3A_1238, %get3A_1239, %get3A_1240, %get3A_1241] : memref<1x12x1x128x2048xf32, #tpu.memory_space<vmem>>, vector<1x1x1x8x2048xf32>
    %get3A_1243 = vector.shape_cast %get3A_1242 : vector<1x1x1x8x2048xf32> to vector<8x2048xf32>
    %add3A_1244 = arith.addf %add3A_1236, %get3A_1243 : vector<8x2048xf32>
    %get3A_1245 = arith.constant 0 : index
    %get3A_1246 = arith.constant 10 : index
    %get3A_1247 = arith.constant 0 : index
    %get3A_1248 = arith.constant 48 : index
    %get3A_1249 = arith.constant 0 : index
    %get3A_1250 = vector.load %arg1[%get3A_1245, %get3A_1246, %get3A_1247, %get3A_1248, %get3A_1249] : memref<1x12x1x128x2048xf32, #tpu.memory_space<vmem>>, vector<1x1x1x8x2048xf32>
    %get3A_1251 = vector.shape_cast %get3A_1250 : vector<1x1x1x8x2048xf32> to vector<8x2048xf32>
    %add3A_1252 = arith.addf %add3A_1244, %get3A_1251 : vector<8x2048xf32>
    %get3A_1253 = arith.constant 0 : index
    %get3A_1254 = arith.constant 11 : index
    %get3A_1255 = arith.constant 0 : index
    %get3A_1256 = arith.constant 48 : index
    %get3A_1257 = arith.constant 0 : index
    %get3A_1258 = vector.load %arg1[%get3A_1253, %get3A_1254, %get3A_1255, %get3A_1256, %get3A_1257] : memref<1x12x1x128x2048xf32, #tpu.memory_space<vmem>>, vector<1x1x1x8x2048xf32>
    %get3A_1259 = vector.shape_cast %get3A_1258 : vector<1x1x1x8x2048xf32> to vector<8x2048xf32>
    %add3A_1260 = arith.addf %add3A_1252, %get3A_1259 : vector<8x2048xf32>
    %get3A_1261 = arith.constant 0 : index
    %get3A_1262 = arith.constant 8 : index
    %get3A_1263 = arith.constant 0 : index
    %get3A_1264 = arith.constant 56 : index
    %get3A_1265 = arith.constant 0 : index
    %get3A_1266 = vector.load %arg1[%get3A_1261, %get3A_1262, %get3A_1263, %get3A_1264, %get3A_1265] : memref<1x12x1x128x2048xf32, #tpu.memory_space<vmem>>, vector<1x1x1x8x2048xf32>
    %get3A_1267 = vector.shape_cast %get3A_1266 : vector<1x1x1x8x2048xf32> to vector<8x2048xf32>
    %add3A_1268 = arith.addf %add3A_1260, %get3A_1267 : vector<8x2048xf32>
    %get3A_1269 = arith.constant 0 : index
    %get3A_1270 = arith.constant 9 : index
    %get3A_1271 = arith.constant 0 : index
    %get3A_1272 = arith.constant 56 : index
    %get3A_1273 = arith.constant 0 : index
    %get3A_1274 = vector.load %arg1[%get3A_1269, %get3A_1270, %get3A_1271, %get3A_1272, %get3A_1273] : memref<1x12x1x128x2048xf32, #tpu.memory_space<vmem>>, vector<1x1x1x8x2048xf32>
    %get3A_1275 = vector.shape_cast %get3A_1274 : vector<1x1x1x8x2048xf32> to vector<8x2048xf32>
    %add3A_1276 = arith.addf %add3A_1268, %get3A_1275 : vector<8x2048xf32>
    %get3A_1277 = arith.constant 0 : index
    %get3A_1278 = arith.constant 10 : index
    %get3A_1279 = arith.constant 0 : index
    %get3A_1280 = arith.constant 56 : index
    %get3A_1281 = arith.constant 0 : index
    %get3A_1282 = vector.load %arg1[%get3A_1277, %get3A_1278, %get3A_1279, %get3A_1280, %get3A_1281] : memref<1x12x1x128x2048xf32, #tpu.memory_space<vmem>>, vector<1x1x1x8x2048xf32>
    %get3A_1283 = vector.shape_cast %get3A_1282 : vector<1x1x1x8x2048xf32> to vector<8x2048xf32>
    %add3A_1284 = arith.addf %add3A_1276, %get3A_1283 : vector<8x2048xf32>
    %get3A_1285 = arith.constant 0 : index
    %get3A_1286 = arith.constant 11 : index
    %get3A_1287 = arith.constant 0 : index
    %get3A_1288 = arith.constant 56 : index
    %get3A_1289 = arith.constant 0 : index
    %get3A_1290 = vector.load %arg1[%get3A_1285, %get3A_1286, %get3A_1287, %get3A_1288, %get3A_1289] : memref<1x12x1x128x2048xf32, #tpu.memory_space<vmem>>, vector<1x1x1x8x2048xf32>
    %get3A_1291 = vector.shape_cast %get3A_1290 : vector<1x1x1x8x2048xf32> to vector<8x2048xf32>
    %add3A_1292 = arith.addf %add3A_1284, %get3A_1291 : vector<8x2048xf32>
    %get3A_1293 = arith.constant 0 : index
    %get3A_1294 = arith.constant 8 : index
    %get3A_1295 = arith.constant 0 : index
    %get3A_1296 = arith.constant 64 : index
    %get3A_1297 = arith.constant 0 : index
    %get3A_1298 = vector.load %arg1[%get3A_1293, %get3A_1294, %get3A_1295, %get3A_1296, %get3A_1297] : memref<1x12x1x128x2048xf32, #tpu.memory_space<vmem>>, vector<1x1x1x8x2048xf32>
    %get3A_1299 = vector.shape_cast %get3A_1298 : vector<1x1x1x8x2048xf32> to vector<8x2048xf32>
    %add3A_1300 = arith.addf %add3A_1292, %get3A_1299 : vector<8x2048xf32>
    %get3A_1301 = arith.constant 0 : index
    %get3A_1302 = arith.constant 9 : index
    %get3A_1303 = arith.constant 0 : index
    %get3A_1304 = arith.constant 64 : index
    %get3A_1305 = arith.constant 0 : index
    %get3A_1306 = vector.load %arg1[%get3A_1301, %get3A_1302, %get3A_1303, %get3A_1304, %get3A_1305] : memref<1x12x1x128x2048xf32, #tpu.memory_space<vmem>>, vector<1x1x1x8x2048xf32>
    %get3A_1307 = vector.shape_cast %get3A_1306 : vector<1x1x1x8x2048xf32> to vector<8x2048xf32>
    %add3A_1308 = arith.addf %add3A_1300, %get3A_1307 : vector<8x2048xf32>
    %get3A_1309 = arith.constant 0 : index
    %get3A_1310 = arith.constant 10 : index
    %get3A_1311 = arith.constant 0 : index
    %get3A_1312 = arith.constant 64 : index
    %get3A_1313 = arith.constant 0 : index
    %get3A_1314 = vector.load %arg1[%get3A_1309, %get3A_1310, %get3A_1311, %get3A_1312, %get3A_1313] : memref<1x12x1x128x2048xf32, #tpu.memory_space<vmem>>, vector<1x1x1x8x2048xf32>
    %get3A_1315 = vector.shape_cast %get3A_1314 : vector<1x1x1x8x2048xf32> to vector<8x2048xf32>
    %add3A_1316 = arith.addf %add3A_1308, %get3A_1315 : vector<8x2048xf32>
    %get3A_1317 = arith.constant 0 : index
    %get3A_1318 = arith.constant 11 : index
    %get3A_1319 = arith.constant 0 : index
    %get3A_1320 = arith.constant 64 : index
    %get3A_1321 = arith.constant 0 : index
    %get3A_1322 = vector.load %arg1[%get3A_1317, %get3A_1318, %get3A_1319, %get3A_1320, %get3A_1321] : memref<1x12x1x128x2048xf32, #tpu.memory_space<vmem>>, vector<1x1x1x8x2048xf32>
    %get3A_1323 = vector.shape_cast %get3A_1322 : vector<1x1x1x8x2048xf32> to vector<8x2048xf32>
    %add3A_1324 = arith.addf %add3A_1316, %get3A_1323 : vector<8x2048xf32>
    %get3A_1325 = arith.constant 0 : index
    %get3A_1326 = arith.constant 8 : index
    %get3A_1327 = arith.constant 0 : index
    %get3A_1328 = arith.constant 72 : index
    %get3A_1329 = arith.constant 0 : index
    %get3A_1330 = vector.load %arg1[%get3A_1325, %get3A_1326, %get3A_1327, %get3A_1328, %get3A_1329] : memref<1x12x1x128x2048xf32, #tpu.memory_space<vmem>>, vector<1x1x1x8x2048xf32>
    %get3A_1331 = vector.shape_cast %get3A_1330 : vector<1x1x1x8x2048xf32> to vector<8x2048xf32>
    %add3A_1332 = arith.addf %add3A_1324, %get3A_1331 : vector<8x2048xf32>
    %get3A_1333 = arith.constant 0 : index
    %get3A_1334 = arith.constant 9 : index
    %get3A_1335 = arith.constant 0 : index
    %get3A_1336 = arith.constant 72 : index
    %get3A_1337 = arith.constant 0 : index
    %get3A_1338 = vector.load %arg1[%get3A_1333, %get3A_1334, %get3A_1335, %get3A_1336, %get3A_1337] : memref<1x12x1x128x2048xf32, #tpu.memory_space<vmem>>, vector<1x1x1x8x2048xf32>
    %get3A_1339 = vector.shape_cast %get3A_1338 : vector<1x1x1x8x2048xf32> to vector<8x2048xf32>
    %add3A_1340 = arith.addf %add3A_1332, %get3A_1339 : vector<8x2048xf32>
    %get3A_1341 = arith.constant 0 : index
    %get3A_1342 = arith.constant 10 : index
    %get3A_1343 = arith.constant 0 : index
    %get3A_1344 = arith.constant 72 : index
    %get3A_1345 = arith.constant 0 : index
    %get3A_1346 = vector.load %arg1[%get3A_1341, %get3A_1342, %get3A_1343, %get3A_1344, %get3A_1345] : memref<1x12x1x128x2048xf32, #tpu.memory_space<vmem>>, vector<1x1x1x8x2048xf32>
    %get3A_1347 = vector.shape_cast %get3A_1346 : vector<1x1x1x8x2048xf32> to vector<8x2048xf32>
    %add3A_1348 = arith.addf %add3A_1340, %get3A_1347 : vector<8x2048xf32>
    %get3A_1349 = arith.constant 0 : index
    %get3A_1350 = arith.constant 11 : index
    %get3A_1351 = arith.constant 0 : index
    %get3A_1352 = arith.constant 72 : index
    %get3A_1353 = arith.constant 0 : index
    %get3A_1354 = vector.load %arg1[%get3A_1349, %get3A_1350, %get3A_1351, %get3A_1352, %get3A_1353] : memref<1x12x1x128x2048xf32, #tpu.memory_space<vmem>>, vector<1x1x1x8x2048xf32>
    %get3A_1355 = vector.shape_cast %get3A_1354 : vector<1x1x1x8x2048xf32> to vector<8x2048xf32>
    %add3A_1356 = arith.addf %add3A_1348, %get3A_1355 : vector<8x2048xf32>
    %get3A_1357 = arith.constant 0 : index
    %get3A_1358 = arith.constant 8 : index
    %get3A_1359 = arith.constant 0 : index
    %get3A_1360 = arith.constant 80 : index
    %get3A_1361 = arith.constant 0 : index
    %get3A_1362 = vector.load %arg1[%get3A_1357, %get3A_1358, %get3A_1359, %get3A_1360, %get3A_1361] : memref<1x12x1x128x2048xf32, #tpu.memory_space<vmem>>, vector<1x1x1x8x2048xf32>
    %get3A_1363 = vector.shape_cast %get3A_1362 : vector<1x1x1x8x2048xf32> to vector<8x2048xf32>
    %add3A_1364 = arith.addf %add3A_1356, %get3A_1363 : vector<8x2048xf32>
    %get3A_1365 = arith.constant 0 : index
    %get3A_1366 = arith.constant 9 : index
    %get3A_1367 = arith.constant 0 : index
    %get3A_1368 = arith.constant 80 : index
    %get3A_1369 = arith.constant 0 : index
    %get3A_1370 = vector.load %arg1[%get3A_1365, %get3A_1366, %get3A_1367, %get3A_1368, %get3A_1369] : memref<1x12x1x128x2048xf32, #tpu.memory_space<vmem>>, vector<1x1x1x8x2048xf32>
    %get3A_1371 = vector.shape_cast %get3A_1370 : vector<1x1x1x8x2048xf32> to vector<8x2048xf32>
    %add3A_1372 = arith.addf %add3A_1364, %get3A_1371 : vector<8x2048xf32>
    %get3A_1373 = arith.constant 0 : index
    %get3A_1374 = arith.constant 10 : index
    %get3A_1375 = arith.constant 0 : index
    %get3A_1376 = arith.constant 80 : index
    %get3A_1377 = arith.constant 0 : index
    %get3A_1378 = vector.load %arg1[%get3A_1373, %get3A_1374, %get3A_1375, %get3A_1376, %get3A_1377] : memref<1x12x1x128x2048xf32, #tpu.memory_space<vmem>>, vector<1x1x1x8x2048xf32>
    %get3A_1379 = vector.shape_cast %get3A_1378 : vector<1x1x1x8x2048xf32> to vector<8x2048xf32>
    %add3A_1380 = arith.addf %add3A_1372, %get3A_1379 : vector<8x2048xf32>
    %get3A_1381 = arith.constant 0 : index
    %get3A_1382 = arith.constant 11 : index
    %get3A_1383 = arith.constant 0 : index
    %get3A_1384 = arith.constant 80 : index
    %get3A_1385 = arith.constant 0 : index
    %get3A_1386 = vector.load %arg1[%get3A_1381, %get3A_1382, %get3A_1383, %get3A_1384, %get3A_1385] : memref<1x12x1x128x2048xf32, #tpu.memory_space<vmem>>, vector<1x1x1x8x2048xf32>
    %get3A_1387 = vector.shape_cast %get3A_1386 : vector<1x1x1x8x2048xf32> to vector<8x2048xf32>
    %add3A_1388 = arith.addf %add3A_1380, %get3A_1387 : vector<8x2048xf32>
    %get3A_1389 = arith.constant 0 : index
    %get3A_1390 = arith.constant 8 : index
    %get3A_1391 = arith.constant 0 : index
    %get3A_1392 = arith.constant 88 : index
    %get3A_1393 = arith.constant 0 : index
    %get3A_1394 = vector.load %arg1[%get3A_1389, %get3A_1390, %get3A_1391, %get3A_1392, %get3A_1393] : memref<1x12x1x128x2048xf32, #tpu.memory_space<vmem>>, vector<1x1x1x8x2048xf32>
    %get3A_1395 = vector.shape_cast %get3A_1394 : vector<1x1x1x8x2048xf32> to vector<8x2048xf32>
    %add3A_1396 = arith.addf %add3A_1388, %get3A_1395 : vector<8x2048xf32>
    %get3A_1397 = arith.constant 0 : index
    %get3A_1398 = arith.constant 9 : index
    %get3A_1399 = arith.constant 0 : index
    %get3A_1400 = arith.constant 88 : index
    %get3A_1401 = arith.constant 0 : index
    %get3A_1402 = vector.load %arg1[%get3A_1397, %get3A_1398, %get3A_1399, %get3A_1400, %get3A_1401] : memref<1x12x1x128x2048xf32, #tpu.memory_space<vmem>>, vector<1x1x1x8x2048xf32>
    %get3A_1403 = vector.shape_cast %get3A_1402 : vector<1x1x1x8x2048xf32> to vector<8x2048xf32>
    %add3A_1404 = arith.addf %add3A_1396, %get3A_1403 : vector<8x2048xf32>
    %get3A_1405 = arith.constant 0 : index
    %get3A_1406 = arith.constant 10 : index
    %get3A_1407 = arith.constant 0 : index
    %get3A_1408 = arith.constant 88 : index
    %get3A_1409 = arith.constant 0 : index
    %get3A_1410 = vector.load %arg1[%get3A_1405, %get3A_1406, %get3A_1407, %get3A_1408, %get3A_1409] : memref<1x12x1x128x2048xf32, #tpu.memory_space<vmem>>, vector<1x1x1x8x2048xf32>
    %get3A_1411 = vector.shape_cast %get3A_1410 : vector<1x1x1x8x2048xf32> to vector<8x2048xf32>
    %add3A_1412 = arith.addf %add3A_1404, %get3A_1411 : vector<8x2048xf32>
    %get3A_1413 = arith.constant 0 : index
    %get3A_1414 = arith.constant 11 : index
    %get3A_1415 = arith.constant 0 : index
    %get3A_1416 = arith.constant 88 : index
    %get3A_1417 = arith.constant 0 : index
    %get3A_1418 = vector.load %arg1[%get3A_1413, %get3A_1414, %get3A_1415, %get3A_1416, %get3A_1417] : memref<1x12x1x128x2048xf32, #tpu.memory_space<vmem>>, vector<1x1x1x8x2048xf32>
    %get3A_1419 = vector.shape_cast %get3A_1418 : vector<1x1x1x8x2048xf32> to vector<8x2048xf32>
    %add3A_1420 = arith.addf %add3A_1412, %get3A_1419 : vector<8x2048xf32>
    %get3A_1421 = arith.constant 0 : index
    %get3A_1422 = arith.constant 8 : index
    %get3A_1423 = arith.constant 0 : index
    %get3A_1424 = arith.constant 96 : index
    %get3A_1425 = arith.constant 0 : index
    %get3A_1426 = vector.load %arg1[%get3A_1421, %get3A_1422, %get3A_1423, %get3A_1424, %get3A_1425] : memref<1x12x1x128x2048xf32, #tpu.memory_space<vmem>>, vector<1x1x1x8x2048xf32>
    %get3A_1427 = vector.shape_cast %get3A_1426 : vector<1x1x1x8x2048xf32> to vector<8x2048xf32>
    %add3A_1428 = arith.addf %add3A_1420, %get3A_1427 : vector<8x2048xf32>
    %get3A_1429 = arith.constant 0 : index
    %get3A_1430 = arith.constant 9 : index
    %get3A_1431 = arith.constant 0 : index
    %get3A_1432 = arith.constant 96 : index
    %get3A_1433 = arith.constant 0 : index
    %get3A_1434 = vector.load %arg1[%get3A_1429, %get3A_1430, %get3A_1431, %get3A_1432, %get3A_1433] : memref<1x12x1x128x2048xf32, #tpu.memory_space<vmem>>, vector<1x1x1x8x2048xf32>
    %get3A_1435 = vector.shape_cast %get3A_1434 : vector<1x1x1x8x2048xf32> to vector<8x2048xf32>
    %add3A_1436 = arith.addf %add3A_1428, %get3A_1435 : vector<8x2048xf32>
    %get3A_1437 = arith.constant 0 : index
    %get3A_1438 = arith.constant 10 : index
    %get3A_1439 = arith.constant 0 : index
    %get3A_1440 = arith.constant 96 : index
    %get3A_1441 = arith.constant 0 : index
    %get3A_1442 = vector.load %arg1[%get3A_1437, %get3A_1438, %get3A_1439, %get3A_1440, %get3A_1441] : memref<1x12x1x128x2048xf32, #tpu.memory_space<vmem>>, vector<1x1x1x8x2048xf32>
    %get3A_1443 = vector.shape_cast %get3A_1442 : vector<1x1x1x8x2048xf32> to vector<8x2048xf32>
    %add3A_1444 = arith.addf %add3A_1436, %get3A_1443 : vector<8x2048xf32>
    %get3A_1445 = arith.constant 0 : index
    %get3A_1446 = arith.constant 11 : index
    %get3A_1447 = arith.constant 0 : index
    %get3A_1448 = arith.constant 96 : index
    %get3A_1449 = arith.constant 0 : index
    %get3A_1450 = vector.load %arg1[%get3A_1445, %get3A_1446, %get3A_1447, %get3A_1448, %get3A_1449] : memref<1x12x1x128x2048xf32, #tpu.memory_space<vmem>>, vector<1x1x1x8x2048xf32>
    %get3A_1451 = vector.shape_cast %get3A_1450 : vector<1x1x1x8x2048xf32> to vector<8x2048xf32>
    %add3A_1452 = arith.addf %add3A_1444, %get3A_1451 : vector<8x2048xf32>
    %get3A_1453 = arith.constant 0 : index
    %get3A_1454 = arith.constant 8 : index
    %get3A_1455 = arith.constant 0 : index
    %get3A_1456 = arith.constant 104 : index
    %get3A_1457 = arith.constant 0 : index
    %get3A_1458 = vector.load %arg1[%get3A_1453, %get3A_1454, %get3A_1455, %get3A_1456, %get3A_1457] : memref<1x12x1x128x2048xf32, #tpu.memory_space<vmem>>, vector<1x1x1x8x2048xf32>
    %get3A_1459 = vector.shape_cast %get3A_1458 : vector<1x1x1x8x2048xf32> to vector<8x2048xf32>
    %add3A_1460 = arith.addf %add3A_1452, %get3A_1459 : vector<8x2048xf32>
    %get3A_1461 = arith.constant 0 : index
    %get3A_1462 = arith.constant 9 : index
    %get3A_1463 = arith.constant 0 : index
    %get3A_1464 = arith.constant 104 : index
    %get3A_1465 = arith.constant 0 : index
    %get3A_1466 = vector.load %arg1[%get3A_1461, %get3A_1462, %get3A_1463, %get3A_1464, %get3A_1465] : memref<1x12x1x128x2048xf32, #tpu.memory_space<vmem>>, vector<1x1x1x8x2048xf32>
    %get3A_1467 = vector.shape_cast %get3A_1466 : vector<1x1x1x8x2048xf32> to vector<8x2048xf32>
    %add3A_1468 = arith.addf %add3A_1460, %get3A_1467 : vector<8x2048xf32>
    %get3A_1469 = arith.constant 0 : index
    %get3A_1470 = arith.constant 10 : index
    %get3A_1471 = arith.constant 0 : index
    %get3A_1472 = arith.constant 104 : index
    %get3A_1473 = arith.constant 0 : index
    %get3A_1474 = vector.load %arg1[%get3A_1469, %get3A_1470, %get3A_1471, %get3A_1472, %get3A_1473] : memref<1x12x1x128x2048xf32, #tpu.memory_space<vmem>>, vector<1x1x1x8x2048xf32>
    %get3A_1475 = vector.shape_cast %get3A_1474 : vector<1x1x1x8x2048xf32> to vector<8x2048xf32>
    %add3A_1476 = arith.addf %add3A_1468, %get3A_1475 : vector<8x2048xf32>
    %get3A_1477 = arith.constant 0 : index
    %get3A_1478 = arith.constant 11 : index
    %get3A_1479 = arith.constant 0 : index
    %get3A_1480 = arith.constant 104 : index
    %get3A_1481 = arith.constant 0 : index
    %get3A_1482 = vector.load %arg1[%get3A_1477, %get3A_1478, %get3A_1479, %get3A_1480, %get3A_1481] : memref<1x12x1x128x2048xf32, #tpu.memory_space<vmem>>, vector<1x1x1x8x2048xf32>
    %get3A_1483 = vector.shape_cast %get3A_1482 : vector<1x1x1x8x2048xf32> to vector<8x2048xf32>
    %add3A_1484 = arith.addf %add3A_1476, %get3A_1483 : vector<8x2048xf32>
    %get3A_1485 = arith.constant 0 : index
    %get3A_1486 = arith.constant 8 : index
    %get3A_1487 = arith.constant 0 : index
    %get3A_1488 = arith.constant 112 : index
    %get3A_1489 = arith.constant 0 : index
    %get3A_1490 = vector.load %arg1[%get3A_1485, %get3A_1486, %get3A_1487, %get3A_1488, %get3A_1489] : memref<1x12x1x128x2048xf32, #tpu.memory_space<vmem>>, vector<1x1x1x8x2048xf32>
    %get3A_1491 = vector.shape_cast %get3A_1490 : vector<1x1x1x8x2048xf32> to vector<8x2048xf32>
    %add3A_1492 = arith.addf %add3A_1484, %get3A_1491 : vector<8x2048xf32>
    %get3A_1493 = arith.constant 0 : index
    %get3A_1494 = arith.constant 9 : index
    %get3A_1495 = arith.constant 0 : index
    %get3A_1496 = arith.constant 112 : index
    %get3A_1497 = arith.constant 0 : index
    %get3A_1498 = vector.load %arg1[%get3A_1493, %get3A_1494, %get3A_1495, %get3A_1496, %get3A_1497] : memref<1x12x1x128x2048xf32, #tpu.memory_space<vmem>>, vector<1x1x1x8x2048xf32>
    %get3A_1499 = vector.shape_cast %get3A_1498 : vector<1x1x1x8x2048xf32> to vector<8x2048xf32>
    %add3A_1500 = arith.addf %add3A_1492, %get3A_1499 : vector<8x2048xf32>
    %get3A_1501 = arith.constant 0 : index
    %get3A_1502 = arith.constant 10 : index
    %get3A_1503 = arith.constant 0 : index
    %get3A_1504 = arith.constant 112 : index
    %get3A_1505 = arith.constant 0 : index
    %get3A_1506 = vector.load %arg1[%get3A_1501, %get3A_1502, %get3A_1503, %get3A_1504, %get3A_1505] : memref<1x12x1x128x2048xf32, #tpu.memory_space<vmem>>, vector<1x1x1x8x2048xf32>
    %get3A_1507 = vector.shape_cast %get3A_1506 : vector<1x1x1x8x2048xf32> to vector<8x2048xf32>
    %add3A_1508 = arith.addf %add3A_1500, %get3A_1507 : vector<8x2048xf32>
    %get3A_1509 = arith.constant 0 : index
    %get3A_1510 = arith.constant 11 : index
    %get3A_1511 = arith.constant 0 : index
    %get3A_1512 = arith.constant 112 : index
    %get3A_1513 = arith.constant 0 : index
    %get3A_1514 = vector.load %arg1[%get3A_1509, %get3A_1510, %get3A_1511, %get3A_1512, %get3A_1513] : memref<1x12x1x128x2048xf32, #tpu.memory_space<vmem>>, vector<1x1x1x8x2048xf32>
    %get3A_1515 = vector.shape_cast %get3A_1514 : vector<1x1x1x8x2048xf32> to vector<8x2048xf32>
    %add3A_1516 = arith.addf %add3A_1508, %get3A_1515 : vector<8x2048xf32>
    %get3A_1517 = arith.constant 0 : index
    %get3A_1518 = arith.constant 8 : index
    %get3A_1519 = arith.constant 0 : index
    %get3A_1520 = arith.constant 120 : index
    %get3A_1521 = arith.constant 0 : index
    %get3A_1522 = vector.load %arg1[%get3A_1517, %get3A_1518, %get3A_1519, %get3A_1520, %get3A_1521] : memref<1x12x1x128x2048xf32, #tpu.memory_space<vmem>>, vector<1x1x1x8x2048xf32>
    %get3A_1523 = vector.shape_cast %get3A_1522 : vector<1x1x1x8x2048xf32> to vector<8x2048xf32>
    %add3A_1524 = arith.addf %add3A_1516, %get3A_1523 : vector<8x2048xf32>
    %get3A_1525 = arith.constant 0 : index
    %get3A_1526 = arith.constant 9 : index
    %get3A_1527 = arith.constant 0 : index
    %get3A_1528 = arith.constant 120 : index
    %get3A_1529 = arith.constant 0 : index
    %get3A_1530 = vector.load %arg1[%get3A_1525, %get3A_1526, %get3A_1527, %get3A_1528, %get3A_1529] : memref<1x12x1x128x2048xf32, #tpu.memory_space<vmem>>, vector<1x1x1x8x2048xf32>
    %get3A_1531 = vector.shape_cast %get3A_1530 : vector<1x1x1x8x2048xf32> to vector<8x2048xf32>
    %add3A_1532 = arith.addf %add3A_1524, %get3A_1531 : vector<8x2048xf32>
    %get3A_1533 = arith.constant 0 : index
    %get3A_1534 = arith.constant 10 : index
    %get3A_1535 = arith.constant 0 : index
    %get3A_1536 = arith.constant 120 : index
    %get3A_1537 = arith.constant 0 : index
    %get3A_1538 = vector.load %arg1[%get3A_1533, %get3A_1534, %get3A_1535, %get3A_1536, %get3A_1537] : memref<1x12x1x128x2048xf32, #tpu.memory_space<vmem>>, vector<1x1x1x8x2048xf32>
    %get3A_1539 = vector.shape_cast %get3A_1538 : vector<1x1x1x8x2048xf32> to vector<8x2048xf32>
    %add3A_1540 = arith.addf %add3A_1532, %get3A_1539 : vector<8x2048xf32>
    %get3A_1541 = arith.constant 0 : index
    %get3A_1542 = arith.constant 11 : index
    %get3A_1543 = arith.constant 0 : index
    %get3A_1544 = arith.constant 120 : index
    %get3A_1545 = arith.constant 0 : index
    %get3A_1546 = vector.load %arg1[%get3A_1541, %get3A_1542, %get3A_1543, %get3A_1544, %get3A_1545] : memref<1x12x1x128x2048xf32, #tpu.memory_space<vmem>>, vector<1x1x1x8x2048xf32>
    %get3A_1547 = vector.shape_cast %get3A_1546 : vector<1x1x1x8x2048xf32> to vector<8x2048xf32>
    %add3A_1548 = arith.addf %add3A_1540, %get3A_1547 : vector<8x2048xf32>
    %slice3A_1549 = vector.extract_strided_slice %add3A_1548 {offsets = [0, 0], sizes = [4, 2048], strides = [1, 1]} : vector<8x2048xf32> to vector<4x2048xf32>
    %slice3A_1550 = vector.extract_strided_slice %add3A_1548 {offsets = [4, 0], sizes = [4, 2048], strides = [1, 1]} : vector<8x2048xf32> to vector<4x2048xf32>
    %add3A_1551 = arith.addf %slice3A_1549, %slice3A_1550 : vector<4x2048xf32>
    %slice3A_1552 = vector.extract_strided_slice %add3A_1551 {offsets = [0, 0], sizes = [2, 2048], strides = [1, 1]} : vector<4x2048xf32> to vector<2x2048xf32>
    %slice3A_1553 = vector.extract_strided_slice %add3A_1551 {offsets = [2, 0], sizes = [2, 2048], strides = [1, 1]} : vector<4x2048xf32> to vector<2x2048xf32>
    %add3A_1554 = arith.addf %slice3A_1552, %slice3A_1553 : vector<2x2048xf32>
    %slice3A_1555 = vector.extract_strided_slice %add3A_1554 {offsets = [0, 0], sizes = [1, 2048], strides = [1, 1]} : vector<2x2048xf32> to vector<1x2048xf32>
    %slice3A_1556 = vector.extract_strided_slice %add3A_1554 {offsets = [1, 0], sizes = [1, 2048], strides = [1, 1]} : vector<2x2048xf32> to vector<1x2048xf32>
    %add3A_1557 = arith.addf %slice3A_1555, %slice3A_1556 : vector<1x2048xf32>
    %add3A_1558 = arith.addf %add3A_1037, %add3A_1557 : vector<1x2048xf32>
    %reduce_max3A = vector.shape_cast %add3A_1558 : vector<1x2048xf32> to vector<1x1x2048xf32>
    %reduce_max3A_1559 = arith.constant dense<0xFF800000> : vector<1xf32>
    %reduce_max3A_1560 = vector.multi_reduction <maximumf>, %reduce_max3A, %reduce_max3A_1559 [1, 2] : vector<1x1x2048xf32> to vector<1xf32>
    %reduce_max3A_1561 = vector.shape_cast %reduce_max3A_1560 : vector<1xf32> to vector<1x1x1xf32>
    %reduce_max3A_1562 = vector.extract %reduce_max3A_1561[0, 0, 0] : f32 from vector<1x1x1xf32>
    %gt3A = arith.constant 0.000000e+00 : f32
    %gt3A_1563 = arith.cmpf ogt, %reduce_max3A_1562, %gt3A : f32
    %div3A = vector.broadcast %reduce_max3A_1562 : f32 to vector<1x2048xf32>
    %div3A_1564 = arith.divf %add3A_1558, %div3A : vector<1x2048xf32>
    %select_n3A = arith.select %gt3A_1563, %div3A_1564, %add3A_1558 : vector<1x2048xf32>
    %bitcast_convert_type3A = tpu.bitcast %select_n3A : vector<1x2048xf32> -> vector<1x2048xi32>
    %lt3A = arith.constant 0 : i32
    %lt3A_1565 = vector.broadcast %lt3A : i32 to vector<1x2048xi32>
    %lt3A_1566 = arith.cmpi slt, %bitcast_convert_type3A, %lt3A_1565 : vector<1x2048xi32>
    %xor3A = arith.constant 2147483647 : i32
    %xor3A_1567 = vector.broadcast %xor3A : i32 to vector<1x2048xi32>
    %xor3A_1568 = arith.xori %bitcast_convert_type3A, %xor3A_1567 : vector<1x2048xi32>
    %select_n3A_1569 = arith.select %lt3A_1566, %xor3A_1568, %bitcast_convert_type3A : vector<1x2048xi1>, vector<1x2048xi32>
    %ge3A = arith.constant 0 : i32
    %ge3A_1570 = vector.broadcast %ge3A : i32 to vector<1x2048xi32>
    %ge3A_1571 = arith.cmpi sge, %select_n3A_1569, %ge3A_1570 : vector<1x2048xi32>
    %convert_element_type3A = arith.extui %ge3A_1571 : vector<1x2048xi1> to vector<1x2048xi32>
    %reduce_sum3A = vector.shape_cast %convert_element_type3A : vector<1x2048xi32> to vector<1x1x2048xi32>
    %reduce_sum3A_1572 = arith.constant dense<0> : vector<1xi32>
    %reduce_sum3A_1573 = vector.multi_reduction <add>, %reduce_sum3A, %reduce_sum3A_1572 [1, 2] : vector<1x1x2048xi32> to vector<1xi32>
    %reduce_sum3A_1574 = vector.shape_cast %reduce_sum3A_1573 : vector<1xi32> to vector<1x1x1xi32>
    %reduce_sum3A_1575 = vector.extract %reduce_sum3A_1574[0, 0, 0] : i32 from vector<1x1x1xi32>
    %ge3A_1576 = arith.constant 1024 : i32
    %ge3A_1577 = arith.cmpi sge, %reduce_sum3A_1575, %ge3A_1576 : i32
    %jit3A = arith.constant 0 : i32
    %jit3A_1578 = arith.constant -2147483648 : i32
    %select_n3A_1579 = arith.select %ge3A_1577, %jit3A, %jit3A_1578 : i32
    %or3A = arith.constant 1073741824 : i32
    %or3A_1580 = arith.ori %select_n3A_1579, %or3A : i32
    %ge3A_1581 = vector.broadcast %or3A_1580 : i32 to vector<1x2048xi32>
    %ge3A_1582 = arith.cmpi sge, %select_n3A_1569, %ge3A_1581 : vector<1x2048xi32>
    %convert_element_type3A_1583 = arith.extui %ge3A_1582 : vector<1x2048xi1> to vector<1x2048xi32>
    %reduce_sum3A_1584 = vector.shape_cast %convert_element_type3A_1583 : vector<1x2048xi32> to vector<1x1x2048xi32>
    %reduce_sum3A_1585 = arith.constant dense<0> : vector<1xi32>
    %reduce_sum3A_1586 = vector.multi_reduction <add>, %reduce_sum3A_1584, %reduce_sum3A_1585 [1, 2] : vector<1x1x2048xi32> to vector<1xi32>
    %reduce_sum3A_1587 = vector.shape_cast %reduce_sum3A_1586 : vector<1xi32> to vector<1x1x1xi32>
    %reduce_sum3A_1588 = vector.extract %reduce_sum3A_1587[0, 0, 0] : i32 from vector<1x1x1xi32>
    %ge3A_1589 = arith.constant 1024 : i32
    %ge3A_1590 = arith.cmpi sge, %reduce_sum3A_1588, %ge3A_1589 : i32
    %select_n3A_1591 = arith.select %ge3A_1590, %or3A_1580, %select_n3A_1579 : i32
    %or3A_1592 = arith.constant 536870912 : i32
    %or3A_1593 = arith.ori %select_n3A_1591, %or3A_1592 : i32
    %ge3A_1594 = vector.broadcast %or3A_1593 : i32 to vector<1x2048xi32>
    %ge3A_1595 = arith.cmpi sge, %select_n3A_1569, %ge3A_1594 : vector<1x2048xi32>
    %convert_element_type3A_1596 = arith.extui %ge3A_1595 : vector<1x2048xi1> to vector<1x2048xi32>
    %reduce_sum3A_1597 = vector.shape_cast %convert_element_type3A_1596 : vector<1x2048xi32> to vector<1x1x2048xi32>
    %reduce_sum3A_1598 = arith.constant dense<0> : vector<1xi32>
    %reduce_sum3A_1599 = vector.multi_reduction <add>, %reduce_sum3A_1597, %reduce_sum3A_1598 [1, 2] : vector<1x1x2048xi32> to vector<1xi32>
    %reduce_sum3A_1600 = vector.shape_cast %reduce_sum3A_1599 : vector<1xi32> to vector<1x1x1xi32>
    %reduce_sum3A_1601 = vector.extract %reduce_sum3A_1600[0, 0, 0] : i32 from vector<1x1x1xi32>
    %ge3A_1602 = arith.constant 1024 : i32
    %ge3A_1603 = arith.cmpi sge, %reduce_sum3A_1601, %ge3A_1602 : i32
    %select_n3A_1604 = arith.select %ge3A_1603, %or3A_1593, %select_n3A_1591 : i32
    %or3A_1605 = arith.constant 268435456 : i32
    %or3A_1606 = arith.ori %select_n3A_1604, %or3A_1605 : i32
    %ge3A_1607 = vector.broadcast %or3A_1606 : i32 to vector<1x2048xi32>
    %ge3A_1608 = arith.cmpi sge, %select_n3A_1569, %ge3A_1607 : vector<1x2048xi32>
    %convert_element_type3A_1609 = arith.extui %ge3A_1608 : vector<1x2048xi1> to vector<1x2048xi32>
    %reduce_sum3A_1610 = vector.shape_cast %convert_element_type3A_1609 : vector<1x2048xi32> to vector<1x1x2048xi32>
    %reduce_sum3A_1611 = arith.constant dense<0> : vector<1xi32>
    %reduce_sum3A_1612 = vector.multi_reduction <add>, %reduce_sum3A_1610, %reduce_sum3A_1611 [1, 2] : vector<1x1x2048xi32> to vector<1xi32>
    %reduce_sum3A_1613 = vector.shape_cast %reduce_sum3A_1612 : vector<1xi32> to vector<1x1x1xi32>
    %reduce_sum3A_1614 = vector.extract %reduce_sum3A_1613[0, 0, 0] : i32 from vector<1x1x1xi32>
    %ge3A_1615 = arith.constant 1024 : i32
    %ge3A_1616 = arith.cmpi sge, %reduce_sum3A_1614, %ge3A_1615 : i32
    %select_n3A_1617 = arith.select %ge3A_1616, %or3A_1606, %select_n3A_1604 : i32
    %or3A_1618 = arith.constant 134217728 : i32
    %or3A_1619 = arith.ori %select_n3A_1617, %or3A_1618 : i32
    %ge3A_1620 = vector.broadcast %or3A_1619 : i32 to vector<1x2048xi32>
    %ge3A_1621 = arith.cmpi sge, %select_n3A_1569, %ge3A_1620 : vector<1x2048xi32>
    %convert_element_type3A_1622 = arith.extui %ge3A_1621 : vector<1x2048xi1> to vector<1x2048xi32>
    %reduce_sum3A_1623 = vector.shape_cast %convert_element_type3A_1622 : vector<1x2048xi32> to vector<1x1x2048xi32>
    %reduce_sum3A_1624 = arith.constant dense<0> : vector<1xi32>
    %reduce_sum3A_1625 = vector.multi_reduction <add>, %reduce_sum3A_1623, %reduce_sum3A_1624 [1, 2] : vector<1x1x2048xi32> to vector<1xi32>
    %reduce_sum3A_1626 = vector.shape_cast %reduce_sum3A_1625 : vector<1xi32> to vector<1x1x1xi32>
    %reduce_sum3A_1627 = vector.extract %reduce_sum3A_1626[0, 0, 0] : i32 from vector<1x1x1xi32>
    %ge3A_1628 = arith.constant 1024 : i32
    %ge3A_1629 = arith.cmpi sge, %reduce_sum3A_1627, %ge3A_1628 : i32
    %select_n3A_1630 = arith.select %ge3A_1629, %or3A_1619, %select_n3A_1617 : i32
    %or3A_1631 = arith.constant 67108864 : i32
    %or3A_1632 = arith.ori %select_n3A_1630, %or3A_1631 : i32
    %ge3A_1633 = vector.broadcast %or3A_1632 : i32 to vector<1x2048xi32>
    %ge3A_1634 = arith.cmpi sge, %select_n3A_1569, %ge3A_1633 : vector<1x2048xi32>
    %convert_element_type3A_1635 = arith.extui %ge3A_1634 : vector<1x2048xi1> to vector<1x2048xi32>
    %reduce_sum3A_1636 = vector.shape_cast %convert_element_type3A_1635 : vector<1x2048xi32> to vector<1x1x2048xi32>
    %reduce_sum3A_1637 = arith.constant dense<0> : vector<1xi32>
    %reduce_sum3A_1638 = vector.multi_reduction <add>, %reduce_sum3A_1636, %reduce_sum3A_1637 [1, 2] : vector<1x1x2048xi32> to vector<1xi32>
    %reduce_sum3A_1639 = vector.shape_cast %reduce_sum3A_1638 : vector<1xi32> to vector<1x1x1xi32>
    %reduce_sum3A_1640 = vector.extract %reduce_sum3A_1639[0, 0, 0] : i32 from vector<1x1x1xi32>
    %ge3A_1641 = arith.constant 1024 : i32
    %ge3A_1642 = arith.cmpi sge, %reduce_sum3A_1640, %ge3A_1641 : i32
    %select_n3A_1643 = arith.select %ge3A_1642, %or3A_1632, %select_n3A_1630 : i32
    %or3A_1644 = arith.constant 33554432 : i32
    %or3A_1645 = arith.ori %select_n3A_1643, %or3A_1644 : i32
    %ge3A_1646 = vector.broadcast %or3A_1645 : i32 to vector<1x2048xi32>
    %ge3A_1647 = arith.cmpi sge, %select_n3A_1569, %ge3A_1646 : vector<1x2048xi32>
    %convert_element_type3A_1648 = arith.extui %ge3A_1647 : vector<1x2048xi1> to vector<1x2048xi32>
    %reduce_sum3A_1649 = vector.shape_cast %convert_element_type3A_1648 : vector<1x2048xi32> to vector<1x1x2048xi32>
    %reduce_sum3A_1650 = arith.constant dense<0> : vector<1xi32>
    %reduce_sum3A_1651 = vector.multi_reduction <add>, %reduce_sum3A_1649, %reduce_sum3A_1650 [1, 2] : vector<1x1x2048xi32> to vector<1xi32>
    %reduce_sum3A_1652 = vector.shape_cast %reduce_sum3A_1651 : vector<1xi32> to vector<1x1x1xi32>
    %reduce_sum3A_1653 = vector.extract %reduce_sum3A_1652[0, 0, 0] : i32 from vector<1x1x1xi32>
    %ge3A_1654 = arith.constant 1024 : i32
    %ge3A_1655 = arith.cmpi sge, %reduce_sum3A_1653, %ge3A_1654 : i32
    %select_n3A_1656 = arith.select %ge3A_1655, %or3A_1645, %select_n3A_1643 : i32
    %or3A_1657 = arith.constant 16777216 : i32
    %or3A_1658 = arith.ori %select_n3A_1656, %or3A_1657 : i32
    %ge3A_1659 = vector.broadcast %or3A_1658 : i32 to vector<1x2048xi32>
    %ge3A_1660 = arith.cmpi sge, %select_n3A_1569, %ge3A_1659 : vector<1x2048xi32>
    %convert_element_type3A_1661 = arith.extui %ge3A_1660 : vector<1x2048xi1> to vector<1x2048xi32>
    %reduce_sum3A_1662 = vector.shape_cast %convert_element_type3A_1661 : vector<1x2048xi32> to vector<1x1x2048xi32>
    %reduce_sum3A_1663 = arith.constant dense<0> : vector<1xi32>
    %reduce_sum3A_1664 = vector.multi_reduction <add>, %reduce_sum3A_1662, %reduce_sum3A_1663 [1, 2] : vector<1x1x2048xi32> to vector<1xi32>
    %reduce_sum3A_1665 = vector.shape_cast %reduce_sum3A_1664 : vector<1xi32> to vector<1x1x1xi32>
    %reduce_sum3A_1666 = vector.extract %reduce_sum3A_1665[0, 0, 0] : i32 from vector<1x1x1xi32>
    %ge3A_1667 = arith.constant 1024 : i32
    %ge3A_1668 = arith.cmpi sge, %reduce_sum3A_1666, %ge3A_1667 : i32
    %select_n3A_1669 = arith.select %ge3A_1668, %or3A_1658, %select_n3A_1656 : i32
    %or3A_1670 = arith.constant 8388608 : i32
    %or3A_1671 = arith.ori %select_n3A_1669, %or3A_1670 : i32
    %ge3A_1672 = vector.broadcast %or3A_1671 : i32 to vector<1x2048xi32>
    %ge3A_1673 = arith.cmpi sge, %select_n3A_1569, %ge3A_1672 : vector<1x2048xi32>
    %convert_element_type3A_1674 = arith.extui %ge3A_1673 : vector<1x2048xi1> to vector<1x2048xi32>
    %reduce_sum3A_1675 = vector.shape_cast %convert_element_type3A_1674 : vector<1x2048xi32> to vector<1x1x2048xi32>
    %reduce_sum3A_1676 = arith.constant dense<0> : vector<1xi32>
    %reduce_sum3A_1677 = vector.multi_reduction <add>, %reduce_sum3A_1675, %reduce_sum3A_1676 [1, 2] : vector<1x1x2048xi32> to vector<1xi32>
    %reduce_sum3A_1678 = vector.shape_cast %reduce_sum3A_1677 : vector<1xi32> to vector<1x1x1xi32>
    %reduce_sum3A_1679 = vector.extract %reduce_sum3A_1678[0, 0, 0] : i32 from vector<1x1x1xi32>
    %ge3A_1680 = arith.constant 1024 : i32
    %ge3A_1681 = arith.cmpi sge, %reduce_sum3A_1679, %ge3A_1680 : i32
    %select_n3A_1682 = arith.select %ge3A_1681, %or3A_1671, %select_n3A_1669 : i32
    %or3A_1683 = arith.constant 4194304 : i32
    %or3A_1684 = arith.ori %select_n3A_1682, %or3A_1683 : i32
    %ge3A_1685 = vector.broadcast %or3A_1684 : i32 to vector<1x2048xi32>
    %ge3A_1686 = arith.cmpi sge, %select_n3A_1569, %ge3A_1685 : vector<1x2048xi32>
    %convert_element_type3A_1687 = arith.extui %ge3A_1686 : vector<1x2048xi1> to vector<1x2048xi32>
    %reduce_sum3A_1688 = vector.shape_cast %convert_element_type3A_1687 : vector<1x2048xi32> to vector<1x1x2048xi32>
    %reduce_sum3A_1689 = arith.constant dense<0> : vector<1xi32>
    %reduce_sum3A_1690 = vector.multi_reduction <add>, %reduce_sum3A_1688, %reduce_sum3A_1689 [1, 2] : vector<1x1x2048xi32> to vector<1xi32>
    %reduce_sum3A_1691 = vector.shape_cast %reduce_sum3A_1690 : vector<1xi32> to vector<1x1x1xi32>
    %reduce_sum3A_1692 = vector.extract %reduce_sum3A_1691[0, 0, 0] : i32 from vector<1x1x1xi32>
    %ge3A_1693 = arith.constant 1024 : i32
    %ge3A_1694 = arith.cmpi sge, %reduce_sum3A_1692, %ge3A_1693 : i32
    %select_n3A_1695 = arith.select %ge3A_1694, %or3A_1684, %select_n3A_1682 : i32
    %or3A_1696 = arith.constant 2097152 : i32
    %or3A_1697 = arith.ori %select_n3A_1695, %or3A_1696 : i32
    %ge3A_1698 = vector.broadcast %or3A_1697 : i32 to vector<1x2048xi32>
    %ge3A_1699 = arith.cmpi sge, %select_n3A_1569, %ge3A_1698 : vector<1x2048xi32>
    %convert_element_type3A_1700 = arith.extui %ge3A_1699 : vector<1x2048xi1> to vector<1x2048xi32>
    %reduce_sum3A_1701 = vector.shape_cast %convert_element_type3A_1700 : vector<1x2048xi32> to vector<1x1x2048xi32>
    %reduce_sum3A_1702 = arith.constant dense<0> : vector<1xi32>
    %reduce_sum3A_1703 = vector.multi_reduction <add>, %reduce_sum3A_1701, %reduce_sum3A_1702 [1, 2] : vector<1x1x2048xi32> to vector<1xi32>
    %reduce_sum3A_1704 = vector.shape_cast %reduce_sum3A_1703 : vector<1xi32> to vector<1x1x1xi32>
    %reduce_sum3A_1705 = vector.extract %reduce_sum3A_1704[0, 0, 0] : i32 from vector<1x1x1xi32>
    %ge3A_1706 = arith.constant 1024 : i32
    %ge3A_1707 = arith.cmpi sge, %reduce_sum3A_1705, %ge3A_1706 : i32
    %select_n3A_1708 = arith.select %ge3A_1707, %or3A_1697, %select_n3A_1695 : i32
    %or3A_1709 = arith.constant 1048576 : i32
    %or3A_1710 = arith.ori %select_n3A_1708, %or3A_1709 : i32
    %ge3A_1711 = vector.broadcast %or3A_1710 : i32 to vector<1x2048xi32>
    %ge3A_1712 = arith.cmpi sge, %select_n3A_1569, %ge3A_1711 : vector<1x2048xi32>
    %convert_element_type3A_1713 = arith.extui %ge3A_1712 : vector<1x2048xi1> to vector<1x2048xi32>
    %reduce_sum3A_1714 = vector.shape_cast %convert_element_type3A_1713 : vector<1x2048xi32> to vector<1x1x2048xi32>
    %reduce_sum3A_1715 = arith.constant dense<0> : vector<1xi32>
    %reduce_sum3A_1716 = vector.multi_reduction <add>, %reduce_sum3A_1714, %reduce_sum3A_1715 [1, 2] : vector<1x1x2048xi32> to vector<1xi32>
    %reduce_sum3A_1717 = vector.shape_cast %reduce_sum3A_1716 : vector<1xi32> to vector<1x1x1xi32>
    %reduce_sum3A_1718 = vector.extract %reduce_sum3A_1717[0, 0, 0] : i32 from vector<1x1x1xi32>
    %ge3A_1719 = arith.constant 1024 : i32
    %ge3A_1720 = arith.cmpi sge, %reduce_sum3A_1718, %ge3A_1719 : i32
    %select_n3A_1721 = arith.select %ge3A_1720, %or3A_1710, %select_n3A_1708 : i32
    %or3A_1722 = arith.constant 524288 : i32
    %or3A_1723 = arith.ori %select_n3A_1721, %or3A_1722 : i32
    %ge3A_1724 = vector.broadcast %or3A_1723 : i32 to vector<1x2048xi32>
    %ge3A_1725 = arith.cmpi sge, %select_n3A_1569, %ge3A_1724 : vector<1x2048xi32>
    %convert_element_type3A_1726 = arith.extui %ge3A_1725 : vector<1x2048xi1> to vector<1x2048xi32>
    %reduce_sum3A_1727 = vector.shape_cast %convert_element_type3A_1726 : vector<1x2048xi32> to vector<1x1x2048xi32>
    %reduce_sum3A_1728 = arith.constant dense<0> : vector<1xi32>
    %reduce_sum3A_1729 = vector.multi_reduction <add>, %reduce_sum3A_1727, %reduce_sum3A_1728 [1, 2] : vector<1x1x2048xi32> to vector<1xi32>
    %reduce_sum3A_1730 = vector.shape_cast %reduce_sum3A_1729 : vector<1xi32> to vector<1x1x1xi32>
    %reduce_sum3A_1731 = vector.extract %reduce_sum3A_1730[0, 0, 0] : i32 from vector<1x1x1xi32>
    %ge3A_1732 = arith.constant 1024 : i32
    %ge3A_1733 = arith.cmpi sge, %reduce_sum3A_1731, %ge3A_1732 : i32
    %select_n3A_1734 = arith.select %ge3A_1733, %or3A_1723, %select_n3A_1721 : i32
    %or3A_1735 = arith.constant 262144 : i32
    %or3A_1736 = arith.ori %select_n3A_1734, %or3A_1735 : i32
    %ge3A_1737 = vector.broadcast %or3A_1736 : i32 to vector<1x2048xi32>
    %ge3A_1738 = arith.cmpi sge, %select_n3A_1569, %ge3A_1737 : vector<1x2048xi32>
    %convert_element_type3A_1739 = arith.extui %ge3A_1738 : vector<1x2048xi1> to vector<1x2048xi32>
    %reduce_sum3A_1740 = vector.shape_cast %convert_element_type3A_1739 : vector<1x2048xi32> to vector<1x1x2048xi32>
    %reduce_sum3A_1741 = arith.constant dense<0> : vector<1xi32>
    %reduce_sum3A_1742 = vector.multi_reduction <add>, %reduce_sum3A_1740, %reduce_sum3A_1741 [1, 2] : vector<1x1x2048xi32> to vector<1xi32>
    %reduce_sum3A_1743 = vector.shape_cast %reduce_sum3A_1742 : vector<1xi32> to vector<1x1x1xi32>
    %reduce_sum3A_1744 = vector.extract %reduce_sum3A_1743[0, 0, 0] : i32 from vector<1x1x1xi32>
    %ge3A_1745 = arith.constant 1024 : i32
    %ge3A_1746 = arith.cmpi sge, %reduce_sum3A_1744, %ge3A_1745 : i32
    %select_n3A_1747 = arith.select %ge3A_1746, %or3A_1736, %select_n3A_1734 : i32
    %or3A_1748 = arith.constant 131072 : i32
    %or3A_1749 = arith.ori %select_n3A_1747, %or3A_1748 : i32
    %ge3A_1750 = vector.broadcast %or3A_1749 : i32 to vector<1x2048xi32>
    %ge3A_1751 = arith.cmpi sge, %select_n3A_1569, %ge3A_1750 : vector<1x2048xi32>
    %convert_element_type3A_1752 = arith.extui %ge3A_1751 : vector<1x2048xi1> to vector<1x2048xi32>
    %reduce_sum3A_1753 = vector.shape_cast %convert_element_type3A_1752 : vector<1x2048xi32> to vector<1x1x2048xi32>
    %reduce_sum3A_1754 = arith.constant dense<0> : vector<1xi32>
    %reduce_sum3A_1755 = vector.multi_reduction <add>, %reduce_sum3A_1753, %reduce_sum3A_1754 [1, 2] : vector<1x1x2048xi32> to vector<1xi32>
    %reduce_sum3A_1756 = vector.shape_cast %reduce_sum3A_1755 : vector<1xi32> to vector<1x1x1xi32>
    %reduce_sum3A_1757 = vector.extract %reduce_sum3A_1756[0, 0, 0] : i32 from vector<1x1x1xi32>
    %ge3A_1758 = arith.constant 1024 : i32
    %ge3A_1759 = arith.cmpi sge, %reduce_sum3A_1757, %ge3A_1758 : i32
    %select_n3A_1760 = arith.select %ge3A_1759, %or3A_1749, %select_n3A_1747 : i32
    %or3A_1761 = arith.constant 65536 : i32
    %or3A_1762 = arith.ori %select_n3A_1760, %or3A_1761 : i32
    %ge3A_1763 = vector.broadcast %or3A_1762 : i32 to vector<1x2048xi32>
    %ge3A_1764 = arith.cmpi sge, %select_n3A_1569, %ge3A_1763 : vector<1x2048xi32>
    %convert_element_type3A_1765 = arith.extui %ge3A_1764 : vector<1x2048xi1> to vector<1x2048xi32>
    %reduce_sum3A_1766 = vector.shape_cast %convert_element_type3A_1765 : vector<1x2048xi32> to vector<1x1x2048xi32>
    %reduce_sum3A_1767 = arith.constant dense<0> : vector<1xi32>
    %reduce_sum3A_1768 = vector.multi_reduction <add>, %reduce_sum3A_1766, %reduce_sum3A_1767 [1, 2] : vector<1x1x2048xi32> to vector<1xi32>
    %reduce_sum3A_1769 = vector.shape_cast %reduce_sum3A_1768 : vector<1xi32> to vector<1x1x1xi32>
    %reduce_sum3A_1770 = vector.extract %reduce_sum3A_1769[0, 0, 0] : i32 from vector<1x1x1xi32>
    %ge3A_1771 = arith.constant 1024 : i32
    %ge3A_1772 = arith.cmpi sge, %reduce_sum3A_1770, %ge3A_1771 : i32
    %select_n3A_1773 = arith.select %ge3A_1772, %or3A_1762, %select_n3A_1760 : i32
    %or3A_1774 = arith.constant 32768 : i32
    %or3A_1775 = arith.ori %select_n3A_1773, %or3A_1774 : i32
    %ge3A_1776 = vector.broadcast %or3A_1775 : i32 to vector<1x2048xi32>
    %ge3A_1777 = arith.cmpi sge, %select_n3A_1569, %ge3A_1776 : vector<1x2048xi32>
    %convert_element_type3A_1778 = arith.extui %ge3A_1777 : vector<1x2048xi1> to vector<1x2048xi32>
    %reduce_sum3A_1779 = vector.shape_cast %convert_element_type3A_1778 : vector<1x2048xi32> to vector<1x1x2048xi32>
    %reduce_sum3A_1780 = arith.constant dense<0> : vector<1xi32>
    %reduce_sum3A_1781 = vector.multi_reduction <add>, %reduce_sum3A_1779, %reduce_sum3A_1780 [1, 2] : vector<1x1x2048xi32> to vector<1xi32>
    %reduce_sum3A_1782 = vector.shape_cast %reduce_sum3A_1781 : vector<1xi32> to vector<1x1x1xi32>
    %reduce_sum3A_1783 = vector.extract %reduce_sum3A_1782[0, 0, 0] : i32 from vector<1x1x1xi32>
    %ge3A_1784 = arith.constant 1024 : i32
    %ge3A_1785 = arith.cmpi sge, %reduce_sum3A_1783, %ge3A_1784 : i32
    %select_n3A_1786 = arith.select %ge3A_1785, %or3A_1775, %select_n3A_1773 : i32
    %or3A_1787 = arith.constant 16384 : i32
    %or3A_1788 = arith.ori %select_n3A_1786, %or3A_1787 : i32
    %ge3A_1789 = vector.broadcast %or3A_1788 : i32 to vector<1x2048xi32>
    %ge3A_1790 = arith.cmpi sge, %select_n3A_1569, %ge3A_1789 : vector<1x2048xi32>
    %convert_element_type3A_1791 = arith.extui %ge3A_1790 : vector<1x2048xi1> to vector<1x2048xi32>
    %reduce_sum3A_1792 = vector.shape_cast %convert_element_type3A_1791 : vector<1x2048xi32> to vector<1x1x2048xi32>
    %reduce_sum3A_1793 = arith.constant dense<0> : vector<1xi32>
    %reduce_sum3A_1794 = vector.multi_reduction <add>, %reduce_sum3A_1792, %reduce_sum3A_1793 [1, 2] : vector<1x1x2048xi32> to vector<1xi32>
    %reduce_sum3A_1795 = vector.shape_cast %reduce_sum3A_1794 : vector<1xi32> to vector<1x1x1xi32>
    %reduce_sum3A_1796 = vector.extract %reduce_sum3A_1795[0, 0, 0] : i32 from vector<1x1x1xi32>
    %ge3A_1797 = arith.constant 1024 : i32
    %ge3A_1798 = arith.cmpi sge, %reduce_sum3A_1796, %ge3A_1797 : i32
    %select_n3A_1799 = arith.select %ge3A_1798, %or3A_1788, %select_n3A_1786 : i32
    %or3A_1800 = arith.constant 8192 : i32
    %or3A_1801 = arith.ori %select_n3A_1799, %or3A_1800 : i32
    %ge3A_1802 = vector.broadcast %or3A_1801 : i32 to vector<1x2048xi32>
    %ge3A_1803 = arith.cmpi sge, %select_n3A_1569, %ge3A_1802 : vector<1x2048xi32>
    %convert_element_type3A_1804 = arith.extui %ge3A_1803 : vector<1x2048xi1> to vector<1x2048xi32>
    %reduce_sum3A_1805 = vector.shape_cast %convert_element_type3A_1804 : vector<1x2048xi32> to vector<1x1x2048xi32>
    %reduce_sum3A_1806 = arith.constant dense<0> : vector<1xi32>
    %reduce_sum3A_1807 = vector.multi_reduction <add>, %reduce_sum3A_1805, %reduce_sum3A_1806 [1, 2] : vector<1x1x2048xi32> to vector<1xi32>
    %reduce_sum3A_1808 = vector.shape_cast %reduce_sum3A_1807 : vector<1xi32> to vector<1x1x1xi32>
    %reduce_sum3A_1809 = vector.extract %reduce_sum3A_1808[0, 0, 0] : i32 from vector<1x1x1xi32>
    %ge3A_1810 = arith.constant 1024 : i32
    %ge3A_1811 = arith.cmpi sge, %reduce_sum3A_1809, %ge3A_1810 : i32
    %select_n3A_1812 = arith.select %ge3A_1811, %or3A_1801, %select_n3A_1799 : i32
    %or3A_1813 = arith.constant 4096 : i32
    %or3A_1814 = arith.ori %select_n3A_1812, %or3A_1813 : i32
    %ge3A_1815 = vector.broadcast %or3A_1814 : i32 to vector<1x2048xi32>
    %ge3A_1816 = arith.cmpi sge, %select_n3A_1569, %ge3A_1815 : vector<1x2048xi32>
    %convert_element_type3A_1817 = arith.extui %ge3A_1816 : vector<1x2048xi1> to vector<1x2048xi32>
    %reduce_sum3A_1818 = vector.shape_cast %convert_element_type3A_1817 : vector<1x2048xi32> to vector<1x1x2048xi32>
    %reduce_sum3A_1819 = arith.constant dense<0> : vector<1xi32>
    %reduce_sum3A_1820 = vector.multi_reduction <add>, %reduce_sum3A_1818, %reduce_sum3A_1819 [1, 2] : vector<1x1x2048xi32> to vector<1xi32>
    %reduce_sum3A_1821 = vector.shape_cast %reduce_sum3A_1820 : vector<1xi32> to vector<1x1x1xi32>
    %reduce_sum3A_1822 = vector.extract %reduce_sum3A_1821[0, 0, 0] : i32 from vector<1x1x1xi32>
    %ge3A_1823 = arith.constant 1024 : i32
    %ge3A_1824 = arith.cmpi sge, %reduce_sum3A_1822, %ge3A_1823 : i32
    %select_n3A_1825 = arith.select %ge3A_1824, %or3A_1814, %select_n3A_1812 : i32
    %or3A_1826 = arith.constant 2048 : i32
    %or3A_1827 = arith.ori %select_n3A_1825, %or3A_1826 : i32
    %ge3A_1828 = vector.broadcast %or3A_1827 : i32 to vector<1x2048xi32>
    %ge3A_1829 = arith.cmpi sge, %select_n3A_1569, %ge3A_1828 : vector<1x2048xi32>
    %convert_element_type3A_1830 = arith.extui %ge3A_1829 : vector<1x2048xi1> to vector<1x2048xi32>
    %reduce_sum3A_1831 = vector.shape_cast %convert_element_type3A_1830 : vector<1x2048xi32> to vector<1x1x2048xi32>
    %reduce_sum3A_1832 = arith.constant dense<0> : vector<1xi32>
    %reduce_sum3A_1833 = vector.multi_reduction <add>, %reduce_sum3A_1831, %reduce_sum3A_1832 [1, 2] : vector<1x1x2048xi32> to vector<1xi32>
    %reduce_sum3A_1834 = vector.shape_cast %reduce_sum3A_1833 : vector<1xi32> to vector<1x1x1xi32>
    %reduce_sum3A_1835 = vector.extract %reduce_sum3A_1834[0, 0, 0] : i32 from vector<1x1x1xi32>
    %ge3A_1836 = arith.constant 1024 : i32
    %ge3A_1837 = arith.cmpi sge, %reduce_sum3A_1835, %ge3A_1836 : i32
    %select_n3A_1838 = arith.select %ge3A_1837, %or3A_1827, %select_n3A_1825 : i32
    %or3A_1839 = arith.constant 1024 : i32
    %or3A_1840 = arith.ori %select_n3A_1838, %or3A_1839 : i32
    %ge3A_1841 = vector.broadcast %or3A_1840 : i32 to vector<1x2048xi32>
    %ge3A_1842 = arith.cmpi sge, %select_n3A_1569, %ge3A_1841 : vector<1x2048xi32>
    %convert_element_type3A_1843 = arith.extui %ge3A_1842 : vector<1x2048xi1> to vector<1x2048xi32>
    %reduce_sum3A_1844 = vector.shape_cast %convert_element_type3A_1843 : vector<1x2048xi32> to vector<1x1x2048xi32>
    %reduce_sum3A_1845 = arith.constant dense<0> : vector<1xi32>
    %reduce_sum3A_1846 = vector.multi_reduction <add>, %reduce_sum3A_1844, %reduce_sum3A_1845 [1, 2] : vector<1x1x2048xi32> to vector<1xi32>
    %reduce_sum3A_1847 = vector.shape_cast %reduce_sum3A_1846 : vector<1xi32> to vector<1x1x1xi32>
    %reduce_sum3A_1848 = vector.extract %reduce_sum3A_1847[0, 0, 0] : i32 from vector<1x1x1xi32>
    %ge3A_1849 = arith.constant 1024 : i32
    %ge3A_1850 = arith.cmpi sge, %reduce_sum3A_1848, %ge3A_1849 : i32
    %select_n3A_1851 = arith.select %ge3A_1850, %or3A_1840, %select_n3A_1838 : i32
    %or3A_1852 = arith.constant 512 : i32
    %or3A_1853 = arith.ori %select_n3A_1851, %or3A_1852 : i32
    %ge3A_1854 = vector.broadcast %or3A_1853 : i32 to vector<1x2048xi32>
    %ge3A_1855 = arith.cmpi sge, %select_n3A_1569, %ge3A_1854 : vector<1x2048xi32>
    %convert_element_type3A_1856 = arith.extui %ge3A_1855 : vector<1x2048xi1> to vector<1x2048xi32>
    %reduce_sum3A_1857 = vector.shape_cast %convert_element_type3A_1856 : vector<1x2048xi32> to vector<1x1x2048xi32>
    %reduce_sum3A_1858 = arith.constant dense<0> : vector<1xi32>
    %reduce_sum3A_1859 = vector.multi_reduction <add>, %reduce_sum3A_1857, %reduce_sum3A_1858 [1, 2] : vector<1x1x2048xi32> to vector<1xi32>
    %reduce_sum3A_1860 = vector.shape_cast %reduce_sum3A_1859 : vector<1xi32> to vector<1x1x1xi32>
    %reduce_sum3A_1861 = vector.extract %reduce_sum3A_1860[0, 0, 0] : i32 from vector<1x1x1xi32>
    %ge3A_1862 = arith.constant 1024 : i32
    %ge3A_1863 = arith.cmpi sge, %reduce_sum3A_1861, %ge3A_1862 : i32
    %select_n3A_1864 = arith.select %ge3A_1863, %or3A_1853, %select_n3A_1851 : i32
    %or3A_1865 = arith.constant 256 : i32
    %or3A_1866 = arith.ori %select_n3A_1864, %or3A_1865 : i32
    %ge3A_1867 = vector.broadcast %or3A_1866 : i32 to vector<1x2048xi32>
    %ge3A_1868 = arith.cmpi sge, %select_n3A_1569, %ge3A_1867 : vector<1x2048xi32>
    %convert_element_type3A_1869 = arith.extui %ge3A_1868 : vector<1x2048xi1> to vector<1x2048xi32>
    %reduce_sum3A_1870 = vector.shape_cast %convert_element_type3A_1869 : vector<1x2048xi32> to vector<1x1x2048xi32>
    %reduce_sum3A_1871 = arith.constant dense<0> : vector<1xi32>
    %reduce_sum3A_1872 = vector.multi_reduction <add>, %reduce_sum3A_1870, %reduce_sum3A_1871 [1, 2] : vector<1x1x2048xi32> to vector<1xi32>
    %reduce_sum3A_1873 = vector.shape_cast %reduce_sum3A_1872 : vector<1xi32> to vector<1x1x1xi32>
    %reduce_sum3A_1874 = vector.extract %reduce_sum3A_1873[0, 0, 0] : i32 from vector<1x1x1xi32>
    %ge3A_1875 = arith.constant 1024 : i32
    %ge3A_1876 = arith.cmpi sge, %reduce_sum3A_1874, %ge3A_1875 : i32
    %select_n3A_1877 = arith.select %ge3A_1876, %or3A_1866, %select_n3A_1864 : i32
    %or3A_1878 = arith.constant 128 : i32
    %or3A_1879 = arith.ori %select_n3A_1877, %or3A_1878 : i32
    %ge3A_1880 = vector.broadcast %or3A_1879 : i32 to vector<1x2048xi32>
    %ge3A_1881 = arith.cmpi sge, %select_n3A_1569, %ge3A_1880 : vector<1x2048xi32>
    %convert_element_type3A_1882 = arith.extui %ge3A_1881 : vector<1x2048xi1> to vector<1x2048xi32>
    %reduce_sum3A_1883 = vector.shape_cast %convert_element_type3A_1882 : vector<1x2048xi32> to vector<1x1x2048xi32>
    %reduce_sum3A_1884 = arith.constant dense<0> : vector<1xi32>
    %reduce_sum3A_1885 = vector.multi_reduction <add>, %reduce_sum3A_1883, %reduce_sum3A_1884 [1, 2] : vector<1x1x2048xi32> to vector<1xi32>
    %reduce_sum3A_1886 = vector.shape_cast %reduce_sum3A_1885 : vector<1xi32> to vector<1x1x1xi32>
    %reduce_sum3A_1887 = vector.extract %reduce_sum3A_1886[0, 0, 0] : i32 from vector<1x1x1xi32>
    %ge3A_1888 = arith.constant 1024 : i32
    %ge3A_1889 = arith.cmpi sge, %reduce_sum3A_1887, %ge3A_1888 : i32
    %select_n3A_1890 = arith.select %ge3A_1889, %or3A_1879, %select_n3A_1877 : i32
    %or3A_1891 = arith.constant 64 : i32
    %or3A_1892 = arith.ori %select_n3A_1890, %or3A_1891 : i32
    %ge3A_1893 = vector.broadcast %or3A_1892 : i32 to vector<1x2048xi32>
    %ge3A_1894 = arith.cmpi sge, %select_n3A_1569, %ge3A_1893 : vector<1x2048xi32>
    %convert_element_type3A_1895 = arith.extui %ge3A_1894 : vector<1x2048xi1> to vector<1x2048xi32>
    %reduce_sum3A_1896 = vector.shape_cast %convert_element_type3A_1895 : vector<1x2048xi32> to vector<1x1x2048xi32>
    %reduce_sum3A_1897 = arith.constant dense<0> : vector<1xi32>
    %reduce_sum3A_1898 = vector.multi_reduction <add>, %reduce_sum3A_1896, %reduce_sum3A_1897 [1, 2] : vector<1x1x2048xi32> to vector<1xi32>
    %reduce_sum3A_1899 = vector.shape_cast %reduce_sum3A_1898 : vector<1xi32> to vector<1x1x1xi32>
    %reduce_sum3A_1900 = vector.extract %reduce_sum3A_1899[0, 0, 0] : i32 from vector<1x1x1xi32>
    %ge3A_1901 = arith.constant 1024 : i32
    %ge3A_1902 = arith.cmpi sge, %reduce_sum3A_1900, %ge3A_1901 : i32
    %select_n3A_1903 = arith.select %ge3A_1902, %or3A_1892, %select_n3A_1890 : i32
    %or3A_1904 = arith.constant 32 : i32
    %or3A_1905 = arith.ori %select_n3A_1903, %or3A_1904 : i32
    %ge3A_1906 = vector.broadcast %or3A_1905 : i32 to vector<1x2048xi32>
    %ge3A_1907 = arith.cmpi sge, %select_n3A_1569, %ge3A_1906 : vector<1x2048xi32>
    %convert_element_type3A_1908 = arith.extui %ge3A_1907 : vector<1x2048xi1> to vector<1x2048xi32>
    %reduce_sum3A_1909 = vector.shape_cast %convert_element_type3A_1908 : vector<1x2048xi32> to vector<1x1x2048xi32>
    %reduce_sum3A_1910 = arith.constant dense<0> : vector<1xi32>
    %reduce_sum3A_1911 = vector.multi_reduction <add>, %reduce_sum3A_1909, %reduce_sum3A_1910 [1, 2] : vector<1x1x2048xi32> to vector<1xi32>
    %reduce_sum3A_1912 = vector.shape_cast %reduce_sum3A_1911 : vector<1xi32> to vector<1x1x1xi32>
    %reduce_sum3A_1913 = vector.extract %reduce_sum3A_1912[0, 0, 0] : i32 from vector<1x1x1xi32>
    %ge3A_1914 = arith.constant 1024 : i32
    %ge3A_1915 = arith.cmpi sge, %reduce_sum3A_1913, %ge3A_1914 : i32
    %select_n3A_1916 = arith.select %ge3A_1915, %or3A_1905, %select_n3A_1903 : i32
    %or3A_1917 = arith.constant 16 : i32
    %or3A_1918 = arith.ori %select_n3A_1916, %or3A_1917 : i32
    %ge3A_1919 = vector.broadcast %or3A_1918 : i32 to vector<1x2048xi32>
    %ge3A_1920 = arith.cmpi sge, %select_n3A_1569, %ge3A_1919 : vector<1x2048xi32>
    %convert_element_type3A_1921 = arith.extui %ge3A_1920 : vector<1x2048xi1> to vector<1x2048xi32>
    %reduce_sum3A_1922 = vector.shape_cast %convert_element_type3A_1921 : vector<1x2048xi32> to vector<1x1x2048xi32>
    %reduce_sum3A_1923 = arith.constant dense<0> : vector<1xi32>
    %reduce_sum3A_1924 = vector.multi_reduction <add>, %reduce_sum3A_1922, %reduce_sum3A_1923 [1, 2] : vector<1x1x2048xi32> to vector<1xi32>
    %reduce_sum3A_1925 = vector.shape_cast %reduce_sum3A_1924 : vector<1xi32> to vector<1x1x1xi32>
    %reduce_sum3A_1926 = vector.extract %reduce_sum3A_1925[0, 0, 0] : i32 from vector<1x1x1xi32>
    %ge3A_1927 = arith.constant 1024 : i32
    %ge3A_1928 = arith.cmpi sge, %reduce_sum3A_1926, %ge3A_1927 : i32
    %select_n3A_1929 = arith.select %ge3A_1928, %or3A_1918, %select_n3A_1916 : i32
    %or3A_1930 = arith.constant 8 : i32
    %or3A_1931 = arith.ori %select_n3A_1929, %or3A_1930 : i32
    %ge3A_1932 = vector.broadcast %or3A_1931 : i32 to vector<1x2048xi32>
    %ge3A_1933 = arith.cmpi sge, %select_n3A_1569, %ge3A_1932 : vector<1x2048xi32>
    %convert_element_type3A_1934 = arith.extui %ge3A_1933 : vector<1x2048xi1> to vector<1x2048xi32>
    %reduce_sum3A_1935 = vector.shape_cast %convert_element_type3A_1934 : vector<1x2048xi32> to vector<1x1x2048xi32>
    %reduce_sum3A_1936 = arith.constant dense<0> : vector<1xi32>
    %reduce_sum3A_1937 = vector.multi_reduction <add>, %reduce_sum3A_1935, %reduce_sum3A_1936 [1, 2] : vector<1x1x2048xi32> to vector<1xi32>
    %reduce_sum3A_1938 = vector.shape_cast %reduce_sum3A_1937 : vector<1xi32> to vector<1x1x1xi32>
    %reduce_sum3A_1939 = vector.extract %reduce_sum3A_1938[0, 0, 0] : i32 from vector<1x1x1xi32>
    %ge3A_1940 = arith.constant 1024 : i32
    %ge3A_1941 = arith.cmpi sge, %reduce_sum3A_1939, %ge3A_1940 : i32
    %select_n3A_1942 = arith.select %ge3A_1941, %or3A_1931, %select_n3A_1929 : i32
    %or3A_1943 = arith.constant 4 : i32
    %or3A_1944 = arith.ori %select_n3A_1942, %or3A_1943 : i32
    %ge3A_1945 = vector.broadcast %or3A_1944 : i32 to vector<1x2048xi32>
    %ge3A_1946 = arith.cmpi sge, %select_n3A_1569, %ge3A_1945 : vector<1x2048xi32>
    %convert_element_type3A_1947 = arith.extui %ge3A_1946 : vector<1x2048xi1> to vector<1x2048xi32>
    %reduce_sum3A_1948 = vector.shape_cast %convert_element_type3A_1947 : vector<1x2048xi32> to vector<1x1x2048xi32>
    %reduce_sum3A_1949 = arith.constant dense<0> : vector<1xi32>
    %reduce_sum3A_1950 = vector.multi_reduction <add>, %reduce_sum3A_1948, %reduce_sum3A_1949 [1, 2] : vector<1x1x2048xi32> to vector<1xi32>
    %reduce_sum3A_1951 = vector.shape_cast %reduce_sum3A_1950 : vector<1xi32> to vector<1x1x1xi32>
    %reduce_sum3A_1952 = vector.extract %reduce_sum3A_1951[0, 0, 0] : i32 from vector<1x1x1xi32>
    %ge3A_1953 = arith.constant 1024 : i32
    %ge3A_1954 = arith.cmpi sge, %reduce_sum3A_1952, %ge3A_1953 : i32
    %select_n3A_1955 = arith.select %ge3A_1954, %or3A_1944, %select_n3A_1942 : i32
    %or3A_1956 = arith.constant 2 : i32
    %or3A_1957 = arith.ori %select_n3A_1955, %or3A_1956 : i32
    %ge3A_1958 = vector.broadcast %or3A_1957 : i32 to vector<1x2048xi32>
    %ge3A_1959 = arith.cmpi sge, %select_n3A_1569, %ge3A_1958 : vector<1x2048xi32>
    %convert_element_type3A_1960 = arith.extui %ge3A_1959 : vector<1x2048xi1> to vector<1x2048xi32>
    %reduce_sum3A_1961 = vector.shape_cast %convert_element_type3A_1960 : vector<1x2048xi32> to vector<1x1x2048xi32>
    %reduce_sum3A_1962 = arith.constant dense<0> : vector<1xi32>
    %reduce_sum3A_1963 = vector.multi_reduction <add>, %reduce_sum3A_1961, %reduce_sum3A_1962 [1, 2] : vector<1x1x2048xi32> to vector<1xi32>
    %reduce_sum3A_1964 = vector.shape_cast %reduce_sum3A_1963 : vector<1xi32> to vector<1x1x1xi32>
    %reduce_sum3A_1965 = vector.extract %reduce_sum3A_1964[0, 0, 0] : i32 from vector<1x1x1xi32>
    %ge3A_1966 = arith.constant 1024 : i32
    %ge3A_1967 = arith.cmpi sge, %reduce_sum3A_1965, %ge3A_1966 : i32
    %select_n3A_1968 = arith.select %ge3A_1967, %or3A_1957, %select_n3A_1955 : i32
    %or3A_1969 = arith.constant 1 : i32
    %or3A_1970 = arith.ori %select_n3A_1968, %or3A_1969 : i32
    %ge3A_1971 = vector.broadcast %or3A_1970 : i32 to vector<1x2048xi32>
    %ge3A_1972 = arith.cmpi sge, %select_n3A_1569, %ge3A_1971 : vector<1x2048xi32>
    %convert_element_type3A_1973 = arith.extui %ge3A_1972 : vector<1x2048xi1> to vector<1x2048xi32>
    %reduce_sum3A_1974 = vector.shape_cast %convert_element_type3A_1973 : vector<1x2048xi32> to vector<1x1x2048xi32>
    %reduce_sum3A_1975 = arith.constant dense<0> : vector<1xi32>
    %reduce_sum3A_1976 = vector.multi_reduction <add>, %reduce_sum3A_1974, %reduce_sum3A_1975 [1, 2] : vector<1x1x2048xi32> to vector<1xi32>
    %reduce_sum3A_1977 = vector.shape_cast %reduce_sum3A_1976 : vector<1xi32> to vector<1x1x1xi32>
    %reduce_sum3A_1978 = vector.extract %reduce_sum3A_1977[0, 0, 0] : i32 from vector<1x1x1xi32>
    %ge3A_1979 = arith.constant 1024 : i32
    %ge3A_1980 = arith.cmpi sge, %reduce_sum3A_1978, %ge3A_1979 : i32
    %select_n3A_1981 = arith.select %ge3A_1980, %or3A_1970, %select_n3A_1968 : i32
    %gt3A_1982 = vector.broadcast %select_n3A_1981 : i32 to vector<1x2048xi32>
    %gt3A_1983 = arith.cmpi sgt, %select_n3A_1569, %gt3A_1982 : vector<1x2048xi32>
    %convert_element_type3A_1984 = arith.extui %gt3A_1983 : vector<1x2048xi1> to vector<1x2048xi32>
    %reduce_sum3A_1985 = vector.shape_cast %convert_element_type3A_1984 : vector<1x2048xi32> to vector<1x1x2048xi32>
    %reduce_sum3A_1986 = arith.constant dense<0> : vector<1xi32>
    %reduce_sum3A_1987 = vector.multi_reduction <add>, %reduce_sum3A_1985, %reduce_sum3A_1986 [1, 2] : vector<1x1x2048xi32> to vector<1xi32>
    %reduce_sum3A_1988 = vector.shape_cast %reduce_sum3A_1987 : vector<1xi32> to vector<1x1x1xi32>
    %reduce_sum3A_1989 = vector.extract %reduce_sum3A_1988[0, 0, 0] : i32 from vector<1x1x1xi32>
    %sub3A = arith.constant 1024 : i32
    %sub3A_1990 = arith.subi %sub3A, %reduce_sum3A_1989 : i32
    %eq3A = vector.broadcast %select_n3A_1981 : i32 to vector<1x2048xi32>
    %eq3A_1991 = arith.cmpi eq, %select_n3A_1569, %eq3A : vector<1x2048xi32>
    %convert_element_type3A_1992 = arith.extui %eq3A_1991 : vector<1x2048xi1> to vector<1x2048xi32>
    %broadcast_in_dim3A = arith.constant 0 : i32
    %broadcast_in_dim3A_1993 = vector.broadcast %broadcast_in_dim3A : i32 to vector<1x1xi32>
    %slice3A_1994 = vector.extract_strided_slice %convert_element_type3A_1992 {offsets = [0, 0], sizes = [1, 2047], strides = [1, 1]} : vector<1x2048xi32> to vector<1x2047xi32>
    %concatenate3A = tpu.concatenate %broadcast_in_dim3A_1993, %slice3A_1994 in 1 : vector<1x1xi32>, vector<1x2047xi32> -> vector<1x2048xi32>
    %add3A_1995 = arith.addi %convert_element_type3A_1992, %concatenate3A : vector<1x2048xi32>
    %broadcast_in_dim3A_1996 = arith.constant 0 : i32
    %broadcast_in_dim3A_1997 = vector.broadcast %broadcast_in_dim3A_1996 : i32 to vector<1x2xi32>
    %slice3A_1998 = vector.extract_strided_slice %add3A_1995 {offsets = [0, 0], sizes = [1, 2046], strides = [1, 1]} : vector<1x2048xi32> to vector<1x2046xi32>
    %concatenate3A_1999 = tpu.concatenate %broadcast_in_dim3A_1997, %slice3A_1998 in 1 : vector<1x2xi32>, vector<1x2046xi32> -> vector<1x2048xi32>
    %add3A_2000 = arith.addi %add3A_1995, %concatenate3A_1999 : vector<1x2048xi32>
    %broadcast_in_dim3A_2001 = arith.constant 0 : i32
    %broadcast_in_dim3A_2002 = vector.broadcast %broadcast_in_dim3A_2001 : i32 to vector<1x4xi32>
    %slice3A_2003 = vector.extract_strided_slice %add3A_2000 {offsets = [0, 0], sizes = [1, 2044], strides = [1, 1]} : vector<1x2048xi32> to vector<1x2044xi32>
    %concatenate3A_2004 = tpu.concatenate %broadcast_in_dim3A_2002, %slice3A_2003 in 1 : vector<1x4xi32>, vector<1x2044xi32> -> vector<1x2048xi32>
    %add3A_2005 = arith.addi %add3A_2000, %concatenate3A_2004 : vector<1x2048xi32>
    %broadcast_in_dim3A_2006 = arith.constant 0 : i32
    %broadcast_in_dim3A_2007 = vector.broadcast %broadcast_in_dim3A_2006 : i32 to vector<1x8xi32>
    %slice3A_2008 = vector.extract_strided_slice %add3A_2005 {offsets = [0, 0], sizes = [1, 2040], strides = [1, 1]} : vector<1x2048xi32> to vector<1x2040xi32>
    %concatenate3A_2009 = tpu.concatenate %broadcast_in_dim3A_2007, %slice3A_2008 in 1 : vector<1x8xi32>, vector<1x2040xi32> -> vector<1x2048xi32>
    %add3A_2010 = arith.addi %add3A_2005, %concatenate3A_2009 : vector<1x2048xi32>
    %broadcast_in_dim3A_2011 = arith.constant 0 : i32
    %broadcast_in_dim3A_2012 = vector.broadcast %broadcast_in_dim3A_2011 : i32 to vector<1x16xi32>
    %slice3A_2013 = vector.extract_strided_slice %add3A_2010 {offsets = [0, 0], sizes = [1, 2032], strides = [1, 1]} : vector<1x2048xi32> to vector<1x2032xi32>
    %concatenate3A_2014 = tpu.concatenate %broadcast_in_dim3A_2012, %slice3A_2013 in 1 : vector<1x16xi32>, vector<1x2032xi32> -> vector<1x2048xi32>
    %add3A_2015 = arith.addi %add3A_2010, %concatenate3A_2014 : vector<1x2048xi32>
    %broadcast_in_dim3A_2016 = arith.constant 0 : i32
    %broadcast_in_dim3A_2017 = vector.broadcast %broadcast_in_dim3A_2016 : i32 to vector<1x32xi32>
    %slice3A_2018 = vector.extract_strided_slice %add3A_2015 {offsets = [0, 0], sizes = [1, 2016], strides = [1, 1]} : vector<1x2048xi32> to vector<1x2016xi32>
    %concatenate3A_2019 = tpu.concatenate %broadcast_in_dim3A_2017, %slice3A_2018 in 1 : vector<1x32xi32>, vector<1x2016xi32> -> vector<1x2048xi32>
    %add3A_2020 = arith.addi %add3A_2015, %concatenate3A_2019 : vector<1x2048xi32>
    %broadcast_in_dim3A_2021 = arith.constant 0 : i32
    %broadcast_in_dim3A_2022 = vector.broadcast %broadcast_in_dim3A_2021 : i32 to vector<1x64xi32>
    %slice3A_2023 = vector.extract_strided_slice %add3A_2020 {offsets = [0, 0], sizes = [1, 1984], strides = [1, 1]} : vector<1x2048xi32> to vector<1x1984xi32>
    %concatenate3A_2024 = tpu.concatenate %broadcast_in_dim3A_2022, %slice3A_2023 in 1 : vector<1x64xi32>, vector<1x1984xi32> -> vector<1x2048xi32>
    %add3A_2025 = arith.addi %add3A_2020, %concatenate3A_2024 : vector<1x2048xi32>
    %broadcast_in_dim3A_2026 = arith.constant 0 : i32
    %broadcast_in_dim3A_2027 = vector.broadcast %broadcast_in_dim3A_2026 : i32 to vector<1x128xi32>
    %slice3A_2028 = vector.extract_strided_slice %add3A_2025 {offsets = [0, 0], sizes = [1, 1920], strides = [1, 1]} : vector<1x2048xi32> to vector<1x1920xi32>
    %concatenate3A_2029 = tpu.concatenate %broadcast_in_dim3A_2027, %slice3A_2028 in 1 : vector<1x128xi32>, vector<1x1920xi32> -> vector<1x2048xi32>
    %add3A_2030 = arith.addi %add3A_2025, %concatenate3A_2029 : vector<1x2048xi32>
    %broadcast_in_dim3A_2031 = arith.constant 0 : i32
    %broadcast_in_dim3A_2032 = vector.broadcast %broadcast_in_dim3A_2031 : i32 to vector<1x256xi32>
    %slice3A_2033 = vector.extract_strided_slice %add3A_2030 {offsets = [0, 0], sizes = [1, 1792], strides = [1, 1]} : vector<1x2048xi32> to vector<1x1792xi32>
    %concatenate3A_2034 = tpu.concatenate %broadcast_in_dim3A_2032, %slice3A_2033 in 1 : vector<1x256xi32>, vector<1x1792xi32> -> vector<1x2048xi32>
    %add3A_2035 = arith.addi %add3A_2030, %concatenate3A_2034 : vector<1x2048xi32>
    %broadcast_in_dim3A_2036 = arith.constant 0 : i32
    %broadcast_in_dim3A_2037 = vector.broadcast %broadcast_in_dim3A_2036 : i32 to vector<1x512xi32>
    %slice3A_2038 = vector.extract_strided_slice %add3A_2035 {offsets = [0, 0], sizes = [1, 1536], strides = [1, 1]} : vector<1x2048xi32> to vector<1x1536xi32>
    %concatenate3A_2039 = tpu.concatenate %broadcast_in_dim3A_2037, %slice3A_2038 in 1 : vector<1x512xi32>, vector<1x1536xi32> -> vector<1x2048xi32>
    %add3A_2040 = arith.addi %add3A_2035, %concatenate3A_2039 : vector<1x2048xi32>
    %broadcast_in_dim3A_2041 = arith.constant 0 : i32
    %broadcast_in_dim3A_2042 = vector.broadcast %broadcast_in_dim3A_2041 : i32 to vector<1x1024xi32>
    %slice3A_2043 = vector.extract_strided_slice %add3A_2040 {offsets = [0, 0], sizes = [1, 1024], strides = [1, 1]} : vector<1x2048xi32> to vector<1x1024xi32>
    %concatenate3A_2044 = tpu.concatenate %broadcast_in_dim3A_2042, %slice3A_2043 in 1 : vector<1x1024xi32>, vector<1x1024xi32> -> vector<1x2048xi32>
    %add3A_2045 = arith.addi %add3A_2040, %concatenate3A_2044 : vector<1x2048xi32>
    %le3A = vector.broadcast %sub3A_1990 : i32 to vector<1x2048xi32>
    %le3A_2046 = arith.cmpi sle, %add3A_2045, %le3A : vector<1x2048xi32>
    %and3A = arith.andi %eq3A_1991, %le3A_2046 : vector<1x2048xi1>
    %or3A_2047 = arith.ori %gt3A_1983, %and3A : vector<1x2048xi1>
    %convert_element_type3A_2048 = arith.extui %or3A_2047 : vector<1x2048xi1> to vector<1x2048xi32>
    %swap3A = arith.constant 0 : index
    %swap3A_2049 = arith.constant 0 : index
    %swap3A_2050 = arith.constant 0 : index
    %swap3A_2051 = vector.load %arg2[%swap3A, %swap3A_2049, %swap3A_2050] : memref<1x1x2048xi32, #tpu.memory_space<vmem>>, vector<1x1x2048xi32>
    %swap3A_2052 = vector.shape_cast %swap3A_2051 : vector<1x1x2048xi32> to vector<1x2048xi32>
    %swap3A_2053 = vector.shape_cast %convert_element_type3A_2048 : vector<1x2048xi32> to vector<1x1x2048xi32>
    tpu.vector_store %arg2[%swap3A, %swap3A_2049, %swap3A_2050], %swap3A_2053 {strides = array<i32>} : memref<1x1x2048xi32, #tpu.memory_space<vmem>>, vector<1x1x2048xi32>,
    %broadcast_in_dim3A_2054 = arith.constant 0 : i32
    %broadcast_in_dim3A_2055 = vector.broadcast %broadcast_in_dim3A_2054 : i32 to vector<1x1xi32>
    %slice3A_2056 = vector.extract_strided_slice %convert_element_type3A_2048 {offsets = [0, 0], sizes = [1, 2047], strides = [1, 1]} : vector<1x2048xi32> to vector<1x2047xi32>
    %concatenate3A_2057 = tpu.concatenate %broadcast_in_dim3A_2055, %slice3A_2056 in 1 : vector<1x1xi32>, vector<1x2047xi32> -> vector<1x2048xi32>
    %add3A_2058 = arith.addi %convert_element_type3A_2048, %concatenate3A_2057 : vector<1x2048xi32>
    %broadcast_in_dim3A_2059 = arith.constant 0 : i32
    %broadcast_in_dim3A_2060 = vector.broadcast %broadcast_in_dim3A_2059 : i32 to vector<1x2xi32>
    %slice3A_2061 = vector.extract_strided_slice %add3A_2058 {offsets = [0, 0], sizes = [1, 2046], strides = [1, 1]} : vector<1x2048xi32> to vector<1x2046xi32>
    %concatenate3A_2062 = tpu.concatenate %broadcast_in_dim3A_2060, %slice3A_2061 in 1 : vector<1x2xi32>, vector<1x2046xi32> -> vector<1x2048xi32>
    %add3A_2063 = arith.addi %add3A_2058, %concatenate3A_2062 : vector<1x2048xi32>
    %broadcast_in_dim3A_2064 = arith.constant 0 : i32
    %broadcast_in_dim3A_2065 = vector.broadcast %broadcast_in_dim3A_2064 : i32 to vector<1x4xi32>
    %slice3A_2066 = vector.extract_strided_slice %add3A_2063 {offsets = [0, 0], sizes = [1, 2044], strides = [1, 1]} : vector<1x2048xi32> to vector<1x2044xi32>
    %concatenate3A_2067 = tpu.concatenate %broadcast_in_dim3A_2065, %slice3A_2066 in 1 : vector<1x4xi32>, vector<1x2044xi32> -> vector<1x2048xi32>
    %add3A_2068 = arith.addi %add3A_2063, %concatenate3A_2067 : vector<1x2048xi32>
    %broadcast_in_dim3A_2069 = arith.constant 0 : i32
    %broadcast_in_dim3A_2070 = vector.broadcast %broadcast_in_dim3A_2069 : i32 to vector<1x8xi32>
    %slice3A_2071 = vector.extract_strided_slice %add3A_2068 {offsets = [0, 0], sizes = [1, 2040], strides = [1, 1]} : vector<1x2048xi32> to vector<1x2040xi32>
    %concatenate3A_2072 = tpu.concatenate %broadcast_in_dim3A_2070, %slice3A_2071 in 1 : vector<1x8xi32>, vector<1x2040xi32> -> vector<1x2048xi32>
    %add3A_2073 = arith.addi %add3A_2068, %concatenate3A_2072 : vector<1x2048xi32>
    %broadcast_in_dim3A_2074 = arith.constant 0 : i32
    %broadcast_in_dim3A_2075 = vector.broadcast %broadcast_in_dim3A_2074 : i32 to vector<1x16xi32>
    %slice3A_2076 = vector.extract_strided_slice %add3A_2073 {offsets = [0, 0], sizes = [1, 2032], strides = [1, 1]} : vector<1x2048xi32> to vector<1x2032xi32>
    %concatenate3A_2077 = tpu.concatenate %broadcast_in_dim3A_2075, %slice3A_2076 in 1 : vector<1x16xi32>, vector<1x2032xi32> -> vector<1x2048xi32>
    %add3A_2078 = arith.addi %add3A_2073, %concatenate3A_2077 : vector<1x2048xi32>
    %broadcast_in_dim3A_2079 = arith.constant 0 : i32
    %broadcast_in_dim3A_2080 = vector.broadcast %broadcast_in_dim3A_2079 : i32 to vector<1x32xi32>
    %slice3A_2081 = vector.extract_strided_slice %add3A_2078 {offsets = [0, 0], sizes = [1, 2016], strides = [1, 1]} : vector<1x2048xi32> to vector<1x2016xi32>
    %concatenate3A_2082 = tpu.concatenate %broadcast_in_dim3A_2080, %slice3A_2081 in 1 : vector<1x32xi32>, vector<1x2016xi32> -> vector<1x2048xi32>
    %add3A_2083 = arith.addi %add3A_2078, %concatenate3A_2082 : vector<1x2048xi32>
    %broadcast_in_dim3A_2084 = arith.constant 0 : i32
    %broadcast_in_dim3A_2085 = vector.broadcast %broadcast_in_dim3A_2084 : i32 to vector<1x64xi32>
    %slice3A_2086 = vector.extract_strided_slice %add3A_2083 {offsets = [0, 0], sizes = [1, 1984], strides = [1, 1]} : vector<1x2048xi32> to vector<1x1984xi32>
    %concatenate3A_2087 = tpu.concatenate %broadcast_in_dim3A_2085, %slice3A_2086 in 1 : vector<1x64xi32>, vector<1x1984xi32> -> vector<1x2048xi32>
    %add3A_2088 = arith.addi %add3A_2083, %concatenate3A_2087 : vector<1x2048xi32>
    %broadcast_in_dim3A_2089 = arith.constant 0 : i32
    %broadcast_in_dim3A_2090 = vector.broadcast %broadcast_in_dim3A_2089 : i32 to vector<1x128xi32>
    %slice3A_2091 = vector.extract_strided_slice %add3A_2088 {offsets = [0, 0], sizes = [1, 1920], strides = [1, 1]} : vector<1x2048xi32> to vector<1x1920xi32>
    %concatenate3A_2092 = tpu.concatenate %broadcast_in_dim3A_2090, %slice3A_2091 in 1 : vector<1x128xi32>, vector<1x1920xi32> -> vector<1x2048xi32>
    %add3A_2093 = arith.addi %add3A_2088, %concatenate3A_2092 : vector<1x2048xi32>
    %broadcast_in_dim3A_2094 = arith.constant 0 : i32
    %broadcast_in_dim3A_2095 = vector.broadcast %broadcast_in_dim3A_2094 : i32 to vector<1x256xi32>
    %slice3A_2096 = vector.extract_strided_slice %add3A_2093 {offsets = [0, 0], sizes = [1, 1792], strides = [1, 1]} : vector<1x2048xi32> to vector<1x1792xi32>
    %concatenate3A_2097 = tpu.concatenate %broadcast_in_dim3A_2095, %slice3A_2096 in 1 : vector<1x256xi32>, vector<1x1792xi32> -> vector<1x2048xi32>
    %add3A_2098 = arith.addi %add3A_2093, %concatenate3A_2097 : vector<1x2048xi32>
    %broadcast_in_dim3A_2099 = arith.constant 0 : i32
    %broadcast_in_dim3A_2100 = vector.broadcast %broadcast_in_dim3A_2099 : i32 to vector<1x512xi32>
    %slice3A_2101 = vector.extract_strided_slice %add3A_2098 {offsets = [0, 0], sizes = [1, 1536], strides = [1, 1]} : vector<1x2048xi32> to vector<1x1536xi32>
    %concatenate3A_2102 = tpu.concatenate %broadcast_in_dim3A_2100, %slice3A_2101 in 1 : vector<1x512xi32>, vector<1x1536xi32> -> vector<1x2048xi32>
    %add3A_2103 = arith.addi %add3A_2098, %concatenate3A_2102 : vector<1x2048xi32>
    %broadcast_in_dim3A_2104 = arith.constant 0 : i32
    %broadcast_in_dim3A_2105 = vector.broadcast %broadcast_in_dim3A_2104 : i32 to vector<1x1024xi32>
    %slice3A_2106 = vector.extract_strided_slice %add3A_2103 {offsets = [0, 0], sizes = [1, 1024], strides = [1, 1]} : vector<1x2048xi32> to vector<1x1024xi32>
    %concatenate3A_2107 = tpu.concatenate %broadcast_in_dim3A_2105, %slice3A_2106 in 1 : vector<1x1024xi32>, vector<1x1024xi32> -> vector<1x2048xi32>
    %add3A_2108 = arith.addi %add3A_2103, %concatenate3A_2107 : vector<1x2048xi32>
    %swap3A_2109 = arith.constant 0 : index
    %swap3A_2110 = arith.constant 0 : index
    %swap3A_2111 = arith.constant 0 : index
    %swap3A_2112 = vector.load %arg3[%swap3A_2109, %swap3A_2110, %swap3A_2111] : memref<1x1x2048xi32, #tpu.memory_space<vmem>>, vector<1x1x2048xi32>
    %swap3A_2113 = vector.shape_cast %swap3A_2112 : vector<1x1x2048xi32> to vector<1x2048xi32>
    %swap3A_2114 = vector.shape_cast %add3A_2108 : vector<1x2048xi32> to vector<1x1x2048xi32>
    tpu.vector_store %arg3[%swap3A_2109, %swap3A_2110, %swap3A_2111], %swap3A_2114 {strides = array<i32>} : memref<1x1x2048xi32, #tpu.memory_space<vmem>>, vector<1x1x2048xi32>,
    return
  }
  func.func @transform_0(%arg0: i32) -> (i32, i32, i32, i32, i32) {
    %c0_i32 = arith.constant 0 : i32
    %c0_i32_0 = arith.constant 0 : i32
    %c15_i32 = arith.constant 15 : i32
    %c0_i32_1 = arith.constant 0 : i32
    %c0_i32_2 = arith.constant 0 : i32
    return %arg0, %c0_i32, %c0_i32_0, %c15_i32, %c0_i32_1 : i32, i32, i32, i32, i32
  }
  func.func @transform_1(%arg0: i32) -> (i32, i32, i32) {
    %c0_i32 = arith.constant 0 : i32
    %c0_i32_0 = arith.constant 0 : i32
    %c0_i32_1 = arith.constant 0 : i32
    return %arg0, %c0_i32, %c0_i32_0 : i32, i32, i32
  }
  func.func @transform_2(%arg0: i32) -> (i32, i32, i32) {
    %c0_i32 = arith.constant 0 : i32
    %c0_i32_0 = arith.constant 0 : i32
    %c0_i32_1 = arith.constant 0 : i32
    return %arg0, %c0_i32, %c0_i32_0 : i32, i32, i32
  }
}

</mosaic_0001>

<sc_bundles>
// kernel: kernel.4.cloned.1.call-start
scs
__scs_entry_jumppad:
0x0: {  	(pc) =	sbr.rel $0x88, $3  }
0x1: {  	(tag) =	ssettag $0x0;
	lr =	simm.s32 $0x1  }
0x2: {  	[smem:$0x3F9E] =	sst lr;
	_ =	strace $0xD0000000  }
0x3: {  	_ = 	snop  }
0x4: {  	_ = 	snop  }
0x5: {  	_ = 	snop  }
0x6: {  	_ = 	snop  }
0x7: {  	_ = 	snop  }
__scs_overlays_trampoline_lowered:
0x8: {  	[smem:$0x3FAD] =	sst s0  }
0x9: {  	[smem:$0x3FAE] =	sst s1  }
0xa: {  	[smem:$0x3FAF] =	sst s2  }
0xb: {  	[smem:$0x3FB0] =	sst s3  }
0xc: {  	[smem:$0x3FB1] =	sst s4  }
0xd: {  	[smem:$0x3FB2] =	sst s5  }
0xe: {  	[smem:$0x3FB3] =	sst s6  }
0xf: {  	[smem:$0x3FB4] =	sst s7  }
0x10: {  	[smem:$0x3FB5] =	sst s8  }
0x11: {  	[smem:$0x3FB6] =	sst s9;
	s0 =	simm.s32 @!p0 $0x0  }
0x12: {  	s1 =	sld [smem:$0x3F9C];
	s0 =	simm.s32 @p0 $0x1  }
0x13: {  	[smem:$0x3FB7] =	sst s0;
	s0 =	simm.s32 @!p1 $0x0  }
0x14: {  	s2 =	sld [smem:$0x3F9B];
	s0 =	simm.s32 @p1 $0x1  }
0x15: {  	[smem:$0x3FB8] =	sst s0;
	s0 =	simm.s32 @!p2 $0x0  }
0x16: {  	s3 =	sld [smem:$0x3FDB];
	s0 =	simm.s32 @p2 $0x1  }
0x17: {  	s4 =	simm.s32 $0x1BF5;
	[smem:$0x3FBA] =	sst s0  }
0x18: {  	s0 =	sld [smem:$0x3F9D];
	_ =	swait.ge [sflag:s4], $0x0  }
0x19: {  	s7 =	sld [smem:$0x3F9E]  }
0x1a: {  	s8 =	sadd.s32 $0xFFFFE003, lr  }
0x1b: {  	s9 =	sadd.s32 $0xFFFFFEF7, lr;
	s5 =	simm.s32 $0xFFFFFFFF;
	p2 =	slt.u32 s8, $0xFFFFF086  }
0x1c: {  	p1 =	slt.u32 s9, $0xF7A;
	s5 =	simm.s32 @!p2 $0x0  }
0x1d: {  	s5 =	simm.s32 @p1 $0x1;
	p0 =	seq.s32 s7, s2  }
0x1e: {  	s7 =	smul.u32 @!p0 $0xF7A, s2;
	p2 =	seq.s32 @!p0 s5, $0x0  }
0x1f: {  	s9 =	smul.u32 $0xF7A, s1;
	s8 =	simm.s32 @!p0 $0x1BF5;
	p2 =	por !p2, p0  }
0x20: {  	[sflag:s8] =	ssyncset.s32 @!p0 $0xFFFFF086;
	s6 =	sadd.s32 @!p0 s3, s7;
	s7 =	simm.s32 @!p0 $0x108  }
0x21: {  	s3 =	sadd.s32 s3, s9;
	s6 =	sadd.s32 @!p0 $0x88, s6;
	s7 =	simm.s32 @p2 $0x1082  }
0x22: {  	[simem:s7], [sflag:s8] =	dma.local @!p0 [hbm:s6], $0xF7A  }
0x23: {  	s9 =	sor.u32 $0xD0000000, s2;
	s6 =	simm.s32 $0x108;
	_ =	swait.ge @!p0 [sflag:s8], $0x0  }
0x24: {  	s3 =	sadd.s32 $0x88, s3;
	s6 =	simm.s32 @!p1 $0x1082;
	[sflag:s4] =	ssyncset.s32 $0xFFFFF086  }
0x25: {  	[simem:s6], [sflag:s4] =	dma.local [hbm:s3], $0xF7A  }
0x26: {  	[smem:$0x3F9E] =	sst s1;
	(tag) =	ssettag s2;
	_ =	strace s9  }
0x27: {  	s1 =	sld [smem:$0x3FAE]  }
0x28: {  	s2 =	sld [smem:$0x3FAF]  }
0x29: {  	s4 =	sld [smem:$0x3FB1]  }
0x2a: {  	p0 =	seq.s32 s5, $0x0;
	s5 =	sld [smem:$0x3FB2]  }
0x2b: {  	s6 =	sld [smem:$0x3FB3]  }
0x2c: {  	s7 =	sld [smem:$0x3FB4]  }
0x2d: {  	s3 =	simm.s32 $0x108;
	s8 =	sld [smem:$0x3FB5]  }
0x2e: {  	s3 =	simm.s32 @!p0 $0x1082;
	s9 =	sld [smem:$0x3FB6]  }
0x2f: {  	lr =	sadd.s32 s0, s3;
	s0 =	sld [smem:$0x3FAD]  }
0x30: {  	s3 =	sld [smem:$0x3FB0]  }
0x31: {  	[smem:$0x3FB9] =	sst s10  }
0x32: {  	s10 =	sld [smem:$0x3FB7];
	_ =	sdelay $0x3  }
0x33: {  	p0 =	seq.s32 s10, $0x1;
	s10 =	sld [smem:$0x3FB9];
	_ =	sdelay $0x3  }
0x34: {  	[smem:$0x3FB9] =	sst s10  }
0x35: {  	s10 =	sld [smem:$0x3FB8];
	_ =	sdelay $0x3  }
0x36: {  	p1 =	seq.s32 s10, $0x1;
	s10 =	sld [smem:$0x3FB9];
	_ =	sdelay $0x3  }
0x37: {  	[smem:$0x3FB9] =	sst s10  }
0x38: {  	s10 =	sld [smem:$0x3FBA]  }
0x39: {  	_ = 	snop;
	(pc) =	sbr.ind lr, $3  }
0x3a: {  	_ = 	snop  }
0x3b: {  	_ = 	snop  }
0x3c: {  	p2 =	seq.s32 s10, $0x1;
	s10 =	sld [smem:$0x3FB9]  }
0x3d: {  	_ =	shalt  }
0x3e: {  	_ =	shalt  }
0x3f: {  	_ =	shalt  }
0x40: {  	_ =	shalt  }
0x41: {  	_ =	shalt  }
0x42: {  	_ =	shalt  }
0x43: {  	_ =	shalt  }
0x44: {  	_ =	shalt  }
0x45: {  	_ =	shalt  }
0x46: {  	_ =	shalt  }
0x47: {  	_ =	shalt  }
0x48: {  	_ =	shalt  }
0x49: {  	_ =	shalt  }
0x4a: {  	_ =	shalt  }
0x4b: {  	_ =	shalt  }
0x4c: {  	_ =	shalt  }
0x4d: {  	_ =	shalt  }
0x4e: {  	_ =	shalt  }
0x4f: {  	_ =	shalt  }
0x50: {  	_ =	shalt  }
0x51: {  	_ =	shalt  }
0x52: {  	_ =	shalt  }
0x53: {  	_ =	shalt  }
0x54: {  	_ =	shalt  }
0x55: {  	_ =	shalt  }
0x56: {  	_ =	shalt  }
0x57: {  	_ =	shalt  }
0x58: {  	_ =	shalt  }
0x59: {  	_ =	shalt  }
0x5a: {  	_ =	shalt  }
0x5b: {  	_ =	shalt  }
0x5c: {  	_ =	shalt  }
0x5d: {  	_ =	shalt  }
0x5e: {  	_ =	shalt  }
0x5f: {  	_ =	shalt  }
0x60: {  	_ =	shalt  }
0x61: {  	_ =	shalt  }
0x62: {  	_ =	shalt  }
0x63: {  	_ =	shalt  }
0x64: {  	_ =	shalt  }
0x65: {  	_ =	shalt  }
0x66: {  	_ =	shalt  }
0x67: {  	_ =	shalt  }
0x68: {  	_ =	shalt  }
0x69: {  	_ =	shalt  }
0x6a: {  	_ =	shalt  }
0x6b: {  	_ =	shalt  }
0x6c: {  	_ =	shalt  }
0x6d: {  	_ =	shalt  }
0x6e: {  	_ =	shalt  }
0x6f: {  	_ =	shalt  }
0x70: {  	_ =	shalt  }
0x71: {  	_ =	shalt  }
0x72: {  	_ =	shalt  }
0x73: {  	_ =	shalt  }
0x74: {  	_ =	shalt  }
0x75: {  	_ =	shalt  }
0x76: {  	_ =	shalt  }
0x77: {  	_ =	shalt  }
0x78: {  	_ =	shalt  }
0x79: {  	_ =	shalt  }
0x7a: {  	_ =	shalt  }
0x7b: {  	_ =	shalt  }
0x7c: {  	_ =	shalt  }
0x7d: {  	_ =	shalt  }
0x7e: {  	_ =	shalt  }
0x7f: {  	_ =	shalt  }
0x80: {  	_ =	shalt  }
0x81: {  	_ =	shalt  }
0x82: {  	_ =	shalt  }
0x83: {  	_ =	shalt  }
0x84: {  	_ =	shalt  }
0x85: {  	_ =	shalt  }
0x86: {  	_ =	shalt  }
0x87: {  	_ =	shalt  }
.Lfunc_end0:
.L_simem_size_0:
called_computation_lowered:
.L_overlay_start_0:
0x88: {  	s2 =	sld [smem:$0x3FD9]  }
0x89: {  	s3 =	sld [smem:$0x3FFE];
	_ =	sdelay $0x1  }
0x8a: {  	s1 =	srdreg.scid  }
0x8b: {  	s0 =	sand.u32 $0x1, s1  }
0x8c: {  	s17 =	sshll.u32 s0, $0xA;
	s2 =	sadd.s32 s3, s2  }
0x8d: {  	s2 =	sadd.s32 s2, s17  }
0x8e: {  	[smem:$0x3FC5] =	sst s2  }
0x8f: {  	_ = 	snop  }
0x90: {  	s2 =	sld [smem:$0x3FC9]  }
0x91: {  	s18 =	sld [smem:$0x3FC8]  }
0x92: {  	s4 =	sld [smem:$0x3FD0];
	(tm) =	ssettm $0x1  }
0x93: {  	s5 =	sld [smem:$0x3FFB];
	_ =	sdelay $0x3  }
0x94: {  	_ =	strace s5  }
0x95: {  	s5 =	sld [smem:$0x3FFC];
	_ =	sdelay $0x3  }
0x96: {  	_ =	strace s5  }
0x97: {  	s5 =	sld [smem:$0x3FFD];
	_ =	sdelay $0x3  }
0x98: {  	_ =	strace s5  }
0x99: {  	_ =	strace $0x8FFFFFFF  }
0x9a: {  	s19 =	sld [smem:$0x3FDB];
	_ =	sdelay $0x1  }
0x9b: {  	s6 =	simm.s32 $_scs_section_size  }
0x9c: {  	s7 =	simm.s32 $_size__tile_overlayer_lowered;
	s8 =	simm.s32 $_tile_overlayer_lowered  }
0x9d: {  	s22 =	simm.s32 $0x1BFF;
	s21 =	sshll.u32 s8, $0x1;
	s5 =	sadd.s32 s6, s19  }
0x9e: {  	s9 =	simm.s32 $0x0;
	s20 =	sshll.u32 s7, $0x1;
	s7 =	sadd.s32 s21, s5  }
0x9f: {  	[timem:s9], [sflag:s22] =	dma.local [hbm:s7], s20  }
0xa0: {  	_ =	swait.ge [sflag:s22], s20  }
0xa1: {  	s6 =	ssub.s32 $0x0, s20;
	[sflag:s22] =	ssyncset.done $0x0  }
0xa2: {  	[sflag:s22] =	ssyncadd.s32 s6;
	_ =	sdelay $0x1  }
0xa3: {  	s23 =	simm.s32 $0x1B8B  }
0xa4: {  	_ =	swait.ge [sflag:s23], $0x1  }
0xa5: {  	[sflag:s23] =	ssyncset.done $0x0  }
0xa6: {  	s25 =	simm.s32 $0x1B8E;
	s24 =	sld [smem:$0x3FFE];
	[sflag:s23] =	ssyncadd.s32 $0xFFFFFFFF  }
0xa7: {  	s26 =	simm.s32 $execute0_lowered;
	[smem:$0x3FD2] =	sst s25  }
0xa8: {  	s7 =	sshll.u32 s26, $0x1;
	_ =	strace $0x80000046;
	[dreg:$0x1] =	wrdreg $0xFFFFFFFF  }
0xa9: {  	s28 =	simm.s32 $_size_execute0_lowered;
	s5 =	sadd.s32 s5, s7;
	[dreg:$0x0] =	wrdreg $0x0  }
0xaa: {  	s7 =	sshll.u32 s28, $0x1;
	[dreg:$0x2] =	wrdreg s5  }
0xab: {  	[dreg:$0x3] =	wrdreg s7  }
0xac: {  	[dreg:$0x4] =	wrdreg $0xC0  }
0xad: {  	_ =	task [dreg:s9], $0x5FFFF  }
0xae: {  	[dreg:$0x1] =	wrdreg $0xFFFFFFFF  }
0xaf: {  	[dreg:$0x0] =	wrdreg $0x60  }
0xb0: {  	[dreg:$0x2] =	wrdreg s24  }
0xb1: {  	[dreg:$0x3] =	wrdreg s2  }
0xb2: {  	[dreg:$0x4] =	wrdreg s18  }
0xb3: {  	[dreg:$0x5] =	wrdreg s4  }
0xb4: {  	[dreg:$0x6] =	wrdreg $0x9  }
0xb5: {  	_ =	task.clear_ibuf [dreg:s9], $0x7FFFF;
	_ =	strace $0x90000046  }
0xb6: {  	s29 =	simm.s32 $0x9;
	_ =	strace $0x80000048  }
0xb7: {  	_ =	swait.ge [sflag:s29], $0x1  }
0xb8: {  	[sflag:s29] =	ssyncadd.s32 $0xFFFFFFFF  }
0xb9: {  	_ =	strace $0x90000048  }
0xba: {  	_ =	sfence  }
0xbb: {  	s30 =	sld [smem:$0x0];
	_ =	sdelay $0x2  }
0xbc: {  	s31 =	sshll.u32 s1, $0xD;
	s1 =	sshrl.u32 s1, $0x2  }
0xbd: {  	s3 =	sand.u32 $0x4000, s31;
	s1 =	sadd.s32 s1, s30  }
0xbe: {  	s0 =	sor.u32 s3, s0;
	s1 =	sshll.u32 s1, $0x11  }
0xbf: {  	s0 =	sor.u32 s1, s0  }
0xc0: {  	s0 =	sadd.s32 $0x8F2B, s0  }
0xc1: {  	[sflag:s0] =	ssyncadd.remote.s32 $0x1  }
0xc2: {  	_ =	sfence.sel $0xFFFF  }
0xc3: {  	[dreg:$0x0] =	wrdreg $0xFFFFFFFF;
	(pc) =	sbr.abs _section_cstart, $3  }
0xc4: {  	[dreg:$0x1] =	wrdreg $0xFFFFFFFF  }
0xc5: {  	_ =	task.clear_ibuf [dreg:s9], $0x2FFFF;
	_ =	strace $0x9FFFFFFF  }
0xc6: {  	(tm) =	ssettm $0x7FFFFFFF  }
0xc7: {  	_ =	shalt  }
tec
execute0_lowered:
.L_overlay_start_1:
0x0: {  	(tag) =	ssettag $0x1  }
0x1: {  	s7 =	rddreg [dreg:$0x0]  }
0x2: {  	s1 =	rddreg [dreg:$0x1]  }
0x3: {  	s2 =	rddreg [dreg:$0x2]  }
0x4: {  	s3 =	rddreg [dreg:$0x3]  }
0x5: {  	s0 =	rddreg [dreg:$0x4];
	s5 =	simm.s32 $0x0;
	s6 =	srdreg.scid  }
0x6: {  	s4 =	stileid.u32;
	s12 =	simm.s32 $0x2000;
	s13 =	simm.s32 $0x80  }
0x7: {  	s14 =	simm.s32 $0x400;
	s15 =	simm.s32 $0x2800;
	s16 =	simm.s32 $0x6800  }
0x8: {  	s17 =	simm.s32 $0x0;
	[smem:$0x7FF] =	sst s5;
	s8 =	sand.u32 $0x1, s6  }
0x9: {  	s10 =	sshll.u32 s4, $0x1;
	s6 =	sadd.s32 $0xA00, s7;
	s9 =	ssub.s32 $0x2, s8  }
0xa: {  	s7 =	sadd.s32 $0xC00, s7;
	s8 =	sor.u32 s8, s10;
	s11 =	sshrl.u32 s9, $0x1  }
0xb: {  	_ =	strace $0x80000047;
	s8 =	smul.u32 $0x6, s8;
	s31 =	ssub.s32 s9, s11  }
0xc: {  	v0 =	vlaneseq.u32;
	s9 =	sadd.s32 $0x30000, s3;
	s11 =	simm.s32 $0x1;
	s10 =	smax.u32 s31, $0x1  }
.LBB2_1:
0xd: {  	[tilespmem:s5], [sflag:$0x1] =	stream.linear.gather [hbm4b:s6+s5], $0x1000, $0x38;
	[tilespmem:$0x8800] =	vst v63  }
0xe: {  	_ =	swait.ge [sflag:s11], $0x1000  }
0xf: {  	[sflag:s11] =	ssyncset.done $0x0  }
0x10: {  	s18 =	simm.s32 $0x1000;
	[sflag:s11] =	ssyncadd.s32 $0xFFFFF000  }
0x11: {  	[tilespmem:s18], [sflag:$0x1] =	stream.linear.gather [hbm4b:s7+s5], $0x1000, $0x38;
	[tilespmem:$0x8800] =	vst v63  }
0x12: {  	_ =	swait.ge [sflag:s11], $0x1000  }
0x13: {  	[sflag:s11] =	ssyncset.done $0x0  }
0x14: {  	[sflag:s11] =	ssyncadd.s32 $0xFFFFF000  }
0x15: {  	v1 =	vld [tilespmem:s18+$0x0]  }
0x16: {  	s30 =	sand.u32 $0x400, s5;
	v2 =	vld [tilespmem:s5+$0x0]  }
0x17: {  	v3 =	vmov s30  }
0x18: {  	v3 =	vadd.s32 $0xFFFFFFFF, v3  }
0x19: {  	v3 =	vbroadcast v3, $0x0  }
0x1a: {  	vm0 =	veq.s32 v1, $0x1  }
0x1b: {  	v1 =	vadd.s32 v3, v2;
	_ =	sdelay $0x2  }
0x1c: {  	s31 =	sand.u32 $0x7F0, s5  }
0x1d: {  	v2 =	vor.u32 s31, v0  }
0x1e: {  	s19 =	simm.s32 $0x8;
	s20 =	simm.s32 $0x1010;
	[tilespmem:v1+s12+$0x0] =	vst.idx.msk vm0, v2  }
0x1f: {  	s22 =	simm.s32 $0x10;
	s21 =	simm.s32 $0x10;
	s18 =	simm.s32 $0x0;
	v1 =	vld [tilespmem:s20+$0x0]  }
.LBB2_2:
0x20: {  	p0 =	sne.s32 s22, $0x7F8;
	v2 =	vld [tilespmem:s21+$0x0];
	s23 =	sand.u32 $0x400, s19;
	s19 =	smov.u32 s22  }
0x21: {  	v3 =	vmov s23  }
0x22: {  	v3 =	vadd.s32 $0xFFFFFFFF, v3  }
0x23: {  	v3 =	vbroadcast v3, $0x0  }
0x24: {  	vm0 =	veq.s32 v1, $0x1  }
0x25: {  	v1 =	vadd.s32 v3, v2;
	_ =	sdelay $0x1  }
.Ltmp0:
0x26: {  	s18 =	sadd.s32 $0x10, s18;
	(pc) =	sbr.rel @p0 .LBB2_2-.Ltmp0, $4  }
0x27: {  	s23 =	sand.u32 $0x7F0, s18  }
0x28: {  	v2 =	vor.u32 s23, v0  }
0x29: {  	s20 =	sadd.s32 $0x10, s20;
	[tilespmem:v1+s12+$0x0] =	vst.idx.msk vm0, v2  }
0x2a: {  	s22 =	sadd.s32 $0x8, s22;
	s21 =	sadd.s32 $0x10, s21;
	v1 =	vld [tilespmem:s20+$0x0]  }
0x2b: {  	v2 =	vld [tilespmem:s21+$0x0];
	s19 =	sand.u32 $0x400, s19  }
0x2c: {  	v3 =	vmov s19  }
0x2d: {  	v3 =	vadd.s32 $0xFFFFFFFF, v3  }
0x2e: {  	v3 =	vbroadcast v3, $0x0  }
0x2f: {  	vm0 =	veq.s32 v1, $0x1  }
0x30: {  	v1 =	vadd.s32 v3, v2;
	_ =	sdelay $0x1  }
0x31: {  	s18 =	sadd.s32 $0x10, s18  }
0x32: {  	s18 =	sand.u32 $0x7F0, s18  }
0x33: {  	v2 =	vor.u32 s18, v0  }
0x34: {  	s18 =	simm.s32 $0x0;
	[tilespmem:v1+s12+$0x0] =	vst.idx.msk vm0, v2  }
.LBB2_4:
0x35: {  	s21 =	sadd.s32 s8, s18  }
0x36: {  	s19 =	sshrl.u32 s21, $0x3;
	s20 =	sshll.u32 s21, $0x7  }
0x37: {  	s20 =	sand.u32 $0x380, s20;
	s22 =	sshll.u32 s19, $0x11  }
0x38: {  	s22 =	sor.u32 s20, s22  }
0x39: {  	s22 =	sshrl.u32 s22, $0x3  }
0x3a: {  	s21 =	smulhi.u32 $0xAAAAAAAB, s21;
	s22 =	sadd.s32 s1, s22  }
0x3b: {  	[tilespmem:s15], [sflag:$0x1] =	stream.strided.gather [hbm4b:s22+s13], $0x4000, s14, s13, $0x38;
	[tilespmem:$0x8800] =	vst v63  }
0x3c: {  	_ =	swait.ge [sflag:s11], $0x4000  }
0x3d: {  	s23 =	simm.s32 $0x0;
	s21 =	sshll.u32 s21, $0x4;
	[sflag:s11] =	ssyncset.done $0x0  }
0x3e: {  	s21 =	sand.u32 $0x3FFFFC00, s21;
	s22 =	simm.s32 $0x6A00;
	[sflag:s11] =	ssyncadd.s32 $0xFFFFC000  }
.LBB2_5:
0x3f: {  	v1 =	vld [tilespmem:s21+$0x2000];
	_ =	sdelay $0x4  }
0x40: {  	v1 =	vadd.s32 s23, v1;
	_ =	sdelay $0x4  }
0x41: {  	v1 =	vld.idx.msk [tilespmem:v1+s15+$0x0], $0xffff;
	_ =	sdelay $0x4  }
0x42: {  	[tilespmem:s22+$0xFFFFFE00] =	vst v1  }
0x43: {  	v1 =	vld [tilespmem:s21+$0x2010];
	_ =	sdelay $0x4  }
0x44: {  	v1 =	vadd.s32 s23, v1;
	_ =	sdelay $0x4  }
0x45: {  	v1 =	vld.idx.msk [tilespmem:v1+s15+$0x0], $0xffff;
	_ =	sdelay $0x4  }
0x46: {  	[tilespmem:s22+$0xFFFFFE10] =	vst v1  }
0x47: {  	v1 =	vld [tilespmem:s21+$0x2020];
	_ =	sdelay $0x4  }
0x48: {  	v1 =	vadd.s32 s23, v1;
	_ =	sdelay $0x4  }
0x49: {  	v1 =	vld.idx.msk [tilespmem:v1+s15+$0x0], $0xffff;
	_ =	sdelay $0x4  }
0x4a: {  	[tilespmem:s22+$0xFFFFFE20] =	vst v1  }
0x4b: {  	v1 =	vld [tilespmem:s21+$0x2030];
	_ =	sdelay $0x4  }
0x4c: {  	v1 =	vadd.s32 s23, v1;
	_ =	sdelay $0x4  }
0x4d: {  	v1 =	vld.idx.msk [tilespmem:v1+s15+$0x0], $0xffff;
	_ =	sdelay $0x4  }
0x4e: {  	[tilespmem:s22+$0xFFFFFE30] =	vst v1  }
0x4f: {  	v1 =	vld [tilespmem:s21+$0x2040];
	_ =	sdelay $0x4  }
0x50: {  	v1 =	vadd.s32 s23, v1;
	_ =	sdelay $0x4  }
0x51: {  	v1 =	vld.idx.msk [tilespmem:v1+s15+$0x0], $0xffff;
	_ =	sdelay $0x4  }
0x52: {  	[tilespmem:s22+$0xFFFFFE40] =	vst v1  }
0x53: {  	v1 =	vld [tilespmem:s21+$0x2050];
	_ =	sdelay $0x4  }
0x54: {  	v1 =	vadd.s32 s23, v1;
	_ =	sdelay $0x4  }
0x55: {  	v1 =	vld.idx.msk [tilespmem:v1+s15+$0x0], $0xffff;
	_ =	sdelay $0x4  }
0x56: {  	[tilespmem:s22+$0xFFFFFE50] =	vst v1  }
0x57: {  	v1 =	vld [tilespmem:s21+$0x2060];
	_ =	sdelay $0x4  }
0x58: {  	v1 =	vadd.s32 s23, v1;
	_ =	sdelay $0x4  }
0x59: {  	v1 =	vld.idx.msk [tilespmem:v1+s15+$0x0], $0xffff;
	_ =	sdelay $0x4  }
0x5a: {  	[tilespmem:s22+$0xFFFFFE60] =	vst v1  }
0x5b: {  	v1 =	vld [tilespmem:s21+$0x2070];
	_ =	sdelay $0x4  }
0x5c: {  	v1 =	vadd.s32 s23, v1;
	_ =	sdelay $0x4  }
0x5d: {  	v1 =	vld.idx.msk [tilespmem:v1+s15+$0x0], $0xffff;
	_ =	sdelay $0x4  }
0x5e: {  	[tilespmem:s22+$0xFFFFFE70] =	vst v1  }
0x5f: {  	v1 =	vld [tilespmem:s21+$0x2080];
	_ =	sdelay $0x4  }
0x60: {  	v1 =	vadd.s32 s23, v1;
	_ =	sdelay $0x4  }
0x61: {  	v1 =	vld.idx.msk [tilespmem:v1+s15+$0x0], $0xffff;
	_ =	sdelay $0x4  }
0x62: {  	[tilespmem:s22+$0xFFFFFE80] =	vst v1  }
0x63: {  	v1 =	vld [tilespmem:s21+$0x2090];
	_ =	sdelay $0x4  }
0x64: {  	v1 =	vadd.s32 s23, v1;
	_ =	sdelay $0x4  }
0x65: {  	v1 =	vld.idx.msk [tilespmem:v1+s15+$0x0], $0xffff;
	_ =	sdelay $0x4  }
0x66: {  	[tilespmem:s22+$0xFFFFFE90] =	vst v1  }
0x67: {  	v1 =	vld [tilespmem:s21+$0x20A0];
	_ =	sdelay $0x4  }
0x68: {  	v1 =	vadd.s32 s23, v1;
	_ =	sdelay $0x4  }
0x69: {  	v1 =	vld.idx.msk [tilespmem:v1+s15+$0x0], $0xffff;
	_ =	sdelay $0x4  }
0x6a: {  	[tilespmem:s22+$0xFFFFFEA0] =	vst v1  }
0x6b: {  	v1 =	vld [tilespmem:s21+$0x20B0];
	_ =	sdelay $0x4  }
0x6c: {  	v1 =	vadd.s32 s23, v1;
	_ =	sdelay $0x4  }
0x6d: {  	v1 =	vld.idx.msk [tilespmem:v1+s15+$0x0], $0xffff;
	_ =	sdelay $0x4  }
0x6e: {  	[tilespmem:s22+$0xFFFFFEB0] =	vst v1  }
0x6f: {  	v1 =	vld [tilespmem:s21+$0x20C0];
	_ =	sdelay $0x4  }
0x70: {  	v1 =	vadd.s32 s23, v1;
	_ =	sdelay $0x4  }
0x71: {  	v1 =	vld.idx.msk [tilespmem:v1+s15+$0x0], $0xffff;
	_ =	sdelay $0x4  }
0x72: {  	[tilespmem:s22+$0xFFFFFEC0] =	vst v1  }
0x73: {  	v1 =	vld [tilespmem:s21+$0x20D0];
	_ =	sdelay $0x4  }
0x74: {  	v1 =	vadd.s32 s23, v1;
	_ =	sdelay $0x4  }
0x75: {  	v1 =	vld.idx.msk [tilespmem:v1+s15+$0x0], $0xffff;
	_ =	sdelay $0x4  }
0x76: {  	[tilespmem:s22+$0xFFFFFED0] =	vst v1  }
0x77: {  	v1 =	vld [tilespmem:s21+$0x20E0];
	_ =	sdelay $0x4  }
0x78: {  	v1 =	vadd.s32 s23, v1;
	_ =	sdelay $0x4  }
0x79: {  	v1 =	vld.idx.msk [tilespmem:v1+s15+$0x0], $0xffff;
	_ =	sdelay $0x4  }
0x7a: {  	[tilespmem:s22+$0xFFFFFEE0] =	vst v1  }
0x7b: {  	v1 =	vld [tilespmem:s21+$0x20F0];
	_ =	sdelay $0x4  }
0x7c: {  	v1 =	vadd.s32 s23, v1;
	_ =	sdelay $0x4  }
0x7d: {  	v1 =	vld.idx.msk [tilespmem:v1+s15+$0x0], $0xffff;
	_ =	sdelay $0x4  }
0x7e: {  	[tilespmem:s22+$0xFFFFFEF0] =	vst v1  }
0x7f: {  	v1 =	vld [tilespmem:s21+$0x2100];
	_ =	sdelay $0x4  }
0x80: {  	v1 =	vadd.s32 s23, v1;
	_ =	sdelay $0x4  }
0x81: {  	v1 =	vld.idx.msk [tilespmem:v1+s15+$0x0], $0xffff;
	_ =	sdelay $0x4  }
0x82: {  	[tilespmem:s22+$0xFFFFFF00] =	vst v1  }
0x83: {  	v1 =	vld [tilespmem:s21+$0x2110];
	_ =	sdelay $0x4  }
0x84: {  	v1 =	vadd.s32 s23, v1;
	_ =	sdelay $0x4  }
0x85: {  	v1 =	vld.idx.msk [tilespmem:v1+s15+$0x0], $0xffff;
	_ =	sdelay $0x4  }
0x86: {  	[tilespmem:s22+$0xFFFFFF10] =	vst v1  }
0x87: {  	v1 =	vld [tilespmem:s21+$0x2120];
	_ =	sdelay $0x4  }
0x88: {  	v1 =	vadd.s32 s23, v1;
	_ =	sdelay $0x4  }
0x89: {  	v1 =	vld.idx.msk [tilespmem:v1+s15+$0x0], $0xffff;
	_ =	sdelay $0x4  }
0x8a: {  	[tilespmem:s22+$0xFFFFFF20] =	vst v1  }
0x8b: {  	v1 =	vld [tilespmem:s21+$0x2130];
	_ =	sdelay $0x4  }
0x8c: {  	v1 =	vadd.s32 s23, v1;
	_ =	sdelay $0x4  }
0x8d: {  	v1 =	vld.idx.msk [tilespmem:v1+s15+$0x0], $0xffff;
	_ =	sdelay $0x4  }
0x8e: {  	[tilespmem:s22+$0xFFFFFF30] =	vst v1  }
0x8f: {  	v1 =	vld [tilespmem:s21+$0x2140];
	_ =	sdelay $0x4  }
0x90: {  	v1 =	vadd.s32 s23, v1;
	_ =	sdelay $0x4  }
0x91: {  	v1 =	vld.idx.msk [tilespmem:v1+s15+$0x0], $0xffff;
	_ =	sdelay $0x4  }
0x92: {  	[tilespmem:s22+$0xFFFFFF40] =	vst v1  }
0x93: {  	v1 =	vld [tilespmem:s21+$0x2150];
	_ =	sdelay $0x4  }
0x94: {  	v1 =	vadd.s32 s23, v1;
	_ =	sdelay $0x4  }
0x95: {  	v1 =	vld.idx.msk [tilespmem:v1+s15+$0x0], $0xffff;
	_ =	sdelay $0x4  }
0x96: {  	[tilespmem:s22+$0xFFFFFF50] =	vst v1  }
0x97: {  	v1 =	vld [tilespmem:s21+$0x2160];
	_ =	sdelay $0x4  }
0x98: {  	v1 =	vadd.s32 s23, v1;
	_ =	sdelay $0x4  }
0x99: {  	v1 =	vld.idx.msk [tilespmem:v1+s15+$0x0], $0xffff;
	_ =	sdelay $0x4  }
0x9a: {  	[tilespmem:s22+$0xFFFFFF60] =	vst v1  }
0x9b: {  	v1 =	vld [tilespmem:s21+$0x2170];
	_ =	sdelay $0x4  }
0x9c: {  	v1 =	vadd.s32 s23, v1;
	_ =	sdelay $0x4  }
0x9d: {  	v1 =	vld.idx.msk [tilespmem:v1+s15+$0x0], $0xffff;
	_ =	sdelay $0x4  }
0x9e: {  	[tilespmem:s22+$0xFFFFFF70] =	vst v1  }
0x9f: {  	v1 =	vld [tilespmem:s21+$0x2180];
	_ =	sdelay $0x4  }
0xa0: {  	v1 =	vadd.s32 s23, v1;
	_ =	sdelay $0x4  }
0xa1: {  	v1 =	vld.idx.msk [tilespmem:v1+s15+$0x0], $0xffff;
	_ =	sdelay $0x4  }
0xa2: {  	[tilespmem:s22+$0xFFFFFF80] =	vst v1  }
0xa3: {  	v1 =	vld [tilespmem:s21+$0x2190];
	_ =	sdelay $0x4  }
0xa4: {  	v1 =	vadd.s32 s23, v1;
	_ =	sdelay $0x4  }
0xa5: {  	v1 =	vld.idx.msk [tilespmem:v1+s15+$0x0], $0xffff;
	_ =	sdelay $0x4  }
0xa6: {  	[tilespmem:s22+$0xFFFFFF90] =	vst v1  }
0xa7: {  	v1 =	vld [tilespmem:s21+$0x21A0];
	_ =	sdelay $0x4  }
0xa8: {  	v1 =	vadd.s32 s23, v1;
	_ =	sdelay $0x4  }
0xa9: {  	v1 =	vld.idx.msk [tilespmem:v1+s15+$0x0], $0xffff;
	_ =	sdelay $0x4  }
0xaa: {  	[tilespmem:s22+$0xFFFFFFA0] =	vst v1  }
0xab: {  	v1 =	vld [tilespmem:s21+$0x21B0];
	_ =	sdelay $0x4  }
0xac: {  	v1 =	vadd.s32 s23, v1;
	_ =	sdelay $0x4  }
0xad: {  	v1 =	vld.idx.msk [tilespmem:v1+s15+$0x0], $0xffff;
	_ =	sdelay $0x4  }
0xae: {  	[tilespmem:s22+$0xFFFFFFB0] =	vst v1  }
0xaf: {  	v1 =	vld [tilespmem:s21+$0x21C0];
	_ =	sdelay $0x4  }
0xb0: {  	v1 =	vadd.s32 s23, v1;
	_ =	sdelay $0x4  }
0xb1: {  	v1 =	vld.idx.msk [tilespmem:v1+s15+$0x0], $0xffff;
	_ =	sdelay $0x4  }
0xb2: {  	[tilespmem:s22+$0xFFFFFFC0] =	vst v1  }
0xb3: {  	v1 =	vld [tilespmem:s21+$0x21D0];
	_ =	sdelay $0x4  }
0xb4: {  	v1 =	vadd.s32 s23, v1;
	_ =	sdelay $0x4  }
0xb5: {  	v1 =	vld.idx.msk [tilespmem:v1+s15+$0x0], $0xffff;
	_ =	sdelay $0x4  }
0xb6: {  	[tilespmem:s22+$0xFFFFFFD0] =	vst v1  }
0xb7: {  	v1 =	vld [tilespmem:s21+$0x21E0];
	_ =	sdelay $0x4  }
0xb8: {  	v1 =	vadd.s32 s23, v1;
	_ =	sdelay $0x4  }
0xb9: {  	v1 =	vld.idx.msk [tilespmem:v1+s15+$0x0], $0xffff;
	_ =	sdelay $0x4  }
0xba: {  	[tilespmem:s22+$0xFFFFFFE0] =	vst v1  }
0xbb: {  	v1 =	vld [tilespmem:s21+$0x21F0];
	_ =	sdelay $0x4  }
0xbc: {  	v1 =	vadd.s32 s23, v1;
	_ =	sdelay $0x4  }
0xbd: {  	v1 =	vld.idx.msk [tilespmem:v1+s15+$0x0], $0xffff;
	_ =	sdelay $0x4  }
0xbe: {  	[tilespmem:s22+$0xFFFFFFF0] =	vst v1  }
0xbf: {  	v1 =	vld [tilespmem:s21+$0x2200];
	_ =	sdelay $0x4  }
0xc0: {  	v1 =	vadd.s32 s23, v1;
	_ =	sdelay $0x4  }
0xc1: {  	v1 =	vld.idx.msk [tilespmem:v1+s15+$0x0], $0xffff;
	_ =	sdelay $0x4  }
0xc2: {  	[tilespmem:s22+$0x0] =	vst v1  }
0xc3: {  	v1 =	vld [tilespmem:s21+$0x2210];
	_ =	sdelay $0x4  }
0xc4: {  	v1 =	vadd.s32 s23, v1;
	_ =	sdelay $0x4  }
0xc5: {  	v1 =	vld.idx.msk [tilespmem:v1+s15+$0x0], $0xffff;
	_ =	sdelay $0x4  }
0xc6: {  	[tilespmem:s22+$0x10] =	vst v1  }
0xc7: {  	v1 =	vld [tilespmem:s21+$0x2220];
	_ =	sdelay $0x4  }
0xc8: {  	v1 =	vadd.s32 s23, v1;
	_ =	sdelay $0x4  }
0xc9: {  	v1 =	vld.idx.msk [tilespmem:v1+s15+$0x0], $0xffff;
	_ =	sdelay $0x4  }
0xca: {  	[tilespmem:s22+$0x20] =	vst v1  }
0xcb: {  	v1 =	vld [tilespmem:s21+$0x2230];
	_ =	sdelay $0x4  }
0xcc: {  	v1 =	vadd.s32 s23, v1;
	_ =	sdelay $0x4  }
0xcd: {  	v1 =	vld.idx.msk [tilespmem:v1+s15+$0x0], $0xffff;
	_ =	sdelay $0x4  }
0xce: {  	[tilespmem:s22+$0x30] =	vst v1  }
0xcf: {  	v1 =	vld [tilespmem:s21+$0x2240];
	_ =	sdelay $0x4  }
0xd0: {  	v1 =	vadd.s32 s23, v1;
	_ =	sdelay $0x4  }
0xd1: {  	v1 =	vld.idx.msk [tilespmem:v1+s15+$0x0], $0xffff;
	_ =	sdelay $0x4  }
0xd2: {  	[tilespmem:s22+$0x40] =	vst v1  }
0xd3: {  	v1 =	vld [tilespmem:s21+$0x2250];
	_ =	sdelay $0x4  }
0xd4: {  	v1 =	vadd.s32 s23, v1;
	_ =	sdelay $0x4  }
0xd5: {  	v1 =	vld.idx.msk [tilespmem:v1+s15+$0x0], $0xffff;
	_ =	sdelay $0x4  }
0xd6: {  	[tilespmem:s22+$0x50] =	vst v1  }
0xd7: {  	v1 =	vld [tilespmem:s21+$0x2260];
	_ =	sdelay $0x4  }
0xd8: {  	v1 =	vadd.s32 s23, v1;
	_ =	sdelay $0x4  }
0xd9: {  	v1 =	vld.idx.msk [tilespmem:v1+s15+$0x0], $0xffff;
	_ =	sdelay $0x4  }
0xda: {  	[tilespmem:s22+$0x60] =	vst v1  }
0xdb: {  	v1 =	vld [tilespmem:s21+$0x2270];
	_ =	sdelay $0x4  }
0xdc: {  	v1 =	vadd.s32 s23, v1;
	_ =	sdelay $0x4  }
0xdd: {  	v1 =	vld.idx.msk [tilespmem:v1+s15+$0x0], $0xffff;
	_ =	sdelay $0x4  }
0xde: {  	[tilespmem:s22+$0x70] =	vst v1  }
0xdf: {  	v1 =	vld [tilespmem:s21+$0x2280];
	_ =	sdelay $0x4  }
0xe0: {  	v1 =	vadd.s32 s23, v1;
	_ =	sdelay $0x4  }
0xe1: {  	v1 =	vld.idx.msk [tilespmem:v1+s15+$0x0], $0xffff;
	_ =	sdelay $0x4  }
0xe2: {  	[tilespmem:s22+$0x80] =	vst v1  }
0xe3: {  	v1 =	vld [tilespmem:s21+$0x2290];
	_ =	sdelay $0x4  }
0xe4: {  	v1 =	vadd.s32 s23, v1;
	_ =	sdelay $0x4  }
0xe5: {  	v1 =	vld.idx.msk [tilespmem:v1+s15+$0x0], $0xffff;
	_ =	sdelay $0x4  }
0xe6: {  	[tilespmem:s22+$0x90] =	vst v1  }
0xe7: {  	v1 =	vld [tilespmem:s21+$0x22A0];
	_ =	sdelay $0x4  }
0xe8: {  	v1 =	vadd.s32 s23, v1;
	_ =	sdelay $0x4  }
0xe9: {  	v1 =	vld.idx.msk [tilespmem:v1+s15+$0x0], $0xffff;
	_ =	sdelay $0x4  }
0xea: {  	[tilespmem:s22+$0xA0] =	vst v1  }
0xeb: {  	v1 =	vld [tilespmem:s21+$0x22B0];
	_ =	sdelay $0x4  }
0xec: {  	v1 =	vadd.s32 s23, v1;
	_ =	sdelay $0x4  }
0xed: {  	v1 =	vld.idx.msk [tilespmem:v1+s15+$0x0], $0xffff;
	_ =	sdelay $0x4  }
0xee: {  	[tilespmem:s22+$0xB0] =	vst v1  }
0xef: {  	v1 =	vld [tilespmem:s21+$0x22C0];
	_ =	sdelay $0x4  }
0xf0: {  	v1 =	vadd.s32 s23, v1;
	_ =	sdelay $0x4  }
0xf1: {  	v1 =	vld.idx.msk [tilespmem:v1+s15+$0x0], $0xffff;
	_ =	sdelay $0x4  }
0xf2: {  	[tilespmem:s22+$0xC0] =	vst v1  }
0xf3: {  	v1 =	vld [tilespmem:s21+$0x22D0];
	_ =	sdelay $0x4  }
0xf4: {  	v1 =	vadd.s32 s23, v1;
	_ =	sdelay $0x4  }
0xf5: {  	v1 =	vld.idx.msk [tilespmem:v1+s15+$0x0], $0xffff;
	_ =	sdelay $0x4  }
0xf6: {  	[tilespmem:s22+$0xD0] =	vst v1  }
0xf7: {  	v1 =	vld [tilespmem:s21+$0x22E0];
	_ =	sdelay $0x4  }
0xf8: {  	v1 =	vadd.s32 s23, v1;
	_ =	sdelay $0x4  }
0xf9: {  	v1 =	vld.idx.msk [tilespmem:v1+s15+$0x0], $0xffff;
	_ =	sdelay $0x4  }
0xfa: {  	[tilespmem:s22+$0xE0] =	vst v1  }
0xfb: {  	v1 =	vld [tilespmem:s21+$0x22F0];
	_ =	sdelay $0x4  }
0xfc: {  	v1 =	vadd.s32 s23, v1;
	_ =	sdelay $0x4  }
0xfd: {  	v1 =	vld.idx.msk [tilespmem:v1+s15+$0x0], $0xffff;
	_ =	sdelay $0x4  }
0xfe: {  	[tilespmem:s22+$0xF0] =	vst v1  }
0xff: {  	v1 =	vld [tilespmem:s21+$0x2300];
	_ =	sdelay $0x4  }
0x100: {  	v1 =	vadd.s32 s23, v1;
	_ =	sdelay $0x4  }
0x101: {  	v1 =	vld.idx.msk [tilespmem:v1+s15+$0x0], $0xffff;
	_ =	sdelay $0x4  }
0x102: {  	[tilespmem:s22+$0x100] =	vst v1  }
0x103: {  	v1 =	vld [tilespmem:s21+$0x2310];
	_ =	sdelay $0x4  }
0x104: {  	v1 =	vadd.s32 s23, v1;
	_ =	sdelay $0x4  }
0x105: {  	v1 =	vld.idx.msk [tilespmem:v1+s15+$0x0], $0xffff;
	_ =	sdelay $0x4  }
0x106: {  	[tilespmem:s22+$0x110] =	vst v1  }
0x107: {  	v1 =	vld [tilespmem:s21+$0x2320];
	_ =	sdelay $0x4  }
0x108: {  	v1 =	vadd.s32 s23, v1;
	_ =	sdelay $0x4  }
0x109: {  	v1 =	vld.idx.msk [tilespmem:v1+s15+$0x0], $0xffff;
	_ =	sdelay $0x4  }
0x10a: {  	[tilespmem:s22+$0x120] =	vst v1  }
0x10b: {  	v1 =	vld [tilespmem:s21+$0x2330];
	_ =	sdelay $0x4  }
0x10c: {  	v1 =	vadd.s32 s23, v1;
	_ =	sdelay $0x4  }
0x10d: {  	v1 =	vld.idx.msk [tilespmem:v1+s15+$0x0], $0xffff;
	_ =	sdelay $0x4  }
0x10e: {  	[tilespmem:s22+$0x130] =	vst v1  }
0x10f: {  	v1 =	vld [tilespmem:s21+$0x2340];
	_ =	sdelay $0x4  }
0x110: {  	v1 =	vadd.s32 s23, v1;
	_ =	sdelay $0x4  }
0x111: {  	v1 =	vld.idx.msk [tilespmem:v1+s15+$0x0], $0xffff;
	_ =	sdelay $0x4  }
0x112: {  	[tilespmem:s22+$0x140] =	vst v1  }
0x113: {  	v1 =	vld [tilespmem:s21+$0x2350];
	_ =	sdelay $0x4  }
0x114: {  	v1 =	vadd.s32 s23, v1;
	_ =	sdelay $0x4  }
0x115: {  	v1 =	vld.idx.msk [tilespmem:v1+s15+$0x0], $0xffff;
	_ =	sdelay $0x4  }
0x116: {  	[tilespmem:s22+$0x150] =	vst v1  }
0x117: {  	v1 =	vld [tilespmem:s21+$0x2360];
	_ =	sdelay $0x4  }
0x118: {  	v1 =	vadd.s32 s23, v1;
	_ =	sdelay $0x4  }
0x119: {  	v1 =	vld.idx.msk [tilespmem:v1+s15+$0x0], $0xffff;
	_ =	sdelay $0x4  }
0x11a: {  	[tilespmem:s22+$0x160] =	vst v1  }
0x11b: {  	v1 =	vld [tilespmem:s21+$0x2370];
	_ =	sdelay $0x4  }
0x11c: {  	v1 =	vadd.s32 s23, v1;
	_ =	sdelay $0x4  }
0x11d: {  	v1 =	vld.idx.msk [tilespmem:v1+s15+$0x0], $0xffff;
	_ =	sdelay $0x4  }
0x11e: {  	[tilespmem:s22+$0x170] =	vst v1  }
0x11f: {  	v1 =	vld [tilespmem:s21+$0x2380];
	_ =	sdelay $0x4  }
0x120: {  	v1 =	vadd.s32 s23, v1;
	_ =	sdelay $0x4  }
0x121: {  	v1 =	vld.idx.msk [tilespmem:v1+s15+$0x0], $0xffff;
	_ =	sdelay $0x4  }
0x122: {  	[tilespmem:s22+$0x180] =	vst v1  }
0x123: {  	v1 =	vld [tilespmem:s21+$0x2390];
	_ =	sdelay $0x4  }
0x124: {  	v1 =	vadd.s32 s23, v1;
	_ =	sdelay $0x4  }
0x125: {  	v1 =	vld.idx.msk [tilespmem:v1+s15+$0x0], $0xffff;
	_ =	sdelay $0x4  }
0x126: {  	[tilespmem:s22+$0x190] =	vst v1  }
0x127: {  	v1 =	vld [tilespmem:s21+$0x23A0];
	_ =	sdelay $0x4  }
0x128: {  	v1 =	vadd.s32 s23, v1;
	_ =	sdelay $0x4  }
0x129: {  	v1 =	vld.idx.msk [tilespmem:v1+s15+$0x0], $0xffff;
	_ =	sdelay $0x4  }
0x12a: {  	[tilespmem:s22+$0x1A0] =	vst v1  }
0x12b: {  	v1 =	vld [tilespmem:s21+$0x23B0];
	_ =	sdelay $0x4  }
0x12c: {  	v1 =	vadd.s32 s23, v1;
	_ =	sdelay $0x4  }
0x12d: {  	v1 =	vld.idx.msk [tilespmem:v1+s15+$0x0], $0xffff;
	_ =	sdelay $0x4  }
0x12e: {  	[tilespmem:s22+$0x1B0] =	vst v1  }
0x12f: {  	v1 =	vld [tilespmem:s21+$0x23C0];
	_ =	sdelay $0x4  }
0x130: {  	v1 =	vadd.s32 s23, v1;
	_ =	sdelay $0x4  }
0x131: {  	v1 =	vld.idx.msk [tilespmem:v1+s15+$0x0], $0xffff;
	_ =	sdelay $0x4  }
0x132: {  	[tilespmem:s22+$0x1C0] =	vst v1  }
0x133: {  	v1 =	vld [tilespmem:s21+$0x23D0];
	_ =	sdelay $0x4  }
0x134: {  	v1 =	vadd.s32 s23, v1;
	_ =	sdelay $0x4  }
0x135: {  	v1 =	vld.idx.msk [tilespmem:v1+s15+$0x0], $0xffff;
	_ =	sdelay $0x4  }
0x136: {  	[tilespmem:s22+$0x1D0] =	vst v1  }
0x137: {  	v1 =	vld [tilespmem:s21+$0x23E0];
	_ =	sdelay $0x4  }
0x138: {  	v1 =	vadd.s32 s23, v1;
	_ =	sdelay $0x4  }
0x139: {  	v1 =	vld.idx.msk [tilespmem:v1+s15+$0x0], $0xffff;
	_ =	sdelay $0x4  }
0x13a: {  	[tilespmem:s22+$0x1E0] =	vst v1  }
0x13b: {  	v1 =	vld [tilespmem:s21+$0x23F0];
	_ =	sdelay $0x4  }
0x13c: {  	v1 =	vadd.s32 s23, v1;
	_ =	sdelay $0x4  }
0x13d: {  	p0 =	sne.s32 s23, $0x3800;
	v1 =	vld.idx.msk [tilespmem:v1+s15+$0x0], $0xffff  }
.Ltmp1:
0x13e: {  	_ = 	snop;
	(pc) =	sbr.rel @p0 .LBB2_5-.Ltmp1, $2  }
0x13f: {  	_ =	sdelay $0x2  }
0x140: {  	s23 =	sadd.s32 $0x800, s23;
	[tilespmem:s22+$0x1F0] =	vst v1;
	s22 =	sadd.s32 $0x400, s22  }
0x141: {  	s19 =	sshll.u32 s19, $0x10  }
0x142: {  	s18 =	sadd.s32 $0x1, s18;
	s19 =	sor.u32 s20, s19  }
0x143: {  	p0 =	sne.s32 s18, $0x6;
	s19 =	sshrl.u32 s19, $0x3  }
.Ltmp2:
0x144: {  	s19 =	sadd.s32 s3, s19;
	(pc) =	sbr.rel @p0 .LBB2_4-.Ltmp2, $4  }
0x145: {  	[hbm4b:s19+s13] =	stream.strided.scatter [tilespmem:s16], [sflag:$0x1], $0x2000, s14, s13, $0x38;
	[tilespmem:$0x8800] =	vst v63  }
0x146: {  	_ =	swait.ge [sflag:s11], $0x2000  }
0x147: {  	[sflag:s11] =	ssyncset.done $0x0  }
0x148: {  	s19 =	simm.s32 $0x0;
	[sflag:s11] =	ssyncadd.s32 $0xFFFFE000  }
.LBB2_7:
0x149: {  	s18 =	sadd.s32 s8, s19  }
0x14a: {  	s20 =	sshll.u32 s18, $0x4  }
0x14b: {  	s21 =	sshll.u32 s18, $0xB;
	s20 =	sand.u32 $0x70, s20  }
0x14c: {  	s21 =	sand.u32 $0xFFFC000, s21;
	s22 =	sadd.s32 s2, s20  }
0x14d: {  	s31 =	smulhi.u32 $0xAAAAAAAB, s18;
	s21 =	sadd.s32 s21, s22  }
0x14e: {  	[tilespmem:s15], [sflag:$0x1] =	stream.strided.gather [hbm4b:s21+s13], $0x4000, s14, s13, $0x38;
	[tilespmem:$0x8800] =	vst v63  }
0x14f: {  	_ =	swait.ge [sflag:s11], $0x4000  }
0x150: {  	s23 =	simm.s32 $0x0;
	s21 =	sshll.u32 s31, $0x4;
	[sflag:s11] =	ssyncset.done $0x0  }
0x151: {  	s22 =	simm.s32 $0x6A00;
	s21 =	sand.u32 $0x3FFFFC00, s21;
	[sflag:s11] =	ssyncadd.s32 $0xFFFFC000  }
.LBB2_8:
0x152: {  	v1 =	vld [tilespmem:s21+$0x2000];
	_ =	sdelay $0x4  }
0x153: {  	v1 =	vadd.s32 s23, v1;
	_ =	sdelay $0x4  }
0x154: {  	v1 =	vld.idx.msk [tilespmem:v1+s15+$0x0], $0xffff;
	_ =	sdelay $0x4  }
0x155: {  	[tilespmem:s22+$0xFFFFFE00] =	vst v1  }
0x156: {  	v1 =	vld [tilespmem:s21+$0x2010];
	_ =	sdelay $0x4  }
0x157: {  	v1 =	vadd.s32 s23, v1;
	_ =	sdelay $0x4  }
0x158: {  	v1 =	vld.idx.msk [tilespmem:v1+s15+$0x0], $0xffff;
	_ =	sdelay $0x4  }
0x159: {  	[tilespmem:s22+$0xFFFFFE10] =	vst v1  }
0x15a: {  	v1 =	vld [tilespmem:s21+$0x2020];
	_ =	sdelay $0x4  }
0x15b: {  	v1 =	vadd.s32 s23, v1;
	_ =	sdelay $0x4  }
0x15c: {  	v1 =	vld.idx.msk [tilespmem:v1+s15+$0x0], $0xffff;
	_ =	sdelay $0x4  }
0x15d: {  	[tilespmem:s22+$0xFFFFFE20] =	vst v1  }
0x15e: {  	v1 =	vld [tilespmem:s21+$0x2030];
	_ =	sdelay $0x4  }
0x15f: {  	v1 =	vadd.s32 s23, v1;
	_ =	sdelay $0x4  }
0x160: {  	v1 =	vld.idx.msk [tilespmem:v1+s15+$0x0], $0xffff;
	_ =	sdelay $0x4  }
0x161: {  	[tilespmem:s22+$0xFFFFFE30] =	vst v1  }
0x162: {  	v1 =	vld [tilespmem:s21+$0x2040];
	_ =	sdelay $0x4  }
0x163: {  	v1 =	vadd.s32 s23, v1;
	_ =	sdelay $0x4  }
0x164: {  	v1 =	vld.idx.msk [tilespmem:v1+s15+$0x0], $0xffff;
	_ =	sdelay $0x4  }
0x165: {  	[tilespmem:s22+$0xFFFFFE40] =	vst v1  }
0x166: {  	v1 =	vld [tilespmem:s21+$0x2050];
	_ =	sdelay $0x4  }
0x167: {  	v1 =	vadd.s32 s23, v1;
	_ =	sdelay $0x4  }
0x168: {  	v1 =	vld.idx.msk [tilespmem:v1+s15+$0x0], $0xffff;
	_ =	sdelay $0x4  }
0x169: {  	[tilespmem:s22+$0xFFFFFE50] =	vst v1  }
0x16a: {  	v1 =	vld [tilespmem:s21+$0x2060];
	_ =	sdelay $0x4  }
0x16b: {  	v1 =	vadd.s32 s23, v1;
	_ =	sdelay $0x4  }
0x16c: {  	v1 =	vld.idx.msk [tilespmem:v1+s15+$0x0], $0xffff;
	_ =	sdelay $0x4  }
0x16d: {  	[tilespmem:s22+$0xFFFFFE60] =	vst v1  }
0x16e: {  	v1 =	vld [tilespmem:s21+$0x2070];
	_ =	sdelay $0x4  }
0x16f: {  	v1 =	vadd.s32 s23, v1;
	_ =	sdelay $0x4  }
0x170: {  	v1 =	vld.idx.msk [tilespmem:v1+s15+$0x0], $0xffff;
	_ =	sdelay $0x4  }
0x171: {  	[tilespmem:s22+$0xFFFFFE70] =	vst v1  }
0x172: {  	v1 =	vld [tilespmem:s21+$0x2080];
	_ =	sdelay $0x4  }
0x173: {  	v1 =	vadd.s32 s23, v1;
	_ =	sdelay $0x4  }
0x174: {  	v1 =	vld.idx.msk [tilespmem:v1+s15+$0x0], $0xffff;
	_ =	sdelay $0x4  }
0x175: {  	[tilespmem:s22+$0xFFFFFE80] =	vst v1  }
0x176: {  	v1 =	vld [tilespmem:s21+$0x2090];
	_ =	sdelay $0x4  }
0x177: {  	v1 =	vadd.s32 s23, v1;
	_ =	sdelay $0x4  }
0x178: {  	v1 =	vld.idx.msk [tilespmem:v1+s15+$0x0], $0xffff;
	_ =	sdelay $0x4  }
0x179: {  	[tilespmem:s22+$0xFFFFFE90] =	vst v1  }
0x17a: {  	v1 =	vld [tilespmem:s21+$0x20A0];
	_ =	sdelay $0x4  }
0x17b: {  	v1 =	vadd.s32 s23, v1;
	_ =	sdelay $0x4  }
0x17c: {  	v1 =	vld.idx.msk [tilespmem:v1+s15+$0x0], $0xffff;
	_ =	sdelay $0x4  }
0x17d: {  	[tilespmem:s22+$0xFFFFFEA0] =	vst v1  }
0x17e: {  	v1 =	vld [tilespmem:s21+$0x20B0];
	_ =	sdelay $0x4  }
0x17f: {  	v1 =	vadd.s32 s23, v1;
	_ =	sdelay $0x4  }
0x180: {  	v1 =	vld.idx.msk [tilespmem:v1+s15+$0x0], $0xffff;
	_ =	sdelay $0x4  }
0x181: {  	[tilespmem:s22+$0xFFFFFEB0] =	vst v1  }
0x182: {  	v1 =	vld [tilespmem:s21+$0x20C0];
	_ =	sdelay $0x4  }
0x183: {  	v1 =	vadd.s32 s23, v1;
	_ =	sdelay $0x4  }
0x184: {  	v1 =	vld.idx.msk [tilespmem:v1+s15+$0x0], $0xffff;
	_ =	sdelay $0x4  }
0x185: {  	[tilespmem:s22+$0xFFFFFEC0] =	vst v1  }
0x186: {  	v1 =	vld [tilespmem:s21+$0x20D0];
	_ =	sdelay $0x4  }
0x187: {  	v1 =	vadd.s32 s23, v1;
	_ =	sdelay $0x4  }
0x188: {  	v1 =	vld.idx.msk [tilespmem:v1+s15+$0x0], $0xffff;
	_ =	sdelay $0x4  }
0x189: {  	[tilespmem:s22+$0xFFFFFED0] =	vst v1  }
0x18a: {  	v1 =	vld [tilespmem:s21+$0x20E0];
	_ =	sdelay $0x4  }
0x18b: {  	v1 =	vadd.s32 s23, v1;
	_ =	sdelay $0x4  }
0x18c: {  	v1 =	vld.idx.msk [tilespmem:v1+s15+$0x0], $0xffff;
	_ =	sdelay $0x4  }
0x18d: {  	[tilespmem:s22+$0xFFFFFEE0] =	vst v1  }
0x18e: {  	v1 =	vld [tilespmem:s21+$0x20F0];
	_ =	sdelay $0x4  }
0x18f: {  	v1 =	vadd.s32 s23, v1;
	_ =	sdelay $0x4  }
0x190: {  	v1 =	vld.idx.msk [tilespmem:v1+s15+$0x0], $0xffff;
	_ =	sdelay $0x4  }
0x191: {  	[tilespmem:s22+$0xFFFFFEF0] =	vst v1  }
0x192: {  	v1 =	vld [tilespmem:s21+$0x2100];
	_ =	sdelay $0x4  }
0x193: {  	v1 =	vadd.s32 s23, v1;
	_ =	sdelay $0x4  }
0x194: {  	v1 =	vld.idx.msk [tilespmem:v1+s15+$0x0], $0xffff;
	_ =	sdelay $0x4  }
0x195: {  	[tilespmem:s22+$0xFFFFFF00] =	vst v1  }
0x196: {  	v1 =	vld [tilespmem:s21+$0x2110];
	_ =	sdelay $0x4  }
0x197: {  	v1 =	vadd.s32 s23, v1;
	_ =	sdelay $0x4  }
0x198: {  	v1 =	vld.idx.msk [tilespmem:v1+s15+$0x0], $0xffff;
	_ =	sdelay $0x4  }
0x199: {  	[tilespmem:s22+$0xFFFFFF10] =	vst v1  }
0x19a: {  	v1 =	vld [tilespmem:s21+$0x2120];
	_ =	sdelay $0x4  }
0x19b: {  	v1 =	vadd.s32 s23, v1;
	_ =	sdelay $0x4  }
0x19c: {  	v1 =	vld.idx.msk [tilespmem:v1+s15+$0x0], $0xffff;
	_ =	sdelay $0x4  }
0x19d: {  	[tilespmem:s22+$0xFFFFFF20] =	vst v1  }
0x19e: {  	v1 =	vld [tilespmem:s21+$0x2130];
	_ =	sdelay $0x4  }
0x19f: {  	v1 =	vadd.s32 s23, v1;
	_ =	sdelay $0x4  }
0x1a0: {  	v1 =	vld.idx.msk [tilespmem:v1+s15+$0x0], $0xffff;
	_ =	sdelay $0x4  }
0x1a1: {  	[tilespmem:s22+$0xFFFFFF30] =	vst v1  }
0x1a2: {  	v1 =	vld [tilespmem:s21+$0x2140];
	_ =	sdelay $0x4  }
0x1a3: {  	v1 =	vadd.s32 s23, v1;
	_ =	sdelay $0x4  }
0x1a4: {  	v1 =	vld.idx.msk [tilespmem:v1+s15+$0x0], $0xffff;
	_ =	sdelay $0x4  }
0x1a5: {  	[tilespmem:s22+$0xFFFFFF40] =	vst v1  }
0x1a6: {  	v1 =	vld [tilespmem:s21+$0x2150];
	_ =	sdelay $0x4  }
0x1a7: {  	v1 =	vadd.s32 s23, v1;
	_ =	sdelay $0x4  }
0x1a8: {  	v1 =	vld.idx.msk [tilespmem:v1+s15+$0x0], $0xffff;
	_ =	sdelay $0x4  }
0x1a9: {  	[tilespmem:s22+$0xFFFFFF50] =	vst v1  }
0x1aa: {  	v1 =	vld [tilespmem:s21+$0x2160];
	_ =	sdelay $0x4  }
0x1ab: {  	v1 =	vadd.s32 s23, v1;
	_ =	sdelay $0x4  }
0x1ac: {  	v1 =	vld.idx.msk [tilespmem:v1+s15+$0x0], $0xffff;
	_ =	sdelay $0x4  }
0x1ad: {  	[tilespmem:s22+$0xFFFFFF60] =	vst v1  }
0x1ae: {  	v1 =	vld [tilespmem:s21+$0x2170];
	_ =	sdelay $0x4  }
0x1af: {  	v1 =	vadd.s32 s23, v1;
	_ =	sdelay $0x4  }
0x1b0: {  	v1 =	vld.idx.msk [tilespmem:v1+s15+$0x0], $0xffff;
	_ =	sdelay $0x4  }
0x1b1: {  	[tilespmem:s22+$0xFFFFFF70] =	vst v1  }
0x1b2: {  	v1 =	vld [tilespmem:s21+$0x2180];
	_ =	sdelay $0x4  }
0x1b3: {  	v1 =	vadd.s32 s23, v1;
	_ =	sdelay $0x4  }
0x1b4: {  	v1 =	vld.idx.msk [tilespmem:v1+s15+$0x0], $0xffff;
	_ =	sdelay $0x4  }
0x1b5: {  	[tilespmem:s22+$0xFFFFFF80] =	vst v1  }
0x1b6: {  	v1 =	vld [tilespmem:s21+$0x2190];
	_ =	sdelay $0x4  }
0x1b7: {  	v1 =	vadd.s32 s23, v1;
	_ =	sdelay $0x4  }
0x1b8: {  	v1 =	vld.idx.msk [tilespmem:v1+s15+$0x0], $0xffff;
	_ =	sdelay $0x4  }
0x1b9: {  	[tilespmem:s22+$0xFFFFFF90] =	vst v1  }
0x1ba: {  	v1 =	vld [tilespmem:s21+$0x21A0];
	_ =	sdelay $0x4  }
0x1bb: {  	v1 =	vadd.s32 s23, v1;
	_ =	sdelay $0x4  }
0x1bc: {  	v1 =	vld.idx.msk [tilespmem:v1+s15+$0x0], $0xffff;
	_ =	sdelay $0x4  }
0x1bd: {  	[tilespmem:s22+$0xFFFFFFA0] =	vst v1  }
0x1be: {  	v1 =	vld [tilespmem:s21+$0x21B0];
	_ =	sdelay $0x4  }
0x1bf: {  	v1 =	vadd.s32 s23, v1;
	_ =	sdelay $0x4  }
0x1c0: {  	v1 =	vld.idx.msk [tilespmem:v1+s15+$0x0], $0xffff;
	_ =	sdelay $0x4  }
0x1c1: {  	[tilespmem:s22+$0xFFFFFFB0] =	vst v1  }
0x1c2: {  	v1 =	vld [tilespmem:s21+$0x21C0];
	_ =	sdelay $0x4  }
0x1c3: {  	v1 =	vadd.s32 s23, v1;
	_ =	sdelay $0x4  }
0x1c4: {  	v1 =	vld.idx.msk [tilespmem:v1+s15+$0x0], $0xffff;
	_ =	sdelay $0x4  }
0x1c5: {  	[tilespmem:s22+$0xFFFFFFC0] =	vst v1  }
0x1c6: {  	v1 =	vld [tilespmem:s21+$0x21D0];
	_ =	sdelay $0x4  }
0x1c7: {  	v1 =	vadd.s32 s23, v1;
	_ =	sdelay $0x4  }
0x1c8: {  	v1 =	vld.idx.msk [tilespmem:v1+s15+$0x0], $0xffff;
	_ =	sdelay $0x4  }
0x1c9: {  	[tilespmem:s22+$0xFFFFFFD0] =	vst v1  }
0x1ca: {  	v1 =	vld [tilespmem:s21+$0x21E0];
	_ =	sdelay $0x4  }
0x1cb: {  	v1 =	vadd.s32 s23, v1;
	_ =	sdelay $0x4  }
0x1cc: {  	v1 =	vld.idx.msk [tilespmem:v1+s15+$0x0], $0xffff;
	_ =	sdelay $0x4  }
0x1cd: {  	[tilespmem:s22+$0xFFFFFFE0] =	vst v1  }
0x1ce: {  	v1 =	vld [tilespmem:s21+$0x21F0];
	_ =	sdelay $0x4  }
0x1cf: {  	v1 =	vadd.s32 s23, v1;
	_ =	sdelay $0x4  }
0x1d0: {  	v1 =	vld.idx.msk [tilespmem:v1+s15+$0x0], $0xffff;
	_ =	sdelay $0x4  }
0x1d1: {  	[tilespmem:s22+$0xFFFFFFF0] =	vst v1  }
0x1d2: {  	v1 =	vld [tilespmem:s21+$0x2200];
	_ =	sdelay $0x4  }
0x1d3: {  	v1 =	vadd.s32 s23, v1;
	_ =	sdelay $0x4  }
0x1d4: {  	v1 =	vld.idx.msk [tilespmem:v1+s15+$0x0], $0xffff;
	_ =	sdelay $0x4  }
0x1d5: {  	[tilespmem:s22+$0x0] =	vst v1  }
0x1d6: {  	v1 =	vld [tilespmem:s21+$0x2210];
	_ =	sdelay $0x4  }
0x1d7: {  	v1 =	vadd.s32 s23, v1;
	_ =	sdelay $0x4  }
0x1d8: {  	v1 =	vld.idx.msk [tilespmem:v1+s15+$0x0], $0xffff;
	_ =	sdelay $0x4  }
0x1d9: {  	[tilespmem:s22+$0x10] =	vst v1  }
0x1da: {  	v1 =	vld [tilespmem:s21+$0x2220];
	_ =	sdelay $0x4  }
0x1db: {  	v1 =	vadd.s32 s23, v1;
	_ =	sdelay $0x4  }
0x1dc: {  	v1 =	vld.idx.msk [tilespmem:v1+s15+$0x0], $0xffff;
	_ =	sdelay $0x4  }
0x1dd: {  	[tilespmem:s22+$0x20] =	vst v1  }
0x1de: {  	v1 =	vld [tilespmem:s21+$0x2230];
	_ =	sdelay $0x4  }
0x1df: {  	v1 =	vadd.s32 s23, v1;
	_ =	sdelay $0x4  }
0x1e0: {  	v1 =	vld.idx.msk [tilespmem:v1+s15+$0x0], $0xffff;
	_ =	sdelay $0x4  }
0x1e1: {  	[tilespmem:s22+$0x30] =	vst v1  }
0x1e2: {  	v1 =	vld [tilespmem:s21+$0x2240];
	_ =	sdelay $0x4  }
0x1e3: {  	v1 =	vadd.s32 s23, v1;
	_ =	sdelay $0x4  }
0x1e4: {  	v1 =	vld.idx.msk [tilespmem:v1+s15+$0x0], $0xffff;
	_ =	sdelay $0x4  }
0x1e5: {  	[tilespmem:s22+$0x40] =	vst v1  }
0x1e6: {  	v1 =	vld [tilespmem:s21+$0x2250];
	_ =	sdelay $0x4  }
0x1e7: {  	v1 =	vadd.s32 s23, v1;
	_ =	sdelay $0x4  }
0x1e8: {  	v1 =	vld.idx.msk [tilespmem:v1+s15+$0x0], $0xffff;
	_ =	sdelay $0x4  }
0x1e9: {  	[tilespmem:s22+$0x50] =	vst v1  }
0x1ea: {  	v1 =	vld [tilespmem:s21+$0x2260];
	_ =	sdelay $0x4  }
0x1eb: {  	v1 =	vadd.s32 s23, v1;
	_ =	sdelay $0x4  }
0x1ec: {  	v1 =	vld.idx.msk [tilespmem:v1+s15+$0x0], $0xffff;
	_ =	sdelay $0x4  }
0x1ed: {  	[tilespmem:s22+$0x60] =	vst v1  }
0x1ee: {  	v1 =	vld [tilespmem:s21+$0x2270];
	_ =	sdelay $0x4  }
0x1ef: {  	v1 =	vadd.s32 s23, v1;
	_ =	sdelay $0x4  }
0x1f0: {  	v1 =	vld.idx.msk [tilespmem:v1+s15+$0x0], $0xffff;
	_ =	sdelay $0x4  }
0x1f1: {  	[tilespmem:s22+$0x70] =	vst v1  }
0x1f2: {  	v1 =	vld [tilespmem:s21+$0x2280];
	_ =	sdelay $0x4  }
0x1f3: {  	v1 =	vadd.s32 s23, v1;
	_ =	sdelay $0x4  }
0x1f4: {  	v1 =	vld.idx.msk [tilespmem:v1+s15+$0x0], $0xffff;
	_ =	sdelay $0x4  }
0x1f5: {  	[tilespmem:s22+$0x80] =	vst v1  }
0x1f6: {  	v1 =	vld [tilespmem:s21+$0x2290];
	_ =	sdelay $0x4  }
0x1f7: {  	v1 =	vadd.s32 s23, v1;
	_ =	sdelay $0x4  }
0x1f8: {  	v1 =	vld.idx.msk [tilespmem:v1+s15+$0x0], $0xffff;
	_ =	sdelay $0x4  }
0x1f9: {  	[tilespmem:s22+$0x90] =	vst v1  }
0x1fa: {  	v1 =	vld [tilespmem:s21+$0x22A0];
	_ =	sdelay $0x4  }
0x1fb: {  	v1 =	vadd.s32 s23, v1;
	_ =	sdelay $0x4  }
0x1fc: {  	v1 =	vld.idx.msk [tilespmem:v1+s15+$0x0], $0xffff;
	_ =	sdelay $0x4  }
0x1fd: {  	[tilespmem:s22+$0xA0] =	vst v1  }
0x1fe: {  	v1 =	vld [tilespmem:s21+$0x22B0];
	_ =	sdelay $0x4  }
0x1ff: {  	v1 =	vadd.s32 s23, v1;
	_ =	sdelay $0x4  }
0x200: {  	v1 =	vld.idx.msk [tilespmem:v1+s15+$0x0], $0xffff;
	_ =	sdelay $0x4  }
0x201: {  	[tilespmem:s22+$0xB0] =	vst v1  }
0x202: {  	v1 =	vld [tilespmem:s21+$0x22C0];
	_ =	sdelay $0x4  }
0x203: {  	v1 =	vadd.s32 s23, v1;
	_ =	sdelay $0x4  }
0x204: {  	v1 =	vld.idx.msk [tilespmem:v1+s15+$0x0], $0xffff;
	_ =	sdelay $0x4  }
0x205: {  	[tilespmem:s22+$0xC0] =	vst v1  }
0x206: {  	v1 =	vld [tilespmem:s21+$0x22D0];
	_ =	sdelay $0x4  }
0x207: {  	v1 =	vadd.s32 s23, v1;
	_ =	sdelay $0x4  }
0x208: {  	v1 =	vld.idx.msk [tilespmem:v1+s15+$0x0], $0xffff;
	_ =	sdelay $0x4  }
0x209: {  	[tilespmem:s22+$0xD0] =	vst v1  }
0x20a: {  	v1 =	vld [tilespmem:s21+$0x22E0];
	_ =	sdelay $0x4  }
0x20b: {  	v1 =	vadd.s32 s23, v1;
	_ =	sdelay $0x4  }
0x20c: {  	v1 =	vld.idx.msk [tilespmem:v1+s15+$0x0], $0xffff;
	_ =	sdelay $0x4  }
0x20d: {  	[tilespmem:s22+$0xE0] =	vst v1  }
0x20e: {  	v1 =	vld [tilespmem:s21+$0x22F0];
	_ =	sdelay $0x4  }
0x20f: {  	v1 =	vadd.s32 s23, v1;
	_ =	sdelay $0x4  }
0x210: {  	v1 =	vld.idx.msk [tilespmem:v1+s15+$0x0], $0xffff;
	_ =	sdelay $0x4  }
0x211: {  	[tilespmem:s22+$0xF0] =	vst v1  }
0x212: {  	v1 =	vld [tilespmem:s21+$0x2300];
	_ =	sdelay $0x4  }
0x213: {  	v1 =	vadd.s32 s23, v1;
	_ =	sdelay $0x4  }
0x214: {  	v1 =	vld.idx.msk [tilespmem:v1+s15+$0x0], $0xffff;
	_ =	sdelay $0x4  }
0x215: {  	[tilespmem:s22+$0x100] =	vst v1  }
0x216: {  	v1 =	vld [tilespmem:s21+$0x2310];
	_ =	sdelay $0x4  }
0x217: {  	v1 =	vadd.s32 s23, v1;
	_ =	sdelay $0x4  }
0x218: {  	v1 =	vld.idx.msk [tilespmem:v1+s15+$0x0], $0xffff;
	_ =	sdelay $0x4  }
0x219: {  	[tilespmem:s22+$0x110] =	vst v1  }
0x21a: {  	v1 =	vld [tilespmem:s21+$0x2320];
	_ =	sdelay $0x4  }
0x21b: {  	v1 =	vadd.s32 s23, v1;
	_ =	sdelay $0x4  }
0x21c: {  	v1 =	vld.idx.msk [tilespmem:v1+s15+$0x0], $0xffff;
	_ =	sdelay $0x4  }
0x21d: {  	[tilespmem:s22+$0x120] =	vst v1  }
0x21e: {  	v1 =	vld [tilespmem:s21+$0x2330];
	_ =	sdelay $0x4  }
0x21f: {  	v1 =	vadd.s32 s23, v1;
	_ =	sdelay $0x4  }
0x220: {  	v1 =	vld.idx.msk [tilespmem:v1+s15+$0x0], $0xffff;
	_ =	sdelay $0x4  }
0x221: {  	[tilespmem:s22+$0x130] =	vst v1  }
0x222: {  	v1 =	vld [tilespmem:s21+$0x2340];
	_ =	sdelay $0x4  }
0x223: {  	v1 =	vadd.s32 s23, v1;
	_ =	sdelay $0x4  }
0x224: {  	v1 =	vld.idx.msk [tilespmem:v1+s15+$0x0], $0xffff;
	_ =	sdelay $0x4  }
0x225: {  	[tilespmem:s22+$0x140] =	vst v1  }
0x226: {  	v1 =	vld [tilespmem:s21+$0x2350];
	_ =	sdelay $0x4  }
0x227: {  	v1 =	vadd.s32 s23, v1;
	_ =	sdelay $0x4  }
0x228: {  	v1 =	vld.idx.msk [tilespmem:v1+s15+$0x0], $0xffff;
	_ =	sdelay $0x4  }
0x229: {  	[tilespmem:s22+$0x150] =	vst v1  }
0x22a: {  	v1 =	vld [tilespmem:s21+$0x2360];
	_ =	sdelay $0x4  }
0x22b: {  	v1 =	vadd.s32 s23, v1;
	_ =	sdelay $0x4  }
0x22c: {  	v1 =	vld.idx.msk [tilespmem:v1+s15+$0x0], $0xffff;
	_ =	sdelay $0x4  }
0x22d: {  	[tilespmem:s22+$0x160] =	vst v1  }
0x22e: {  	v1 =	vld [tilespmem:s21+$0x2370];
	_ =	sdelay $0x4  }
0x22f: {  	v1 =	vadd.s32 s23, v1;
	_ =	sdelay $0x4  }
0x230: {  	v1 =	vld.idx.msk [tilespmem:v1+s15+$0x0], $0xffff;
	_ =	sdelay $0x4  }
0x231: {  	[tilespmem:s22+$0x170] =	vst v1  }
0x232: {  	v1 =	vld [tilespmem:s21+$0x2380];
	_ =	sdelay $0x4  }
0x233: {  	v1 =	vadd.s32 s23, v1;
	_ =	sdelay $0x4  }
0x234: {  	v1 =	vld.idx.msk [tilespmem:v1+s15+$0x0], $0xffff;
	_ =	sdelay $0x4  }
0x235: {  	[tilespmem:s22+$0x180] =	vst v1  }
0x236: {  	v1 =	vld [tilespmem:s21+$0x2390];
	_ =	sdelay $0x4  }
0x237: {  	v1 =	vadd.s32 s23, v1;
	_ =	sdelay $0x4  }
0x238: {  	v1 =	vld.idx.msk [tilespmem:v1+s15+$0x0], $0xffff;
	_ =	sdelay $0x4  }
0x239: {  	[tilespmem:s22+$0x190] =	vst v1  }
0x23a: {  	v1 =	vld [tilespmem:s21+$0x23A0];
	_ =	sdelay $0x4  }
0x23b: {  	v1 =	vadd.s32 s23, v1;
	_ =	sdelay $0x4  }
0x23c: {  	v1 =	vld.idx.msk [tilespmem:v1+s15+$0x0], $0xffff;
	_ =	sdelay $0x4  }
0x23d: {  	[tilespmem:s22+$0x1A0] =	vst v1  }
0x23e: {  	v1 =	vld [tilespmem:s21+$0x23B0];
	_ =	sdelay $0x4  }
0x23f: {  	v1 =	vadd.s32 s23, v1;
	_ =	sdelay $0x4  }
0x240: {  	v1 =	vld.idx.msk [tilespmem:v1+s15+$0x0], $0xffff;
	_ =	sdelay $0x4  }
0x241: {  	[tilespmem:s22+$0x1B0] =	vst v1  }
0x242: {  	v1 =	vld [tilespmem:s21+$0x23C0];
	_ =	sdelay $0x4  }
0x243: {  	v1 =	vadd.s32 s23, v1;
	_ =	sdelay $0x4  }
0x244: {  	v1 =	vld.idx.msk [tilespmem:v1+s15+$0x0], $0xffff;
	_ =	sdelay $0x4  }
0x245: {  	[tilespmem:s22+$0x1C0] =	vst v1  }
0x246: {  	v1 =	vld [tilespmem:s21+$0x23D0];
	_ =	sdelay $0x4  }
0x247: {  	v1 =	vadd.s32 s23, v1;
	_ =	sdelay $0x4  }
0x248: {  	v1 =	vld.idx.msk [tilespmem:v1+s15+$0x0], $0xffff;
	_ =	sdelay $0x4  }
0x249: {  	[tilespmem:s22+$0x1D0] =	vst v1  }
0x24a: {  	v1 =	vld [tilespmem:s21+$0x23E0];
	_ =	sdelay $0x4  }
0x24b: {  	v1 =	vadd.s32 s23, v1;
	_ =	sdelay $0x4  }
0x24c: {  	v1 =	vld.idx.msk [tilespmem:v1+s15+$0x0], $0xffff;
	_ =	sdelay $0x4  }
0x24d: {  	[tilespmem:s22+$0x1E0] =	vst v1  }
0x24e: {  	v1 =	vld [tilespmem:s21+$0x23F0];
	_ =	sdelay $0x4  }
0x24f: {  	v1 =	vadd.s32 s23, v1;
	_ =	sdelay $0x4  }
0x250: {  	p0 =	sne.s32 s23, $0x3800;
	v1 =	vld.idx.msk [tilespmem:v1+s15+$0x0], $0xffff  }
.Ltmp3:
0x251: {  	_ = 	snop;
	(pc) =	sbr.rel @p0 .LBB2_8-.Ltmp3, $2  }
0x252: {  	_ =	sdelay $0x2  }
0x253: {  	s23 =	sadd.s32 $0x800, s23;
	[tilespmem:s22+$0x1F0] =	vst v1;
	s22 =	sadd.s32 $0x400, s22  }
0x254: {  	s18 =	sshll.u32 s18, $0xA  }
0x255: {  	s19 =	sadd.s32 $0x1, s19;
	s18 =	sand.u32 $0xFFFE000, s18  }
0x256: {  	p0 =	sne.s32 s19, $0x6;
	s18 =	sadd.s32 s18, s9  }
.Ltmp4:
0x257: {  	s18 =	sadd.s32 s20, s18;
	(pc) =	sbr.rel @p0 .LBB2_7-.Ltmp4, $4  }
0x258: {  	[hbm4b:s18+s13] =	stream.strided.scatter [tilespmem:s16], [sflag:$0x1], $0x2000, s14, s13, $0x38;
	[tilespmem:$0x8800] =	vst v63  }
0x259: {  	_ =	swait.ge [sflag:s11], $0x2000  }
0x25a: {  	[sflag:s11] =	ssyncset.done $0x0  }
0x25b: {  	[sflag:s11] =	ssyncadd.s32 $0xFFFFE000  }
0x25c: {  	s17 =	sadd.s32 $0x1, s17  }
0x25d: {  	p0 =	sne.s32 s17, s10  }
.Ltmp5:
0x25e: {  	_ = 	snop;
	(pc) =	sbr.rel @p0 .LBB2_1-.Ltmp5, $1  }
0x25f: {  	_ =	sdelay $0x3  }
0x260: {  	_ =	sfence.sel $0x180000  }
0x261: {  	[bflag:$0x0] =	sbarrier.arrive $0xFFFF  }
0x262: {  	p0 =	sne.s32 s4, $0x0;
	_ =	strace $0x90000047  }
0x263: {  	s0 =	sadd.s32 @!p0 $0x100000, s0;
	[bflag:$0x2] =	sbarrier.arrive $0xFFFF  }
0x264: {  	[sflag:s0] =	ssyncadd.tile.s32 @!p0 $0x1;
	_ =	shalt  }
.Lfunc_end2:
_tile_overlayer_lowered:
.L_overlay_start_2:
0x265: {  	(tag) =	ssettag $0x2  }
0x266: {  	s0 =	rddreg [dreg:$0x0];
	s2 =	stileid.u32  }
0x267: {  	s1 =	rddreg [dreg:$0x1];
	p0 =	sne.s32 s2, $0x0  }
0x268: {  	s3 =	rddreg [dreg:$0x2];
	[bflag:$0x3] =	sbarrier.arrive $0xFFFF;
	s2 =	simm.s32 @!p0 $0x1C01  }
0x269: {  	[timem:s3], [sflag:s2] =	dma.local @!p0 [hbm:s0], s1  }
0x26a: {  	s0 =	simm.s32 @!p0 $0x1  }
0x26b: {  	_ =	swait.ge @!p0 [sflag:s0], s1  }
0x26c: {  	s1 =	ssub.s32 @!p0 $0x0, s1;
	[sflag:s0] =	ssyncset.done @!p0 $0x0  }
0x26d: {  	[sflag:s0] =	ssyncadd.s32 @!p0 s1  }
0x26e: {  	[bflag:$0x3] =	sbarrier.arrive $0xFFFF  }
0x26f: {  	_ =	shalt  }

</sc_bundles>
